<compile_context>
chip_gen: v7x
topology: tpu7x:2x2x1
jax: 0.10.2.dev20260603
libtpu: 0.0.44.dev20260713+nightly
codegen_flags: <defaults>
</compile_context>

<pallas_src>
import functools

import jax
import jax.numpy as jnp
from jax import lax
from jax.experimental import pallas as pl
from jax.experimental.pallas import tpu as pltpu
from jax.experimental.pallas import tpu_sc as plsc

_B = 2
_N = 2048
_C = 128
_L = 16
_G = _C // _L
_R = 256
_NBLK = _N // _R
_NBUF = 3
_U = 1

_mesh = plsc.VectorSubcoreMesh(core_axis_name="c", subcore_axis_name="s")


@functools.partial(
    pl.kernel,
    out_type=jax.ShapeDtypeStruct((_B, _N, _N), jnp.float32),
    mesh=_mesh,
    scratch_types=[
        pltpu.VMEM((_NBUF, _R, _C), jnp.float32),
        pltpu.SemaphoreType.DMA((_NBUF,)),
        pltpu.SemaphoreType.DMA((_NBUF,)),
    ],
)
def _sc_suffix_sum(x_hbm, o_hbm, buf, in_sems, out_sems):
    wid = lax.axis_index("s") * 2 + lax.axis_index("c")
    b = wid // (_N // _C)
    c0 = (wid % (_N // _C)) * _C

    def start_in(blk, s):
        r0 = _N - (blk + 1) * _R
        return pltpu.async_copy(
            x_hbm.at[b, pl.ds(r0, _R), pl.ds(c0, _C)], buf.at[s], in_sems.at[s]
        )

    def start_out(blk, s):
        r0 = _N - (blk + 1) * _R
        return pltpu.async_copy(
            buf.at[s], o_hbm.at[b, pl.ds(r0, _R), pl.ds(c0, _C)], out_sems.at[s]
        )

    copies_in = {0: start_in(0, 0)}
    copies_out = {}
    carries = tuple(jnp.zeros((_L,), jnp.float32) for _ in range(_G))
    for blk in range(_NBLK):
        s = blk % _NBUF
        copies_in[blk].wait()
        if blk + 1 < _NBLK:
            sn = (blk + 1) % _NBUF
            if blk + 1 - _NBUF >= 0:
                copies_out[blk + 1 - _NBUF].wait()
            copies_in[blk + 1] = start_in(blk + 1, sn)

        def row_body(t, carry):
            base = _R - (t + 1) * _U
            cur = list(carry)
            for u in reversed(range(_U)):
                i = base + u
                for g in range(_G):
                    v = buf[s, i, pl.ds(g * _L, _L)] + cur[g]
                    buf[s, i, pl.ds(g * _L, _L)] = v
                    cur[g] = v
            return tuple(cur)

        carries = lax.fori_loop(0, _R // _U, row_body, carries)
        copies_out[blk] = start_out(blk, s)

    for blk in range(max(0, _NBLK - _NBUF), _NBLK):
        copies_out[blk].wait()


def kernel(x):
    return _sc_suffix_sum(x)

# --- scband reference (transcript-rebuilt; emitter-appended) ---
"""Pipeline reference for scband-model-new-73315091744908 (READ-ONLY COPY).

The authoritative reference and input builder live on the scoring server;
editing this copy changes nothing except your own understanding.
"""

import jax, jax.numpy as jnp
import numpy as np

DIM = 1

def setup_inputs(seed: int = 0) -> dict:
    key = jax.random.key(seed)
    x = jax.random.normal(key, (2, 2048, 2048), dtype=jnp.float32)
    return {"x": x}

def reference(x):
    # Reverse (suffix) cumulative sum along DIM:
    # equivalent to cumsum over the flipped axis, then flip back.
    return jnp.flip(jnp.cumsum(jnp.flip(x, axis=DIM), axis=DIM), axis=DIM)

if __name__ == "__main__":
    import jax
    _d = setup_inputs()
    print(jax.jit(kernel)(*tuple(_d.values())))

</pallas_src>

<mosaic_0001>
#map = affine_map<(d0, d1) -> (0, 0, 0)>
module attributes {stable_mosaic.version = 14 : i64} {
  func.func @_sc_suffix_sum(%arg0: i32, %arg1: i32, %arg2: memref<2x2048x2048xf32, #tpu.memory_space<hbm>>, %arg3: memref<2x2048x2048xf32, #tpu.memory_space<hbm>>, %arg4: memref<3x256x128xf32, #tpu.memory_space<vmem>>, %arg5: memref<3x!tpu.dma_semaphore, #tpu.memory_space<semaphore_mem>>, %arg6: memref<3x!tpu.dma_semaphore, #tpu.memory_space<semaphore_mem>>) attributes {dimension_semantics = [#tpu.dimension_semantics<core_parallel>, #tpu.dimension_semantics<subcore_parallel>], iteration_bounds = array<i64: 2, 16>, scalar_prefetch = 0 : i64, scratch_operands = 3 : i64, tpu.core_type = #tpu.core_type<sc_vector_subcore>, window_params = [{transform_indices = #map}, {transform_indices = #map}]} {
    %mul3A = arith.constant 2 : i32
    %mul3A_0 = arith.muli %arg1, %mul3A : i32
    %add3A = arith.addi %mul3A_0, %arg0 : i32
    %jit3A = arith.constant 16 : i32
    %div3A = arith.divsi %add3A, %jit3A : i32
    %sign3A = arith.constant 0 : i32
    %sign3A_1 = arith.cmpi sgt, %add3A, %sign3A : i32
    %sign3A_2 = arith.extui %sign3A_1 : i1 to i32
    %sign3A_3 = arith.constant 0 : i32
    %sign3A_4 = arith.cmpi slt, %add3A, %sign3A_3 : i32
    %sign3A_5 = arith.extui %sign3A_4 : i1 to i32
    %sign3A_6 = arith.subi %sign3A_2, %sign3A_5 : i32
    %sign3A_7 = arith.constant 0 : i32
    %sign3A_8 = arith.cmpi sgt, %jit3A, %sign3A_7 : i32
    %sign3A_9 = arith.extui %sign3A_8 : i1 to i32
    %sign3A_10 = arith.constant 0 : i32
    %sign3A_11 = arith.cmpi slt, %jit3A, %sign3A_10 : i32
    %sign3A_12 = arith.extui %sign3A_11 : i1 to i32
    %sign3A_13 = arith.subi %sign3A_9, %sign3A_12 : i32
    %ne3A = arith.cmpi ne, %sign3A_6, %sign3A_13 : i32
    %rem3A = arith.remsi %add3A, %jit3A : i32
    %ne3A_14 = arith.constant 0 : i32
    %ne3A_15 = arith.cmpi ne, %rem3A, %ne3A_14 : i32
    %and3A = arith.andi %ne3A, %ne3A_15 : i1
    %sub3A = arith.constant 1 : i32
    %sub3A_16 = arith.subi %div3A, %sub3A : i32
    %select_n3A = arith.select %and3A, %sub3A_16, %div3A : i32
    %jit3A_17 = arith.constant 16 : i32
    %eq3A = arith.constant 0 : i32
    %eq3A_18 = arith.cmpi eq, %jit3A_17, %eq3A : i32
    %jit3A_19 = arith.constant 1 : i32
    %select_n3A_20 = arith.select %eq3A_18, %jit3A_19, %jit3A_17 : i32
    %rem3A_21 = arith.remsi %add3A, %select_n3A_20 : i32
    %ne3A_22 = arith.constant 0 : i32
    %ne3A_23 = arith.cmpi ne, %rem3A_21, %ne3A_22 : i32
    %lt3A = arith.constant 0 : i32
    %lt3A_24 = arith.cmpi slt, %rem3A_21, %lt3A : i32
    %lt3A_25 = arith.constant 0 : i32
    %lt3A_26 = arith.cmpi slt, %select_n3A_20, %lt3A_25 : i32
    %ne3A_27 = arith.xori %lt3A_24, %lt3A_26 : i1
    %and3A_28 = arith.andi %ne3A_27, %ne3A_23 : i1
    %add3A_29 = arith.addi %rem3A_21, %select_n3A_20 : i32
    %select_n3A_30 = arith.select %and3A_28, %add3A_29, %rem3A_21 : i32
    %mul3A_31 = arith.constant 128 : i32
    %mul3A_32 = arith.muli %select_n3A_30, %mul3A_31 : i32
    %dma_start3A = arith.constant 0 : i32
    %dma_start3A_33 = arith.constant 0 : i32
    %dma_start3A_34 = arith.constant 0 : i32
    %dma_start3A_35 = arith.constant 0 : i32
    %dma_start3A_36 = tpu.memref_slice %arg4[%dma_start3A, %dma_start3A_34, %dma_start3A_35] : memref<3x256x128xf32, #tpu.memory_space<vmem>> -> memref<1x256x128xf32, #tpu.memory_space<vmem>>
    %dma_start3A_37 = tpu.memref_squeeze %dma_start3A_36 : memref<1x256x128xf32, #tpu.memory_space<vmem>> -> memref<256x128xf32, #tpu.memory_space<vmem>>
    %dma_start3A_38 = arith.constant 1792 : i32
    %dma_start3A_39 = tpu.memref_slice %arg2[%select_n3A, %dma_start3A_38, %mul3A_32] : memref<2x2048x2048xf32, #tpu.memory_space<hbm>> -> memref<1x256x128xf32, #tpu.memory_space<hbm>>
    %dma_start3A_40 = tpu.memref_squeeze %dma_start3A_39 : memref<1x256x128xf32, #tpu.memory_space<hbm>> -> memref<256x128xf32, #tpu.memory_space<hbm>>
    %dma_start3A_41 = tpu.memref_slice %arg5[%dma_start3A_33] : memref<3x!tpu.dma_semaphore, #tpu.memory_space<semaphore_mem>> -> memref<1x!tpu.dma_semaphore, #tpu.memory_space<semaphore_mem>>
    %dma_start3A_42 = tpu.memref_squeeze %dma_start3A_41 : memref<1x!tpu.dma_semaphore, #tpu.memory_space<semaphore_mem>> -> memref<!tpu.dma_semaphore, #tpu.memory_space<semaphore_mem>>
    %dma_start3A_43 = arith.constant 0 : i32
    %dma_start3A_44 = arith.constant 0 : i32
    %dma_start3A_45 = tpu.memref_slice %arg4[%dma_start3A, %dma_start3A_43, %dma_start3A_44] : memref<3x256x128xf32, #tpu.memory_space<vmem>> -> memref<1x256x128xf32, #tpu.memory_space<vmem>>
    %dma_start3A_46 = tpu.memref_squeeze %dma_start3A_45 : memref<1x256x128xf32, #tpu.memory_space<vmem>> -> memref<256x128xf32, #tpu.memory_space<vmem>>
    %dma_start3A_47 = arith.constant 1792 : i32
    %dma_start3A_48 = tpu.memref_slice %arg2[%select_n3A, %dma_start3A_47, %mul3A_32] : memref<2x2048x2048xf32, #tpu.memory_space<hbm>> -> memref<1x256x128xf32, #tpu.memory_space<hbm>>
    %dma_start3A_49 = tpu.memref_squeeze %dma_start3A_48 : memref<1x256x128xf32, #tpu.memory_space<hbm>> -> memref<256x128xf32, #tpu.memory_space<hbm>>
    tpu.enqueue_dma source(%dma_start3A_49 : memref<256x128xf32, #tpu.memory_space<hbm>>) target(%dma_start3A_46 : memref<256x128xf32, #tpu.memory_space<vmem>>) target_semaphore(%dma_start3A_42 : memref<!tpu.dma_semaphore, #tpu.memory_space<semaphore_mem>>)
    %broadcast_in_dim3A = arith.constant 0.000000e+00 : f32
    %broadcast_in_dim3A_50 = vector.broadcast %broadcast_in_dim3A : f32 to vector<16xf32>
    %broadcast_in_dim3A_51 = arith.constant 0.000000e+00 : f32
    %broadcast_in_dim3A_52 = vector.broadcast %broadcast_in_dim3A_51 : f32 to vector<16xf32>
    %broadcast_in_dim3A_53 = arith.constant 0.000000e+00 : f32
    %broadcast_in_dim3A_54 = vector.broadcast %broadcast_in_dim3A_53 : f32 to vector<16xf32>
    %broadcast_in_dim3A_55 = arith.constant 0.000000e+00 : f32
    %broadcast_in_dim3A_56 = vector.broadcast %broadcast_in_dim3A_55 : f32 to vector<16xf32>
    %broadcast_in_dim3A_57 = arith.constant 0.000000e+00 : f32
    %broadcast_in_dim3A_58 = vector.broadcast %broadcast_in_dim3A_57 : f32 to vector<16xf32>
    %broadcast_in_dim3A_59 = arith.constant 0.000000e+00 : f32
    %broadcast_in_dim3A_60 = vector.broadcast %broadcast_in_dim3A_59 : f32 to vector<16xf32>
    %broadcast_in_dim3A_61 = arith.constant 0.000000e+00 : f32
    %broadcast_in_dim3A_62 = vector.broadcast %broadcast_in_dim3A_61 : f32 to vector<16xf32>
    %broadcast_in_dim3A_63 = arith.constant 0.000000e+00 : f32
    %broadcast_in_dim3A_64 = vector.broadcast %broadcast_in_dim3A_63 : f32 to vector<16xf32>
    %dma_wait3A = arith.constant 0 : i32
    %dma_wait3A_65 = arith.constant 0 : i32
    %dma_wait3A_66 = arith.constant 0 : i32
    %dma_wait3A_67 = arith.constant 0 : i32
    %dma_wait3A_68 = tpu.memref_slice %arg4[%dma_wait3A, %dma_wait3A_66, %dma_wait3A_67] : memref<3x256x128xf32, #tpu.memory_space<vmem>> -> memref<1x256x128xf32, #tpu.memory_space<vmem>>
    %dma_wait3A_69 = tpu.memref_squeeze %dma_wait3A_68 : memref<1x256x128xf32, #tpu.memory_space<vmem>> -> memref<256x128xf32, #tpu.memory_space<vmem>>
    %dma_wait3A_70 = arith.constant 1792 : i32
    %dma_wait3A_71 = tpu.memref_slice %arg2[%select_n3A, %dma_wait3A_70, %mul3A_32] : memref<2x2048x2048xf32, #tpu.memory_space<hbm>> -> memref<1x256x128xf32, #tpu.memory_space<hbm>>
    %dma_wait3A_72 = tpu.memref_squeeze %dma_wait3A_71 : memref<1x256x128xf32, #tpu.memory_space<hbm>> -> memref<256x128xf32, #tpu.memory_space<hbm>>
    %dma_wait3A_73 = tpu.memref_slice %arg5[%dma_wait3A_65] : memref<3x!tpu.dma_semaphore, #tpu.memory_space<semaphore_mem>> -> memref<1x!tpu.dma_semaphore, #tpu.memory_space<semaphore_mem>>
    %dma_wait3A_74 = tpu.memref_squeeze %dma_wait3A_73 : memref<1x!tpu.dma_semaphore, #tpu.memory_space<semaphore_mem>> -> memref<!tpu.dma_semaphore, #tpu.memory_space<semaphore_mem>>
    %dma_wait3A_75 = arith.constant 0 : i32
    %dma_wait3A_76 = arith.constant 0 : i32
    %dma_wait3A_77 = tpu.memref_slice %arg4[%dma_wait3A, %dma_wait3A_75, %dma_wait3A_76] : memref<3x256x128xf32, #tpu.memory_space<vmem>> -> memref<1x256x128xf32, #tpu.memory_space<vmem>>
    %dma_wait3A_78 = tpu.memref_squeeze %dma_wait3A_77 : memref<1x256x128xf32, #tpu.memory_space<vmem>> -> memref<256x128xf32, #tpu.memory_space<vmem>>
    %dma_wait3A_79 = arith.constant 1792 : i32
    %dma_wait3A_80 = tpu.memref_slice %arg2[%select_n3A, %dma_wait3A_79, %mul3A_32] : memref<2x2048x2048xf32, #tpu.memory_space<hbm>> -> memref<1x256x128xf32, #tpu.memory_space<hbm>>
    %dma_wait3A_81 = tpu.memref_squeeze %dma_wait3A_80 : memref<1x256x128xf32, #tpu.memory_space<hbm>> -> memref<256x128xf32, #tpu.memory_space<hbm>>
    tpu.wait_dma2 semaphore(%dma_wait3A_74 : memref<!tpu.dma_semaphore, #tpu.memory_space<semaphore_mem>>) src(%dma_wait3A_81 : memref<256x128xf32, #tpu.memory_space<hbm>>) dst(%dma_wait3A_78 : memref<256x128xf32, #tpu.memory_space<vmem>>)
    %dma_start3A_82 = arith.constant 1 : i32
    %dma_start3A_83 = arith.constant 1 : i32
    %dma_start3A_84 = arith.constant 0 : i32
    %dma_start3A_85 = arith.constant 0 : i32
    %dma_start3A_86 = tpu.memref_slice %arg4[%dma_start3A_82, %dma_start3A_84, %dma_start3A_85] : memref<3x256x128xf32, #tpu.memory_space<vmem>> -> memref<1x256x128xf32, #tpu.memory_space<vmem>>
    %dma_start3A_87 = tpu.memref_squeeze %dma_start3A_86 : memref<1x256x128xf32, #tpu.memory_space<vmem>> -> memref<256x128xf32, #tpu.memory_space<vmem>>
    %dma_start3A_88 = arith.constant 1536 : i32
    %dma_start3A_89 = tpu.memref_slice %arg2[%select_n3A, %dma_start3A_88, %mul3A_32] : memref<2x2048x2048xf32, #tpu.memory_space<hbm>> -> memref<1x256x128xf32, #tpu.memory_space<hbm>>
    %dma_start3A_90 = tpu.memref_squeeze %dma_start3A_89 : memref<1x256x128xf32, #tpu.memory_space<hbm>> -> memref<256x128xf32, #tpu.memory_space<hbm>>
    %dma_start3A_91 = tpu.memref_slice %arg5[%dma_start3A_83] : memref<3x!tpu.dma_semaphore, #tpu.memory_space<semaphore_mem>> -> memref<1x!tpu.dma_semaphore, #tpu.memory_space<semaphore_mem>>
    %dma_start3A_92 = tpu.memref_squeeze %dma_start3A_91 : memref<1x!tpu.dma_semaphore, #tpu.memory_space<semaphore_mem>> -> memref<!tpu.dma_semaphore, #tpu.memory_space<semaphore_mem>>
    %dma_start3A_93 = arith.constant 0 : i32
    %dma_start3A_94 = arith.constant 0 : i32
    %dma_start3A_95 = tpu.memref_slice %arg4[%dma_start3A_82, %dma_start3A_93, %dma_start3A_94] : memref<3x256x128xf32, #tpu.memory_space<vmem>> -> memref<1x256x128xf32, #tpu.memory_space<vmem>>
    %dma_start3A_96 = tpu.memref_squeeze %dma_start3A_95 : memref<1x256x128xf32, #tpu.memory_space<vmem>> -> memref<256x128xf32, #tpu.memory_space<vmem>>
    %dma_start3A_97 = arith.constant 1536 : i32
    %dma_start3A_98 = tpu.memref_slice %arg2[%select_n3A, %dma_start3A_97, %mul3A_32] : memref<2x2048x2048xf32, #tpu.memory_space<hbm>> -> memref<1x256x128xf32, #tpu.memory_space<hbm>>
    %dma_start3A_99 = tpu.memref_squeeze %dma_start3A_98 : memref<1x256x128xf32, #tpu.memory_space<hbm>> -> memref<256x128xf32, #tpu.memory_space<hbm>>
    tpu.enqueue_dma source(%dma_start3A_99 : memref<256x128xf32, #tpu.memory_space<hbm>>) target(%dma_start3A_96 : memref<256x128xf32, #tpu.memory_space<vmem>>) target_semaphore(%dma_start3A_92 : memref<!tpu.dma_semaphore, #tpu.memory_space<semaphore_mem>>)
    %scan3A = arith.constant 0 : i32
    %scan3A_100 = arith.constant 256 : i32
    %scan3A_101 = arith.addi %scan3A, %scan3A_100 : i32
    %scan3A_102 = arith.constant 1 : i32
    %scan3A_103:8 = scf.for %scan3A_669 = %scan3A to %scan3A_101 step %scan3A_102 iter_args(%scan3A_670 = %broadcast_in_dim3A_50, %scan3A_671 = %broadcast_in_dim3A_52, %scan3A_672 = %broadcast_in_dim3A_54, %scan3A_673 = %broadcast_in_dim3A_56, %scan3A_674 = %broadcast_in_dim3A_58, %scan3A_675 = %broadcast_in_dim3A_60, %scan3A_676 = %broadcast_in_dim3A_62, %scan3A_677 = %broadcast_in_dim3A_64) -> (vector<16xf32>, vector<16xf32>, vector<16xf32>, vector<16xf32>, vector<16xf32>, vector<16xf32>, vector<16xf32>, vector<16xf32>)  : i32 {
      %add3A_678 = arith.constant 1 : i32
      %add3A_679 = arith.addi %scan3A_669, %add3A_678 : i32
      %mul3A_680 = arith.constant 1 : i32
      %mul3A_681 = arith.muli %add3A_679, %mul3A_680 : i32
      %sub3A_682 = arith.constant 256 : i32
      %sub3A_683 = arith.subi %sub3A_682, %mul3A_681 : i32
      %add3A_684 = arith.constant 0 : i32
      %add3A_685 = arith.addi %sub3A_683, %add3A_684 : i32
      %get3A = arith.constant 0 : i32
      %get3A_686 = arith.index_cast %get3A : i32 to index
      %get3A_687 = arith.index_cast %add3A_685 : i32 to index
      %get3A_688 = arith.constant 0 : index
      %get3A_689 = tpu.vector_load %arg4[%get3A_686, %get3A_687, %get3A_688] {strides = array<i32>} : memref<3x256x128xf32, #tpu.memory_space<vmem>>, vector<1x1x16xf32>,
      %get3A_690 = vector.shape_cast %get3A_689 : vector<1x1x16xf32> to vector<16xf32>
      %add3A_691 = arith.addf %get3A_690, %scan3A_670 : vector<16xf32>
      %swap3A = arith.constant 0 : i32
      %swap3A_692 = arith.index_cast %swap3A : i32 to index
      %swap3A_693 = arith.index_cast %add3A_685 : i32 to index
      %swap3A_694 = arith.constant 0 : index
      %swap3A_695 = tpu.vector_load %arg4[%swap3A_692, %swap3A_693, %swap3A_694] {strides = array<i32>} : memref<3x256x128xf32, #tpu.memory_space<vmem>>, vector<1x1x16xf32>,
      %swap3A_696 = vector.shape_cast %swap3A_695 : vector<1x1x16xf32> to vector<16xf32>
      %swap3A_697 = vector.shape_cast %add3A_691 : vector<16xf32> to vector<1x1x16xf32>
      tpu.vector_store %arg4[%swap3A_692, %swap3A_693, %swap3A_694], %swap3A_697 {strides = array<i32>} : memref<3x256x128xf32, #tpu.memory_space<vmem>>, vector<1x1x16xf32>,
      %get3A_698 = arith.constant 0 : i32
      %get3A_699 = arith.index_cast %get3A_698 : i32 to index
      %get3A_700 = arith.index_cast %add3A_685 : i32 to index
      %get3A_701 = arith.constant 16 : index
      %get3A_702 = tpu.vector_load %arg4[%get3A_699, %get3A_700, %get3A_701] {strides = array<i32>} : memref<3x256x128xf32, #tpu.memory_space<vmem>>, vector<1x1x16xf32>,
      %get3A_703 = vector.shape_cast %get3A_702 : vector<1x1x16xf32> to vector<16xf32>
      %add3A_704 = arith.addf %get3A_703, %scan3A_671 : vector<16xf32>
      %swap3A_705 = arith.constant 0 : i32
      %swap3A_706 = arith.index_cast %swap3A_705 : i32 to index
      %swap3A_707 = arith.index_cast %add3A_685 : i32 to index
      %swap3A_708 = arith.constant 16 : index
      %swap3A_709 = tpu.vector_load %arg4[%swap3A_706, %swap3A_707, %swap3A_708] {strides = array<i32>} : memref<3x256x128xf32, #tpu.memory_space<vmem>>, vector<1x1x16xf32>,
      %swap3A_710 = vector.shape_cast %swap3A_709 : vector<1x1x16xf32> to vector<16xf32>
      %swap3A_711 = vector.shape_cast %add3A_704 : vector<16xf32> to vector<1x1x16xf32>
      tpu.vector_store %arg4[%swap3A_706, %swap3A_707, %swap3A_708], %swap3A_711 {strides = array<i32>} : memref<3x256x128xf32, #tpu.memory_space<vmem>>, vector<1x1x16xf32>,
      %get3A_712 = arith.constant 0 : i32
      %get3A_713 = arith.index_cast %get3A_712 : i32 to index
      %get3A_714 = arith.index_cast %add3A_685 : i32 to index
      %get3A_715 = arith.constant 32 : index
      %get3A_716 = tpu.vector_load %arg4[%get3A_713, %get3A_714, %get3A_715] {strides = array<i32>} : memref<3x256x128xf32, #tpu.memory_space<vmem>>, vector<1x1x16xf32>,
      %get3A_717 = vector.shape_cast %get3A_716 : vector<1x1x16xf32> to vector<16xf32>
      %add3A_718 = arith.addf %get3A_717, %scan3A_672 : vector<16xf32>
      %swap3A_719 = arith.constant 0 : i32
      %swap3A_720 = arith.index_cast %swap3A_719 : i32 to index
      %swap3A_721 = arith.index_cast %add3A_685 : i32 to index
      %swap3A_722 = arith.constant 32 : index
      %swap3A_723 = tpu.vector_load %arg4[%swap3A_720, %swap3A_721, %swap3A_722] {strides = array<i32>} : memref<3x256x128xf32, #tpu.memory_space<vmem>>, vector<1x1x16xf32>,
      %swap3A_724 = vector.shape_cast %swap3A_723 : vector<1x1x16xf32> to vector<16xf32>
      %swap3A_725 = vector.shape_cast %add3A_718 : vector<16xf32> to vector<1x1x16xf32>
      tpu.vector_store %arg4[%swap3A_720, %swap3A_721, %swap3A_722], %swap3A_725 {strides = array<i32>} : memref<3x256x128xf32, #tpu.memory_space<vmem>>, vector<1x1x16xf32>,
      %get3A_726 = arith.constant 0 : i32
      %get3A_727 = arith.index_cast %get3A_726 : i32 to index
      %get3A_728 = arith.index_cast %add3A_685 : i32 to index
      %get3A_729 = arith.constant 48 : index
      %get3A_730 = tpu.vector_load %arg4[%get3A_727, %get3A_728, %get3A_729] {strides = array<i32>} : memref<3x256x128xf32, #tpu.memory_space<vmem>>, vector<1x1x16xf32>,
      %get3A_731 = vector.shape_cast %get3A_730 : vector<1x1x16xf32> to vector<16xf32>
      %add3A_732 = arith.addf %get3A_731, %scan3A_673 : vector<16xf32>
      %swap3A_733 = arith.constant 0 : i32
      %swap3A_734 = arith.index_cast %swap3A_733 : i32 to index
      %swap3A_735 = arith.index_cast %add3A_685 : i32 to index
      %swap3A_736 = arith.constant 48 : index
      %swap3A_737 = tpu.vector_load %arg4[%swap3A_734, %swap3A_735, %swap3A_736] {strides = array<i32>} : memref<3x256x128xf32, #tpu.memory_space<vmem>>, vector<1x1x16xf32>,
      %swap3A_738 = vector.shape_cast %swap3A_737 : vector<1x1x16xf32> to vector<16xf32>
      %swap3A_739 = vector.shape_cast %add3A_732 : vector<16xf32> to vector<1x1x16xf32>
      tpu.vector_store %arg4[%swap3A_734, %swap3A_735, %swap3A_736], %swap3A_739 {strides = array<i32>} : memref<3x256x128xf32, #tpu.memory_space<vmem>>, vector<1x1x16xf32>,
      %get3A_740 = arith.constant 0 : i32
      %get3A_741 = arith.index_cast %get3A_740 : i32 to index
      %get3A_742 = arith.index_cast %add3A_685 : i32 to index
      %get3A_743 = arith.constant 64 : index
      %get3A_744 = tpu.vector_load %arg4[%get3A_741, %get3A_742, %get3A_743] {strides = array<i32>} : memref<3x256x128xf32, #tpu.memory_space<vmem>>, vector<1x1x16xf32>,
      %get3A_745 = vector.shape_cast %get3A_744 : vector<1x1x16xf32> to vector<16xf32>
      %add3A_746 = arith.addf %get3A_745, %scan3A_674 : vector<16xf32>
      %swap3A_747 = arith.constant 0 : i32
      %swap3A_748 = arith.index_cast %swap3A_747 : i32 to index
      %swap3A_749 = arith.index_cast %add3A_685 : i32 to index
      %swap3A_750 = arith.constant 64 : index
      %swap3A_751 = tpu.vector_load %arg4[%swap3A_748, %swap3A_749, %swap3A_750] {strides = array<i32>} : memref<3x256x128xf32, #tpu.memory_space<vmem>>, vector<1x1x16xf32>,
      %swap3A_752 = vector.shape_cast %swap3A_751 : vector<1x1x16xf32> to vector<16xf32>
      %swap3A_753 = vector.shape_cast %add3A_746 : vector<16xf32> to vector<1x1x16xf32>
      tpu.vector_store %arg4[%swap3A_748, %swap3A_749, %swap3A_750], %swap3A_753 {strides = array<i32>} : memref<3x256x128xf32, #tpu.memory_space<vmem>>, vector<1x1x16xf32>,
      %get3A_754 = arith.constant 0 : i32
      %get3A_755 = arith.index_cast %get3A_754 : i32 to index
      %get3A_756 = arith.index_cast %add3A_685 : i32 to index
      %get3A_757 = arith.constant 80 : index
      %get3A_758 = tpu.vector_load %arg4[%get3A_755, %get3A_756, %get3A_757] {strides = array<i32>} : memref<3x256x128xf32, #tpu.memory_space<vmem>>, vector<1x1x16xf32>,
      %get3A_759 = vector.shape_cast %get3A_758 : vector<1x1x16xf32> to vector<16xf32>
      %add3A_760 = arith.addf %get3A_759, %scan3A_675 : vector<16xf32>
      %swap3A_761 = arith.constant 0 : i32
      %swap3A_762 = arith.index_cast %swap3A_761 : i32 to index
      %swap3A_763 = arith.index_cast %add3A_685 : i32 to index
      %swap3A_764 = arith.constant 80 : index
      %swap3A_765 = tpu.vector_load %arg4[%swap3A_762, %swap3A_763, %swap3A_764] {strides = array<i32>} : memref<3x256x128xf32, #tpu.memory_space<vmem>>, vector<1x1x16xf32>,
      %swap3A_766 = vector.shape_cast %swap3A_765 : vector<1x1x16xf32> to vector<16xf32>
      %swap3A_767 = vector.shape_cast %add3A_760 : vector<16xf32> to vector<1x1x16xf32>
      tpu.vector_store %arg4[%swap3A_762, %swap3A_763, %swap3A_764], %swap3A_767 {strides = array<i32>} : memref<3x256x128xf32, #tpu.memory_space<vmem>>, vector<1x1x16xf32>,
      %get3A_768 = arith.constant 0 : i32
      %get3A_769 = arith.index_cast %get3A_768 : i32 to index
      %get3A_770 = arith.index_cast %add3A_685 : i32 to index
      %get3A_771 = arith.constant 96 : index
      %get3A_772 = tpu.vector_load %arg4[%get3A_769, %get3A_770, %get3A_771] {strides = array<i32>} : memref<3x256x128xf32, #tpu.memory_space<vmem>>, vector<1x1x16xf32>,
      %get3A_773 = vector.shape_cast %get3A_772 : vector<1x1x16xf32> to vector<16xf32>
      %add3A_774 = arith.addf %get3A_773, %scan3A_676 : vector<16xf32>
      %swap3A_775 = arith.constant 0 : i32
      %swap3A_776 = arith.index_cast %swap3A_775 : i32 to index
      %swap3A_777 = arith.index_cast %add3A_685 : i32 to index
      %swap3A_778 = arith.constant 96 : index
      %swap3A_779 = tpu.vector_load %arg4[%swap3A_776, %swap3A_777, %swap3A_778] {strides = array<i32>} : memref<3x256x128xf32, #tpu.memory_space<vmem>>, vector<1x1x16xf32>,
      %swap3A_780 = vector.shape_cast %swap3A_779 : vector<1x1x16xf32> to vector<16xf32>
      %swap3A_781 = vector.shape_cast %add3A_774 : vector<16xf32> to vector<1x1x16xf32>
      tpu.vector_store %arg4[%swap3A_776, %swap3A_777, %swap3A_778], %swap3A_781 {strides = array<i32>} : memref<3x256x128xf32, #tpu.memory_space<vmem>>, vector<1x1x16xf32>,
      %get3A_782 = arith.constant 0 : i32
      %get3A_783 = arith.index_cast %get3A_782 : i32 to index
      %get3A_784 = arith.index_cast %add3A_685 : i32 to index
      %get3A_785 = arith.constant 112 : index
      %get3A_786 = tpu.vector_load %arg4[%get3A_783, %get3A_784, %get3A_785] {strides = array<i32>} : memref<3x256x128xf32, #tpu.memory_space<vmem>>, vector<1x1x16xf32>,
      %get3A_787 = vector.shape_cast %get3A_786 : vector<1x1x16xf32> to vector<16xf32>
      %add3A_788 = arith.addf %get3A_787, %scan3A_677 : vector<16xf32>
      %swap3A_789 = arith.constant 0 : i32
      %swap3A_790 = arith.index_cast %swap3A_789 : i32 to index
      %swap3A_791 = arith.index_cast %add3A_685 : i32 to index
      %swap3A_792 = arith.constant 112 : index
      %swap3A_793 = tpu.vector_load %arg4[%swap3A_790, %swap3A_791, %swap3A_792] {strides = array<i32>} : memref<3x256x128xf32, #tpu.memory_space<vmem>>, vector<1x1x16xf32>,
      %swap3A_794 = vector.shape_cast %swap3A_793 : vector<1x1x16xf32> to vector<16xf32>
      %swap3A_795 = vector.shape_cast %add3A_788 : vector<16xf32> to vector<1x1x16xf32>
      tpu.vector_store %arg4[%swap3A_790, %swap3A_791, %swap3A_792], %swap3A_795 {strides = array<i32>} : memref<3x256x128xf32, #tpu.memory_space<vmem>>, vector<1x1x16xf32>,
      scf.yield %add3A_691, %add3A_704, %add3A_718, %add3A_732, %add3A_746, %add3A_760, %add3A_774, %add3A_788 : vector<16xf32>, vector<16xf32>, vector<16xf32>, vector<16xf32>, vector<16xf32>, vector<16xf32>, vector<16xf32>, vector<16xf32>
    }
    %scan3A_104 = arith.constant 256 : i32
    %dma_start3A_105 = arith.constant 0 : i32
    %dma_start3A_106 = arith.constant 0 : i32
    %dma_start3A_107 = arith.constant 0 : i32
    %dma_start3A_108 = arith.constant 0 : i32
    %dma_start3A_109 = tpu.memref_slice %arg4[%dma_start3A_105, %dma_start3A_107, %dma_start3A_108] : memref<3x256x128xf32, #tpu.memory_space<vmem>> -> memref<1x256x128xf32, #tpu.memory_space<vmem>>
    %dma_start3A_110 = tpu.memref_squeeze %dma_start3A_109 : memref<1x256x128xf32, #tpu.memory_space<vmem>> -> memref<256x128xf32, #tpu.memory_space<vmem>>
    %dma_start3A_111 = arith.constant 1792 : i32
    %dma_start3A_112 = tpu.memref_slice %arg3[%select_n3A, %dma_start3A_111, %mul3A_32] : memref<2x2048x2048xf32, #tpu.memory_space<hbm>> -> memref<1x256x128xf32, #tpu.memory_space<hbm>>
    %dma_start3A_113 = tpu.memref_squeeze %dma_start3A_112 : memref<1x256x128xf32, #tpu.memory_space<hbm>> -> memref<256x128xf32, #tpu.memory_space<hbm>>
    %dma_start3A_114 = tpu.memref_slice %arg6[%dma_start3A_106] : memref<3x!tpu.dma_semaphore, #tpu.memory_space<semaphore_mem>> -> memref<1x!tpu.dma_semaphore, #tpu.memory_space<semaphore_mem>>
    %dma_start3A_115 = tpu.memref_squeeze %dma_start3A_114 : memref<1x!tpu.dma_semaphore, #tpu.memory_space<semaphore_mem>> -> memref<!tpu.dma_semaphore, #tpu.memory_space<semaphore_mem>>
    %dma_start3A_116 = arith.constant 1792 : i32
    %dma_start3A_117 = tpu.memref_slice %arg3[%select_n3A, %dma_start3A_116, %mul3A_32] : memref<2x2048x2048xf32, #tpu.memory_space<hbm>> -> memref<1x256x128xf32, #tpu.memory_space<hbm>>
    %dma_start3A_118 = tpu.memref_squeeze %dma_start3A_117 : memref<1x256x128xf32, #tpu.memory_space<hbm>> -> memref<256x128xf32, #tpu.memory_space<hbm>>
    %dma_start3A_119 = arith.constant 0 : i32
    %dma_start3A_120 = arith.constant 0 : i32
    %dma_start3A_121 = tpu.memref_slice %arg4[%dma_start3A_105, %dma_start3A_119, %dma_start3A_120] : memref<3x256x128xf32, #tpu.memory_space<vmem>> -> memref<1x256x128xf32, #tpu.memory_space<vmem>>
    %dma_start3A_122 = tpu.memref_squeeze %dma_start3A_121 : memref<1x256x128xf32, #tpu.memory_space<vmem>> -> memref<256x128xf32, #tpu.memory_space<vmem>>
    tpu.enqueue_dma source(%dma_start3A_122 : memref<256x128xf32, #tpu.memory_space<vmem>>) target(%dma_start3A_118 : memref<256x128xf32, #tpu.memory_space<hbm>>) target_semaphore(%dma_start3A_115 : memref<!tpu.dma_semaphore, #tpu.memory_space<semaphore_mem>>)
    %dma_wait3A_123 = arith.constant 1 : i32
    %dma_wait3A_124 = arith.constant 1 : i32
    %dma_wait3A_125 = arith.constant 0 : i32
    %dma_wait3A_126 = arith.constant 0 : i32
    %dma_wait3A_127 = tpu.memref_slice %arg4[%dma_wait3A_123, %dma_wait3A_125, %dma_wait3A_126] : memref<3x256x128xf32, #tpu.memory_space<vmem>> -> memref<1x256x128xf32, #tpu.memory_space<vmem>>
    %dma_wait3A_128 = tpu.memref_squeeze %dma_wait3A_127 : memref<1x256x128xf32, #tpu.memory_space<vmem>> -> memref<256x128xf32, #tpu.memory_space<vmem>>
    %dma_wait3A_129 = arith.constant 1536 : i32
    %dma_wait3A_130 = tpu.memref_slice %arg2[%select_n3A, %dma_wait3A_129, %mul3A_32] : memref<2x2048x2048xf32, #tpu.memory_space<hbm>> -> memref<1x256x128xf32, #tpu.memory_space<hbm>>
    %dma_wait3A_131 = tpu.memref_squeeze %dma_wait3A_130 : memref<1x256x128xf32, #tpu.memory_space<hbm>> -> memref<256x128xf32, #tpu.memory_space<hbm>>
    %dma_wait3A_132 = tpu.memref_slice %arg5[%dma_wait3A_124] : memref<3x!tpu.dma_semaphore, #tpu.memory_space<semaphore_mem>> -> memref<1x!tpu.dma_semaphore, #tpu.memory_space<semaphore_mem>>
    %dma_wait3A_133 = tpu.memref_squeeze %dma_wait3A_132 : memref<1x!tpu.dma_semaphore, #tpu.memory_space<semaphore_mem>> -> memref<!tpu.dma_semaphore, #tpu.memory_space<semaphore_mem>>
    %dma_wait3A_134 = arith.constant 0 : i32
    %dma_wait3A_135 = arith.constant 0 : i32
    %dma_wait3A_136 = tpu.memref_slice %arg4[%dma_wait3A_123, %dma_wait3A_134, %dma_wait3A_135] : memref<3x256x128xf32, #tpu.memory_space<vmem>> -> memref<1x256x128xf32, #tpu.memory_space<vmem>>
    %dma_wait3A_137 = tpu.memref_squeeze %dma_wait3A_136 : memref<1x256x128xf32, #tpu.memory_space<vmem>> -> memref<256x128xf32, #tpu.memory_space<vmem>>
    %dma_wait3A_138 = arith.constant 1536 : i32
    %dma_wait3A_139 = tpu.memref_slice %arg2[%select_n3A, %dma_wait3A_138, %mul3A_32] : memref<2x2048x2048xf32, #tpu.memory_space<hbm>> -> memref<1x256x128xf32, #tpu.memory_space<hbm>>
    %dma_wait3A_140 = tpu.memref_squeeze %dma_wait3A_139 : memref<1x256x128xf32, #tpu.memory_space<hbm>> -> memref<256x128xf32, #tpu.memory_space<hbm>>
    tpu.wait_dma2 semaphore(%dma_wait3A_133 : memref<!tpu.dma_semaphore, #tpu.memory_space<semaphore_mem>>) src(%dma_wait3A_140 : memref<256x128xf32, #tpu.memory_space<hbm>>) dst(%dma_wait3A_137 : memref<256x128xf32, #tpu.memory_space<vmem>>)
    %dma_start3A_141 = arith.constant 2 : i32
    %dma_start3A_142 = arith.constant 2 : i32
    %dma_start3A_143 = arith.constant 0 : i32
    %dma_start3A_144 = arith.constant 0 : i32
    %dma_start3A_145 = tpu.memref_slice %arg4[%dma_start3A_141, %dma_start3A_143, %dma_start3A_144] : memref<3x256x128xf32, #tpu.memory_space<vmem>> -> memref<1x256x128xf32, #tpu.memory_space<vmem>>
    %dma_start3A_146 = tpu.memref_squeeze %dma_start3A_145 : memref<1x256x128xf32, #tpu.memory_space<vmem>> -> memref<256x128xf32, #tpu.memory_space<vmem>>
    %dma_start3A_147 = arith.constant 1280 : i32
    %dma_start3A_148 = tpu.memref_slice %arg2[%select_n3A, %dma_start3A_147, %mul3A_32] : memref<2x2048x2048xf32, #tpu.memory_space<hbm>> -> memref<1x256x128xf32, #tpu.memory_space<hbm>>
    %dma_start3A_149 = tpu.memref_squeeze %dma_start3A_148 : memref<1x256x128xf32, #tpu.memory_space<hbm>> -> memref<256x128xf32, #tpu.memory_space<hbm>>
    %dma_start3A_150 = tpu.memref_slice %arg5[%dma_start3A_142] : memref<3x!tpu.dma_semaphore, #tpu.memory_space<semaphore_mem>> -> memref<1x!tpu.dma_semaphore, #tpu.memory_space<semaphore_mem>>
    %dma_start3A_151 = tpu.memref_squeeze %dma_start3A_150 : memref<1x!tpu.dma_semaphore, #tpu.memory_space<semaphore_mem>> -> memref<!tpu.dma_semaphore, #tpu.memory_space<semaphore_mem>>
    %dma_start3A_152 = arith.constant 0 : i32
    %dma_start3A_153 = arith.constant 0 : i32
    %dma_start3A_154 = tpu.memref_slice %arg4[%dma_start3A_141, %dma_start3A_152, %dma_start3A_153] : memref<3x256x128xf32, #tpu.memory_space<vmem>> -> memref<1x256x128xf32, #tpu.memory_space<vmem>>
    %dma_start3A_155 = tpu.memref_squeeze %dma_start3A_154 : memref<1x256x128xf32, #tpu.memory_space<vmem>> -> memref<256x128xf32, #tpu.memory_space<vmem>>
    %dma_start3A_156 = arith.constant 1280 : i32
    %dma_start3A_157 = tpu.memref_slice %arg2[%select_n3A, %dma_start3A_156, %mul3A_32] : memref<2x2048x2048xf32, #tpu.memory_space<hbm>> -> memref<1x256x128xf32, #tpu.memory_space<hbm>>
    %dma_start3A_158 = tpu.memref_squeeze %dma_start3A_157 : memref<1x256x128xf32, #tpu.memory_space<hbm>> -> memref<256x128xf32, #tpu.memory_space<hbm>>
    tpu.enqueue_dma source(%dma_start3A_158 : memref<256x128xf32, #tpu.memory_space<hbm>>) target(%dma_start3A_155 : memref<256x128xf32, #tpu.memory_space<vmem>>) target_semaphore(%dma_start3A_151 : memref<!tpu.dma_semaphore, #tpu.memory_space<semaphore_mem>>)
    %scan3A_159 = arith.constant 0 : i32
    %scan3A_160 = arith.constant 256 : i32
    %scan3A_161 = arith.addi %scan3A_159, %scan3A_160 : i32
    %scan3A_162 = arith.constant 1 : i32
    %scan3A_163:8 = scf.for %scan3A_669 = %scan3A_159 to %scan3A_161 step %scan3A_162 iter_args(%scan3A_670 = %scan3A_103#0, %scan3A_671 = %scan3A_103#1, %scan3A_672 = %scan3A_103#2, %scan3A_673 = %scan3A_103#3, %scan3A_674 = %scan3A_103#4, %scan3A_675 = %scan3A_103#5, %scan3A_676 = %scan3A_103#6, %scan3A_677 = %scan3A_103#7) -> (vector<16xf32>, vector<16xf32>, vector<16xf32>, vector<16xf32>, vector<16xf32>, vector<16xf32>, vector<16xf32>, vector<16xf32>)  : i32 {
      %add3A_678 = arith.constant 1 : i32
      %add3A_679 = arith.addi %scan3A_669, %add3A_678 : i32
      %mul3A_680 = arith.constant 1 : i32
      %mul3A_681 = arith.muli %add3A_679, %mul3A_680 : i32
      %sub3A_682 = arith.constant 256 : i32
      %sub3A_683 = arith.subi %sub3A_682, %mul3A_681 : i32
      %add3A_684 = arith.constant 0 : i32
      %add3A_685 = arith.addi %sub3A_683, %add3A_684 : i32
      %get3A = arith.constant 1 : i32
      %get3A_686 = arith.index_cast %get3A : i32 to index
      %get3A_687 = arith.index_cast %add3A_685 : i32 to index
      %get3A_688 = arith.constant 0 : index
      %get3A_689 = tpu.vector_load %arg4[%get3A_686, %get3A_687, %get3A_688] {strides = array<i32>} : memref<3x256x128xf32, #tpu.memory_space<vmem>>, vector<1x1x16xf32>,
      %get3A_690 = vector.shape_cast %get3A_689 : vector<1x1x16xf32> to vector<16xf32>
      %add3A_691 = arith.addf %get3A_690, %scan3A_670 : vector<16xf32>
      %swap3A = arith.constant 1 : i32
      %swap3A_692 = arith.index_cast %swap3A : i32 to index
      %swap3A_693 = arith.index_cast %add3A_685 : i32 to index
      %swap3A_694 = arith.constant 0 : index
      %swap3A_695 = tpu.vector_load %arg4[%swap3A_692, %swap3A_693, %swap3A_694] {strides = array<i32>} : memref<3x256x128xf32, #tpu.memory_space<vmem>>, vector<1x1x16xf32>,
      %swap3A_696 = vector.shape_cast %swap3A_695 : vector<1x1x16xf32> to vector<16xf32>
      %swap3A_697 = vector.shape_cast %add3A_691 : vector<16xf32> to vector<1x1x16xf32>
      tpu.vector_store %arg4[%swap3A_692, %swap3A_693, %swap3A_694], %swap3A_697 {strides = array<i32>} : memref<3x256x128xf32, #tpu.memory_space<vmem>>, vector<1x1x16xf32>,
      %get3A_698 = arith.constant 1 : i32
      %get3A_699 = arith.index_cast %get3A_698 : i32 to index
      %get3A_700 = arith.index_cast %add3A_685 : i32 to index
      %get3A_701 = arith.constant 16 : index
      %get3A_702 = tpu.vector_load %arg4[%get3A_699, %get3A_700, %get3A_701] {strides = array<i32>} : memref<3x256x128xf32, #tpu.memory_space<vmem>>, vector<1x1x16xf32>,
      %get3A_703 = vector.shape_cast %get3A_702 : vector<1x1x16xf32> to vector<16xf32>
      %add3A_704 = arith.addf %get3A_703, %scan3A_671 : vector<16xf32>
      %swap3A_705 = arith.constant 1 : i32
      %swap3A_706 = arith.index_cast %swap3A_705 : i32 to index
      %swap3A_707 = arith.index_cast %add3A_685 : i32 to index
      %swap3A_708 = arith.constant 16 : index
      %swap3A_709 = tpu.vector_load %arg4[%swap3A_706, %swap3A_707, %swap3A_708] {strides = array<i32>} : memref<3x256x128xf32, #tpu.memory_space<vmem>>, vector<1x1x16xf32>,
      %swap3A_710 = vector.shape_cast %swap3A_709 : vector<1x1x16xf32> to vector<16xf32>
      %swap3A_711 = vector.shape_cast %add3A_704 : vector<16xf32> to vector<1x1x16xf32>
      tpu.vector_store %arg4[%swap3A_706, %swap3A_707, %swap3A_708], %swap3A_711 {strides = array<i32>} : memref<3x256x128xf32, #tpu.memory_space<vmem>>, vector<1x1x16xf32>,
      %get3A_712 = arith.constant 1 : i32
      %get3A_713 = arith.index_cast %get3A_712 : i32 to index
      %get3A_714 = arith.index_cast %add3A_685 : i32 to index
      %get3A_715 = arith.constant 32 : index
      %get3A_716 = tpu.vector_load %arg4[%get3A_713, %get3A_714, %get3A_715] {strides = array<i32>} : memref<3x256x128xf32, #tpu.memory_space<vmem>>, vector<1x1x16xf32>,
      %get3A_717 = vector.shape_cast %get3A_716 : vector<1x1x16xf32> to vector<16xf32>
      %add3A_718 = arith.addf %get3A_717, %scan3A_672 : vector<16xf32>
      %swap3A_719 = arith.constant 1 : i32
      %swap3A_720 = arith.index_cast %swap3A_719 : i32 to index
      %swap3A_721 = arith.index_cast %add3A_685 : i32 to index
      %swap3A_722 = arith.constant 32 : index
      %swap3A_723 = tpu.vector_load %arg4[%swap3A_720, %swap3A_721, %swap3A_722] {strides = array<i32>} : memref<3x256x128xf32, #tpu.memory_space<vmem>>, vector<1x1x16xf32>,
      %swap3A_724 = vector.shape_cast %swap3A_723 : vector<1x1x16xf32> to vector<16xf32>
      %swap3A_725 = vector.shape_cast %add3A_718 : vector<16xf32> to vector<1x1x16xf32>
      tpu.vector_store %arg4[%swap3A_720, %swap3A_721, %swap3A_722], %swap3A_725 {strides = array<i32>} : memref<3x256x128xf32, #tpu.memory_space<vmem>>, vector<1x1x16xf32>,
      %get3A_726 = arith.constant 1 : i32
      %get3A_727 = arith.index_cast %get3A_726 : i32 to index
      %get3A_728 = arith.index_cast %add3A_685 : i32 to index
      %get3A_729 = arith.constant 48 : index
      %get3A_730 = tpu.vector_load %arg4[%get3A_727, %get3A_728, %get3A_729] {strides = array<i32>} : memref<3x256x128xf32, #tpu.memory_space<vmem>>, vector<1x1x16xf32>,
      %get3A_731 = vector.shape_cast %get3A_730 : vector<1x1x16xf32> to vector<16xf32>
      %add3A_732 = arith.addf %get3A_731, %scan3A_673 : vector<16xf32>
      %swap3A_733 = arith.constant 1 : i32
      %swap3A_734 = arith.index_cast %swap3A_733 : i32 to index
      %swap3A_735 = arith.index_cast %add3A_685 : i32 to index
      %swap3A_736 = arith.constant 48 : index
      %swap3A_737 = tpu.vector_load %arg4[%swap3A_734, %swap3A_735, %swap3A_736] {strides = array<i32>} : memref<3x256x128xf32, #tpu.memory_space<vmem>>, vector<1x1x16xf32>,
      %swap3A_738 = vector.shape_cast %swap3A_737 : vector<1x1x16xf32> to vector<16xf32>
      %swap3A_739 = vector.shape_cast %add3A_732 : vector<16xf32> to vector<1x1x16xf32>
      tpu.vector_store %arg4[%swap3A_734, %swap3A_735, %swap3A_736], %swap3A_739 {strides = array<i32>} : memref<3x256x128xf32, #tpu.memory_space<vmem>>, vector<1x1x16xf32>,
      %get3A_740 = arith.constant 1 : i32
      %get3A_741 = arith.index_cast %get3A_740 : i32 to index
      %get3A_742 = arith.index_cast %add3A_685 : i32 to index
      %get3A_743 = arith.constant 64 : index
      %get3A_744 = tpu.vector_load %arg4[%get3A_741, %get3A_742, %get3A_743] {strides = array<i32>} : memref<3x256x128xf32, #tpu.memory_space<vmem>>, vector<1x1x16xf32>,
      %get3A_745 = vector.shape_cast %get3A_744 : vector<1x1x16xf32> to vector<16xf32>
      %add3A_746 = arith.addf %get3A_745, %scan3A_674 : vector<16xf32>
      %swap3A_747 = arith.constant 1 : i32
      %swap3A_748 = arith.index_cast %swap3A_747 : i32 to index
      %swap3A_749 = arith.index_cast %add3A_685 : i32 to index
      %swap3A_750 = arith.constant 64 : index
      %swap3A_751 = tpu.vector_load %arg4[%swap3A_748, %swap3A_749, %swap3A_750] {strides = array<i32>} : memref<3x256x128xf32, #tpu.memory_space<vmem>>, vector<1x1x16xf32>,
      %swap3A_752 = vector.shape_cast %swap3A_751 : vector<1x1x16xf32> to vector<16xf32>
      %swap3A_753 = vector.shape_cast %add3A_746 : vector<16xf32> to vector<1x1x16xf32>
      tpu.vector_store %arg4[%swap3A_748, %swap3A_749, %swap3A_750], %swap3A_753 {strides = array<i32>} : memref<3x256x128xf32, #tpu.memory_space<vmem>>, vector<1x1x16xf32>,
      %get3A_754 = arith.constant 1 : i32
      %get3A_755 = arith.index_cast %get3A_754 : i32 to index
      %get3A_756 = arith.index_cast %add3A_685 : i32 to index
      %get3A_757 = arith.constant 80 : index
      %get3A_758 = tpu.vector_load %arg4[%get3A_755, %get3A_756, %get3A_757] {strides = array<i32>} : memref<3x256x128xf32, #tpu.memory_space<vmem>>, vector<1x1x16xf32>,
      %get3A_759 = vector.shape_cast %get3A_758 : vector<1x1x16xf32> to vector<16xf32>
      %add3A_760 = arith.addf %get3A_759, %scan3A_675 : vector<16xf32>
      %swap3A_761 = arith.constant 1 : i32
      %swap3A_762 = arith.index_cast %swap3A_761 : i32 to index
      %swap3A_763 = arith.index_cast %add3A_685 : i32 to index
      %swap3A_764 = arith.constant 80 : index
      %swap3A_765 = tpu.vector_load %arg4[%swap3A_762, %swap3A_763, %swap3A_764] {strides = array<i32>} : memref<3x256x128xf32, #tpu.memory_space<vmem>>, vector<1x1x16xf32>,
      %swap3A_766 = vector.shape_cast %swap3A_765 : vector<1x1x16xf32> to vector<16xf32>
      %swap3A_767 = vector.shape_cast %add3A_760 : vector<16xf32> to vector<1x1x16xf32>
      tpu.vector_store %arg4[%swap3A_762, %swap3A_763, %swap3A_764], %swap3A_767 {strides = array<i32>} : memref<3x256x128xf32, #tpu.memory_space<vmem>>, vector<1x1x16xf32>,
      %get3A_768 = arith.constant 1 : i32
      %get3A_769 = arith.index_cast %get3A_768 : i32 to index
      %get3A_770 = arith.index_cast %add3A_685 : i32 to index
      %get3A_771 = arith.constant 96 : index
      %get3A_772 = tpu.vector_load %arg4[%get3A_769, %get3A_770, %get3A_771] {strides = array<i32>} : memref<3x256x128xf32, #tpu.memory_space<vmem>>, vector<1x1x16xf32>,
      %get3A_773 = vector.shape_cast %get3A_772 : vector<1x1x16xf32> to vector<16xf32>
      %add3A_774 = arith.addf %get3A_773, %scan3A_676 : vector<16xf32>
      %swap3A_775 = arith.constant 1 : i32
      %swap3A_776 = arith.index_cast %swap3A_775 : i32 to index
      %swap3A_777 = arith.index_cast %add3A_685 : i32 to index
      %swap3A_778 = arith.constant 96 : index
      %swap3A_779 = tpu.vector_load %arg4[%swap3A_776, %swap3A_777, %swap3A_778] {strides = array<i32>} : memref<3x256x128xf32, #tpu.memory_space<vmem>>, vector<1x1x16xf32>,
      %swap3A_780 = vector.shape_cast %swap3A_779 : vector<1x1x16xf32> to vector<16xf32>
      %swap3A_781 = vector.shape_cast %add3A_774 : vector<16xf32> to vector<1x1x16xf32>
      tpu.vector_store %arg4[%swap3A_776, %swap3A_777, %swap3A_778], %swap3A_781 {strides = array<i32>} : memref<3x256x128xf32, #tpu.memory_space<vmem>>, vector<1x1x16xf32>,
      %get3A_782 = arith.constant 1 : i32
      %get3A_783 = arith.index_cast %get3A_782 : i32 to index
      %get3A_784 = arith.index_cast %add3A_685 : i32 to index
      %get3A_785 = arith.constant 112 : index
      %get3A_786 = tpu.vector_load %arg4[%get3A_783, %get3A_784, %get3A_785] {strides = array<i32>} : memref<3x256x128xf32, #tpu.memory_space<vmem>>, vector<1x1x16xf32>,
      %get3A_787 = vector.shape_cast %get3A_786 : vector<1x1x16xf32> to vector<16xf32>
      %add3A_788 = arith.addf %get3A_787, %scan3A_677 : vector<16xf32>
      %swap3A_789 = arith.constant 1 : i32
      %swap3A_790 = arith.index_cast %swap3A_789 : i32 to index
      %swap3A_791 = arith.index_cast %add3A_685 : i32 to index
      %swap3A_792 = arith.constant 112 : index
      %swap3A_793 = tpu.vector_load %arg4[%swap3A_790, %swap3A_791, %swap3A_792] {strides = array<i32>} : memref<3x256x128xf32, #tpu.memory_space<vmem>>, vector<1x1x16xf32>,
      %swap3A_794 = vector.shape_cast %swap3A_793 : vector<1x1x16xf32> to vector<16xf32>
      %swap3A_795 = vector.shape_cast %add3A_788 : vector<16xf32> to vector<1x1x16xf32>
      tpu.vector_store %arg4[%swap3A_790, %swap3A_791, %swap3A_792], %swap3A_795 {strides = array<i32>} : memref<3x256x128xf32, #tpu.memory_space<vmem>>, vector<1x1x16xf32>,
      scf.yield %add3A_691, %add3A_704, %add3A_718, %add3A_732, %add3A_746, %add3A_760, %add3A_774, %add3A_788 : vector<16xf32>, vector<16xf32>, vector<16xf32>, vector<16xf32>, vector<16xf32>, vector<16xf32>, vector<16xf32>, vector<16xf32>
    }
    %scan3A_164 = arith.constant 256 : i32
    %dma_start3A_165 = arith.constant 1 : i32
    %dma_start3A_166 = arith.constant 1 : i32
    %dma_start3A_167 = arith.constant 0 : i32
    %dma_start3A_168 = arith.constant 0 : i32
    %dma_start3A_169 = tpu.memref_slice %arg4[%dma_start3A_165, %dma_start3A_167, %dma_start3A_168] : memref<3x256x128xf32, #tpu.memory_space<vmem>> -> memref<1x256x128xf32, #tpu.memory_space<vmem>>
    %dma_start3A_170 = tpu.memref_squeeze %dma_start3A_169 : memref<1x256x128xf32, #tpu.memory_space<vmem>> -> memref<256x128xf32, #tpu.memory_space<vmem>>
    %dma_start3A_171 = arith.constant 1536 : i32
    %dma_start3A_172 = tpu.memref_slice %arg3[%select_n3A, %dma_start3A_171, %mul3A_32] : memref<2x2048x2048xf32, #tpu.memory_space<hbm>> -> memref<1x256x128xf32, #tpu.memory_space<hbm>>
    %dma_start3A_173 = tpu.memref_squeeze %dma_start3A_172 : memref<1x256x128xf32, #tpu.memory_space<hbm>> -> memref<256x128xf32, #tpu.memory_space<hbm>>
    %dma_start3A_174 = tpu.memref_slice %arg6[%dma_start3A_166] : memref<3x!tpu.dma_semaphore, #tpu.memory_space<semaphore_mem>> -> memref<1x!tpu.dma_semaphore, #tpu.memory_space<semaphore_mem>>
    %dma_start3A_175 = tpu.memref_squeeze %dma_start3A_174 : memref<1x!tpu.dma_semaphore, #tpu.memory_space<semaphore_mem>> -> memref<!tpu.dma_semaphore, #tpu.memory_space<semaphore_mem>>
    %dma_start3A_176 = arith.constant 1536 : i32
    %dma_start3A_177 = tpu.memref_slice %arg3[%select_n3A, %dma_start3A_176, %mul3A_32] : memref<2x2048x2048xf32, #tpu.memory_space<hbm>> -> memref<1x256x128xf32, #tpu.memory_space<hbm>>
    %dma_start3A_178 = tpu.memref_squeeze %dma_start3A_177 : memref<1x256x128xf32, #tpu.memory_space<hbm>> -> memref<256x128xf32, #tpu.memory_space<hbm>>
    %dma_start3A_179 = arith.constant 0 : i32
    %dma_start3A_180 = arith.constant 0 : i32
    %dma_start3A_181 = tpu.memref_slice %arg4[%dma_start3A_165, %dma_start3A_179, %dma_start3A_180] : memref<3x256x128xf32, #tpu.memory_space<vmem>> -> memref<1x256x128xf32, #tpu.memory_space<vmem>>
    %dma_start3A_182 = tpu.memref_squeeze %dma_start3A_181 : memref<1x256x128xf32, #tpu.memory_space<vmem>> -> memref<256x128xf32, #tpu.memory_space<vmem>>
    tpu.enqueue_dma source(%dma_start3A_182 : memref<256x128xf32, #tpu.memory_space<vmem>>) target(%dma_start3A_178 : memref<256x128xf32, #tpu.memory_space<hbm>>) target_semaphore(%dma_start3A_175 : memref<!tpu.dma_semaphore, #tpu.memory_space<semaphore_mem>>)
    %dma_wait3A_183 = arith.constant 2 : i32
    %dma_wait3A_184 = arith.constant 2 : i32
    %dma_wait3A_185 = arith.constant 0 : i32
    %dma_wait3A_186 = arith.constant 0 : i32
    %dma_wait3A_187 = tpu.memref_slice %arg4[%dma_wait3A_183, %dma_wait3A_185, %dma_wait3A_186] : memref<3x256x128xf32, #tpu.memory_space<vmem>> -> memref<1x256x128xf32, #tpu.memory_space<vmem>>
    %dma_wait3A_188 = tpu.memref_squeeze %dma_wait3A_187 : memref<1x256x128xf32, #tpu.memory_space<vmem>> -> memref<256x128xf32, #tpu.memory_space<vmem>>
    %dma_wait3A_189 = arith.constant 1280 : i32
    %dma_wait3A_190 = tpu.memref_slice %arg2[%select_n3A, %dma_wait3A_189, %mul3A_32] : memref<2x2048x2048xf32, #tpu.memory_space<hbm>> -> memref<1x256x128xf32, #tpu.memory_space<hbm>>
    %dma_wait3A_191 = tpu.memref_squeeze %dma_wait3A_190 : memref<1x256x128xf32, #tpu.memory_space<hbm>> -> memref<256x128xf32, #tpu.memory_space<hbm>>
    %dma_wait3A_192 = tpu.memref_slice %arg5[%dma_wait3A_184] : memref<3x!tpu.dma_semaphore, #tpu.memory_space<semaphore_mem>> -> memref<1x!tpu.dma_semaphore, #tpu.memory_space<semaphore_mem>>
    %dma_wait3A_193 = tpu.memref_squeeze %dma_wait3A_192 : memref<1x!tpu.dma_semaphore, #tpu.memory_space<semaphore_mem>> -> memref<!tpu.dma_semaphore, #tpu.memory_space<semaphore_mem>>
    %dma_wait3A_194 = arith.constant 0 : i32
    %dma_wait3A_195 = arith.constant 0 : i32
    %dma_wait3A_196 = tpu.memref_slice %arg4[%dma_wait3A_183, %dma_wait3A_194, %dma_wait3A_195] : memref<3x256x128xf32, #tpu.memory_space<vmem>> -> memref<1x256x128xf32, #tpu.memory_space<vmem>>
    %dma_wait3A_197 = tpu.memref_squeeze %dma_wait3A_196 : memref<1x256x128xf32, #tpu.memory_space<vmem>> -> memref<256x128xf32, #tpu.memory_space<vmem>>
    %dma_wait3A_198 = arith.constant 1280 : i32
    %dma_wait3A_199 = tpu.memref_slice %arg2[%select_n3A, %dma_wait3A_198, %mul3A_32] : memref<2x2048x2048xf32, #tpu.memory_space<hbm>> -> memref<1x256x128xf32, #tpu.memory_space<hbm>>
    %dma_wait3A_200 = tpu.memref_squeeze %dma_wait3A_199 : memref<1x256x128xf32, #tpu.memory_space<hbm>> -> memref<256x128xf32, #tpu.memory_space<hbm>>
    tpu.wait_dma2 semaphore(%dma_wait3A_193 : memref<!tpu.dma_semaphore, #tpu.memory_space<semaphore_mem>>) src(%dma_wait3A_200 : memref<256x128xf32, #tpu.memory_space<hbm>>) dst(%dma_wait3A_197 : memref<256x128xf32, #tpu.memory_space<vmem>>)
    %dma_wait3A_201 = arith.constant 0 : i32
    %dma_wait3A_202 = arith.constant 0 : i32
    %dma_wait3A_203 = arith.constant 0 : i32
    %dma_wait3A_204 = arith.constant 0 : i32
    %dma_wait3A_205 = tpu.memref_slice %arg4[%dma_wait3A_201, %dma_wait3A_203, %dma_wait3A_204] : memref<3x256x128xf32, #tpu.memory_space<vmem>> -> memref<1x256x128xf32, #tpu.memory_space<vmem>>
    %dma_wait3A_206 = tpu.memref_squeeze %dma_wait3A_205 : memref<1x256x128xf32, #tpu.memory_space<vmem>> -> memref<256x128xf32, #tpu.memory_space<vmem>>
    %dma_wait3A_207 = arith.constant 1792 : i32
    %dma_wait3A_208 = tpu.memref_slice %arg3[%select_n3A, %dma_wait3A_207, %mul3A_32] : memref<2x2048x2048xf32, #tpu.memory_space<hbm>> -> memref<1x256x128xf32, #tpu.memory_space<hbm>>
    %dma_wait3A_209 = tpu.memref_squeeze %dma_wait3A_208 : memref<1x256x128xf32, #tpu.memory_space<hbm>> -> memref<256x128xf32, #tpu.memory_space<hbm>>
    %dma_wait3A_210 = tpu.memref_slice %arg6[%dma_wait3A_202] : memref<3x!tpu.dma_semaphore, #tpu.memory_space<semaphore_mem>> -> memref<1x!tpu.dma_semaphore, #tpu.memory_space<semaphore_mem>>
    %dma_wait3A_211 = tpu.memref_squeeze %dma_wait3A_210 : memref<1x!tpu.dma_semaphore, #tpu.memory_space<semaphore_mem>> -> memref<!tpu.dma_semaphore, #tpu.memory_space<semaphore_mem>>
    %dma_wait3A_212 = arith.constant 1792 : i32
    %dma_wait3A_213 = tpu.memref_slice %arg3[%select_n3A, %dma_wait3A_212, %mul3A_32] : memref<2x2048x2048xf32, #tpu.memory_space<hbm>> -> memref<1x256x128xf32, #tpu.memory_space<hbm>>
    %dma_wait3A_214 = tpu.memref_squeeze %dma_wait3A_213 : memref<1x256x128xf32, #tpu.memory_space<hbm>> -> memref<256x128xf32, #tpu.memory_space<hbm>>
    %dma_wait3A_215 = arith.constant 0 : i32
    %dma_wait3A_216 = arith.constant 0 : i32
    %dma_wait3A_217 = tpu.memref_slice %arg4[%dma_wait3A_201, %dma_wait3A_215, %dma_wait3A_216] : memref<3x256x128xf32, #tpu.memory_space<vmem>> -> memref<1x256x128xf32, #tpu.memory_space<vmem>>
    %dma_wait3A_218 = tpu.memref_squeeze %dma_wait3A_217 : memref<1x256x128xf32, #tpu.memory_space<vmem>> -> memref<256x128xf32, #tpu.memory_space<vmem>>
    tpu.wait_dma2 semaphore(%dma_wait3A_211 : memref<!tpu.dma_semaphore, #tpu.memory_space<semaphore_mem>>) src(%dma_wait3A_218 : memref<256x128xf32, #tpu.memory_space<vmem>>) dst(%dma_wait3A_214 : memref<256x128xf32, #tpu.memory_space<hbm>>)
    %dma_start3A_219 = arith.constant 0 : i32
    %dma_start3A_220 = arith.constant 0 : i32
    %dma_start3A_221 = arith.constant 0 : i32
    %dma_start3A_222 = arith.constant 0 : i32
    %dma_start3A_223 = tpu.memref_slice %arg4[%dma_start3A_219, %dma_start3A_221, %dma_start3A_222] : memref<3x256x128xf32, #tpu.memory_space<vmem>> -> memref<1x256x128xf32, #tpu.memory_space<vmem>>
    %dma_start3A_224 = tpu.memref_squeeze %dma_start3A_223 : memref<1x256x128xf32, #tpu.memory_space<vmem>> -> memref<256x128xf32, #tpu.memory_space<vmem>>
    %dma_start3A_225 = arith.constant 1024 : i32
    %dma_start3A_226 = tpu.memref_slice %arg2[%select_n3A, %dma_start3A_225, %mul3A_32] : memref<2x2048x2048xf32, #tpu.memory_space<hbm>> -> memref<1x256x128xf32, #tpu.memory_space<hbm>>
    %dma_start3A_227 = tpu.memref_squeeze %dma_start3A_226 : memref<1x256x128xf32, #tpu.memory_space<hbm>> -> memref<256x128xf32, #tpu.memory_space<hbm>>
    %dma_start3A_228 = tpu.memref_slice %arg5[%dma_start3A_220] : memref<3x!tpu.dma_semaphore, #tpu.memory_space<semaphore_mem>> -> memref<1x!tpu.dma_semaphore, #tpu.memory_space<semaphore_mem>>
    %dma_start3A_229 = tpu.memref_squeeze %dma_start3A_228 : memref<1x!tpu.dma_semaphore, #tpu.memory_space<semaphore_mem>> -> memref<!tpu.dma_semaphore, #tpu.memory_space<semaphore_mem>>
    %dma_start3A_230 = arith.constant 0 : i32
    %dma_start3A_231 = arith.constant 0 : i32
    %dma_start3A_232 = tpu.memref_slice %arg4[%dma_start3A_219, %dma_start3A_230, %dma_start3A_231] : memref<3x256x128xf32, #tpu.memory_space<vmem>> -> memref<1x256x128xf32, #tpu.memory_space<vmem>>
    %dma_start3A_233 = tpu.memref_squeeze %dma_start3A_232 : memref<1x256x128xf32, #tpu.memory_space<vmem>> -> memref<256x128xf32, #tpu.memory_space<vmem>>
    %dma_start3A_234 = arith.constant 1024 : i32
    %dma_start3A_235 = tpu.memref_slice %arg2[%select_n3A, %dma_start3A_234, %mul3A_32] : memref<2x2048x2048xf32, #tpu.memory_space<hbm>> -> memref<1x256x128xf32, #tpu.memory_space<hbm>>
    %dma_start3A_236 = tpu.memref_squeeze %dma_start3A_235 : memref<1x256x128xf32, #tpu.memory_space<hbm>> -> memref<256x128xf32, #tpu.memory_space<hbm>>
    tpu.enqueue_dma source(%dma_start3A_236 : memref<256x128xf32, #tpu.memory_space<hbm>>) target(%dma_start3A_233 : memref<256x128xf32, #tpu.memory_space<vmem>>) target_semaphore(%dma_start3A_229 : memref<!tpu.dma_semaphore, #tpu.memory_space<semaphore_mem>>)
    %scan3A_237 = arith.constant 0 : i32
    %scan3A_238 = arith.constant 256 : i32
    %scan3A_239 = arith.addi %scan3A_237, %scan3A_238 : i32
    %scan3A_240 = arith.constant 1 : i32
    %scan3A_241:8 = scf.for %scan3A_669 = %scan3A_237 to %scan3A_239 step %scan3A_240 iter_args(%scan3A_670 = %scan3A_163#0, %scan3A_671 = %scan3A_163#1, %scan3A_672 = %scan3A_163#2, %scan3A_673 = %scan3A_163#3, %scan3A_674 = %scan3A_163#4, %scan3A_675 = %scan3A_163#5, %scan3A_676 = %scan3A_163#6, %scan3A_677 = %scan3A_163#7) -> (vector<16xf32>, vector<16xf32>, vector<16xf32>, vector<16xf32>, vector<16xf32>, vector<16xf32>, vector<16xf32>, vector<16xf32>)  : i32 {
      %add3A_678 = arith.constant 1 : i32
      %add3A_679 = arith.addi %scan3A_669, %add3A_678 : i32
      %mul3A_680 = arith.constant 1 : i32
      %mul3A_681 = arith.muli %add3A_679, %mul3A_680 : i32
      %sub3A_682 = arith.constant 256 : i32
      %sub3A_683 = arith.subi %sub3A_682, %mul3A_681 : i32
      %add3A_684 = arith.constant 0 : i32
      %add3A_685 = arith.addi %sub3A_683, %add3A_684 : i32
      %get3A = arith.constant 2 : i32
      %get3A_686 = arith.index_cast %get3A : i32 to index
      %get3A_687 = arith.index_cast %add3A_685 : i32 to index
      %get3A_688 = arith.constant 0 : index
      %get3A_689 = tpu.vector_load %arg4[%get3A_686, %get3A_687, %get3A_688] {strides = array<i32>} : memref<3x256x128xf32, #tpu.memory_space<vmem>>, vector<1x1x16xf32>,
      %get3A_690 = vector.shape_cast %get3A_689 : vector<1x1x16xf32> to vector<16xf32>
      %add3A_691 = arith.addf %get3A_690, %scan3A_670 : vector<16xf32>
      %swap3A = arith.constant 2 : i32
      %swap3A_692 = arith.index_cast %swap3A : i32 to index
      %swap3A_693 = arith.index_cast %add3A_685 : i32 to index
      %swap3A_694 = arith.constant 0 : index
      %swap3A_695 = tpu.vector_load %arg4[%swap3A_692, %swap3A_693, %swap3A_694] {strides = array<i32>} : memref<3x256x128xf32, #tpu.memory_space<vmem>>, vector<1x1x16xf32>,
      %swap3A_696 = vector.shape_cast %swap3A_695 : vector<1x1x16xf32> to vector<16xf32>
      %swap3A_697 = vector.shape_cast %add3A_691 : vector<16xf32> to vector<1x1x16xf32>
      tpu.vector_store %arg4[%swap3A_692, %swap3A_693, %swap3A_694], %swap3A_697 {strides = array<i32>} : memref<3x256x128xf32, #tpu.memory_space<vmem>>, vector<1x1x16xf32>,
      %get3A_698 = arith.constant 2 : i32
      %get3A_699 = arith.index_cast %get3A_698 : i32 to index
      %get3A_700 = arith.index_cast %add3A_685 : i32 to index
      %get3A_701 = arith.constant 16 : index
      %get3A_702 = tpu.vector_load %arg4[%get3A_699, %get3A_700, %get3A_701] {strides = array<i32>} : memref<3x256x128xf32, #tpu.memory_space<vmem>>, vector<1x1x16xf32>,
      %get3A_703 = vector.shape_cast %get3A_702 : vector<1x1x16xf32> to vector<16xf32>
      %add3A_704 = arith.addf %get3A_703, %scan3A_671 : vector<16xf32>
      %swap3A_705 = arith.constant 2 : i32
      %swap3A_706 = arith.index_cast %swap3A_705 : i32 to index
      %swap3A_707 = arith.index_cast %add3A_685 : i32 to index
      %swap3A_708 = arith.constant 16 : index
      %swap3A_709 = tpu.vector_load %arg4[%swap3A_706, %swap3A_707, %swap3A_708] {strides = array<i32>} : memref<3x256x128xf32, #tpu.memory_space<vmem>>, vector<1x1x16xf32>,
      %swap3A_710 = vector.shape_cast %swap3A_709 : vector<1x1x16xf32> to vector<16xf32>
      %swap3A_711 = vector.shape_cast %add3A_704 : vector<16xf32> to vector<1x1x16xf32>
      tpu.vector_store %arg4[%swap3A_706, %swap3A_707, %swap3A_708], %swap3A_711 {strides = array<i32>} : memref<3x256x128xf32, #tpu.memory_space<vmem>>, vector<1x1x16xf32>,
      %get3A_712 = arith.constant 2 : i32
      %get3A_713 = arith.index_cast %get3A_712 : i32 to index
      %get3A_714 = arith.index_cast %add3A_685 : i32 to index
      %get3A_715 = arith.constant 32 : index
      %get3A_716 = tpu.vector_load %arg4[%get3A_713, %get3A_714, %get3A_715] {strides = array<i32>} : memref<3x256x128xf32, #tpu.memory_space<vmem>>, vector<1x1x16xf32>,
      %get3A_717 = vector.shape_cast %get3A_716 : vector<1x1x16xf32> to vector<16xf32>
      %add3A_718 = arith.addf %get3A_717, %scan3A_672 : vector<16xf32>
      %swap3A_719 = arith.constant 2 : i32
      %swap3A_720 = arith.index_cast %swap3A_719 : i32 to index
      %swap3A_721 = arith.index_cast %add3A_685 : i32 to index
      %swap3A_722 = arith.constant 32 : index
      %swap3A_723 = tpu.vector_load %arg4[%swap3A_720, %swap3A_721, %swap3A_722] {strides = array<i32>} : memref<3x256x128xf32, #tpu.memory_space<vmem>>, vector<1x1x16xf32>,
      %swap3A_724 = vector.shape_cast %swap3A_723 : vector<1x1x16xf32> to vector<16xf32>
      %swap3A_725 = vector.shape_cast %add3A_718 : vector<16xf32> to vector<1x1x16xf32>
      tpu.vector_store %arg4[%swap3A_720, %swap3A_721, %swap3A_722], %swap3A_725 {strides = array<i32>} : memref<3x256x128xf32, #tpu.memory_space<vmem>>, vector<1x1x16xf32>,
      %get3A_726 = arith.constant 2 : i32
      %get3A_727 = arith.index_cast %get3A_726 : i32 to index
      %get3A_728 = arith.index_cast %add3A_685 : i32 to index
      %get3A_729 = arith.constant 48 : index
      %get3A_730 = tpu.vector_load %arg4[%get3A_727, %get3A_728, %get3A_729] {strides = array<i32>} : memref<3x256x128xf32, #tpu.memory_space<vmem>>, vector<1x1x16xf32>,
      %get3A_731 = vector.shape_cast %get3A_730 : vector<1x1x16xf32> to vector<16xf32>
      %add3A_732 = arith.addf %get3A_731, %scan3A_673 : vector<16xf32>
      %swap3A_733 = arith.constant 2 : i32
      %swap3A_734 = arith.index_cast %swap3A_733 : i32 to index
      %swap3A_735 = arith.index_cast %add3A_685 : i32 to index
      %swap3A_736 = arith.constant 48 : index
      %swap3A_737 = tpu.vector_load %arg4[%swap3A_734, %swap3A_735, %swap3A_736] {strides = array<i32>} : memref<3x256x128xf32, #tpu.memory_space<vmem>>, vector<1x1x16xf32>,
      %swap3A_738 = vector.shape_cast %swap3A_737 : vector<1x1x16xf32> to vector<16xf32>
      %swap3A_739 = vector.shape_cast %add3A_732 : vector<16xf32> to vector<1x1x16xf32>
      tpu.vector_store %arg4[%swap3A_734, %swap3A_735, %swap3A_736], %swap3A_739 {strides = array<i32>} : memref<3x256x128xf32, #tpu.memory_space<vmem>>, vector<1x1x16xf32>,
      %get3A_740 = arith.constant 2 : i32
      %get3A_741 = arith.index_cast %get3A_740 : i32 to index
      %get3A_742 = arith.index_cast %add3A_685 : i32 to index
      %get3A_743 = arith.constant 64 : index
      %get3A_744 = tpu.vector_load %arg4[%get3A_741, %get3A_742, %get3A_743] {strides = array<i32>} : memref<3x256x128xf32, #tpu.memory_space<vmem>>, vector<1x1x16xf32>,
      %get3A_745 = vector.shape_cast %get3A_744 : vector<1x1x16xf32> to vector<16xf32>
      %add3A_746 = arith.addf %get3A_745, %scan3A_674 : vector<16xf32>
      %swap3A_747 = arith.constant 2 : i32
      %swap3A_748 = arith.index_cast %swap3A_747 : i32 to index
      %swap3A_749 = arith.index_cast %add3A_685 : i32 to index
      %swap3A_750 = arith.constant 64 : index
      %swap3A_751 = tpu.vector_load %arg4[%swap3A_748, %swap3A_749, %swap3A_750] {strides = array<i32>} : memref<3x256x128xf32, #tpu.memory_space<vmem>>, vector<1x1x16xf32>,
      %swap3A_752 = vector.shape_cast %swap3A_751 : vector<1x1x16xf32> to vector<16xf32>
      %swap3A_753 = vector.shape_cast %add3A_746 : vector<16xf32> to vector<1x1x16xf32>
      tpu.vector_store %arg4[%swap3A_748, %swap3A_749, %swap3A_750], %swap3A_753 {strides = array<i32>} : memref<3x256x128xf32, #tpu.memory_space<vmem>>, vector<1x1x16xf32>,
      %get3A_754 = arith.constant 2 : i32
      %get3A_755 = arith.index_cast %get3A_754 : i32 to index
      %get3A_756 = arith.index_cast %add3A_685 : i32 to index
      %get3A_757 = arith.constant 80 : index
      %get3A_758 = tpu.vector_load %arg4[%get3A_755, %get3A_756, %get3A_757] {strides = array<i32>} : memref<3x256x128xf32, #tpu.memory_space<vmem>>, vector<1x1x16xf32>,
      %get3A_759 = vector.shape_cast %get3A_758 : vector<1x1x16xf32> to vector<16xf32>
      %add3A_760 = arith.addf %get3A_759, %scan3A_675 : vector<16xf32>
      %swap3A_761 = arith.constant 2 : i32
      %swap3A_762 = arith.index_cast %swap3A_761 : i32 to index
      %swap3A_763 = arith.index_cast %add3A_685 : i32 to index
      %swap3A_764 = arith.constant 80 : index
      %swap3A_765 = tpu.vector_load %arg4[%swap3A_762, %swap3A_763, %swap3A_764] {strides = array<i32>} : memref<3x256x128xf32, #tpu.memory_space<vmem>>, vector<1x1x16xf32>,
      %swap3A_766 = vector.shape_cast %swap3A_765 : vector<1x1x16xf32> to vector<16xf32>
      %swap3A_767 = vector.shape_cast %add3A_760 : vector<16xf32> to vector<1x1x16xf32>
      tpu.vector_store %arg4[%swap3A_762, %swap3A_763, %swap3A_764], %swap3A_767 {strides = array<i32>} : memref<3x256x128xf32, #tpu.memory_space<vmem>>, vector<1x1x16xf32>,
      %get3A_768 = arith.constant 2 : i32
      %get3A_769 = arith.index_cast %get3A_768 : i32 to index
      %get3A_770 = arith.index_cast %add3A_685 : i32 to index
      %get3A_771 = arith.constant 96 : index
      %get3A_772 = tpu.vector_load %arg4[%get3A_769, %get3A_770, %get3A_771] {strides = array<i32>} : memref<3x256x128xf32, #tpu.memory_space<vmem>>, vector<1x1x16xf32>,
      %get3A_773 = vector.shape_cast %get3A_772 : vector<1x1x16xf32> to vector<16xf32>
      %add3A_774 = arith.addf %get3A_773, %scan3A_676 : vector<16xf32>
      %swap3A_775 = arith.constant 2 : i32
      %swap3A_776 = arith.index_cast %swap3A_775 : i32 to index
      %swap3A_777 = arith.index_cast %add3A_685 : i32 to index
      %swap3A_778 = arith.constant 96 : index
      %swap3A_779 = tpu.vector_load %arg4[%swap3A_776, %swap3A_777, %swap3A_778] {strides = array<i32>} : memref<3x256x128xf32, #tpu.memory_space<vmem>>, vector<1x1x16xf32>,
      %swap3A_780 = vector.shape_cast %swap3A_779 : vector<1x1x16xf32> to vector<16xf32>
      %swap3A_781 = vector.shape_cast %add3A_774 : vector<16xf32> to vector<1x1x16xf32>
      tpu.vector_store %arg4[%swap3A_776, %swap3A_777, %swap3A_778], %swap3A_781 {strides = array<i32>} : memref<3x256x128xf32, #tpu.memory_space<vmem>>, vector<1x1x16xf32>,
      %get3A_782 = arith.constant 2 : i32
      %get3A_783 = arith.index_cast %get3A_782 : i32 to index
      %get3A_784 = arith.index_cast %add3A_685 : i32 to index
      %get3A_785 = arith.constant 112 : index
      %get3A_786 = tpu.vector_load %arg4[%get3A_783, %get3A_784, %get3A_785] {strides = array<i32>} : memref<3x256x128xf32, #tpu.memory_space<vmem>>, vector<1x1x16xf32>,
      %get3A_787 = vector.shape_cast %get3A_786 : vector<1x1x16xf32> to vector<16xf32>
      %add3A_788 = arith.addf %get3A_787, %scan3A_677 : vector<16xf32>
      %swap3A_789 = arith.constant 2 : i32
      %swap3A_790 = arith.index_cast %swap3A_789 : i32 to index
      %swap3A_791 = arith.index_cast %add3A_685 : i32 to index
      %swap3A_792 = arith.constant 112 : index
      %swap3A_793 = tpu.vector_load %arg4[%swap3A_790, %swap3A_791, %swap3A_792] {strides = array<i32>} : memref<3x256x128xf32, #tpu.memory_space<vmem>>, vector<1x1x16xf32>,
      %swap3A_794 = vector.shape_cast %swap3A_793 : vector<1x1x16xf32> to vector<16xf32>
      %swap3A_795 = vector.shape_cast %add3A_788 : vector<16xf32> to vector<1x1x16xf32>
      tpu.vector_store %arg4[%swap3A_790, %swap3A_791, %swap3A_792], %swap3A_795 {strides = array<i32>} : memref<3x256x128xf32, #tpu.memory_space<vmem>>, vector<1x1x16xf32>,
      scf.yield %add3A_691, %add3A_704, %add3A_718, %add3A_732, %add3A_746, %add3A_760, %add3A_774, %add3A_788 : vector<16xf32>, vector<16xf32>, vector<16xf32>, vector<16xf32>, vector<16xf32>, vector<16xf32>, vector<16xf32>, vector<16xf32>
    }
    %scan3A_242 = arith.constant 256 : i32
    %dma_start3A_243 = arith.constant 2 : i32
    %dma_start3A_244 = arith.constant 2 : i32
    %dma_start3A_245 = arith.constant 0 : i32
    %dma_start3A_246 = arith.constant 0 : i32
    %dma_start3A_247 = tpu.memref_slice %arg4[%dma_start3A_243, %dma_start3A_245, %dma_start3A_246] : memref<3x256x128xf32, #tpu.memory_space<vmem>> -> memref<1x256x128xf32, #tpu.memory_space<vmem>>
    %dma_start3A_248 = tpu.memref_squeeze %dma_start3A_247 : memref<1x256x128xf32, #tpu.memory_space<vmem>> -> memref<256x128xf32, #tpu.memory_space<vmem>>
    %dma_start3A_249 = arith.constant 1280 : i32
    %dma_start3A_250 = tpu.memref_slice %arg3[%select_n3A, %dma_start3A_249, %mul3A_32] : memref<2x2048x2048xf32, #tpu.memory_space<hbm>> -> memref<1x256x128xf32, #tpu.memory_space<hbm>>
    %dma_start3A_251 = tpu.memref_squeeze %dma_start3A_250 : memref<1x256x128xf32, #tpu.memory_space<hbm>> -> memref<256x128xf32, #tpu.memory_space<hbm>>
    %dma_start3A_252 = tpu.memref_slice %arg6[%dma_start3A_244] : memref<3x!tpu.dma_semaphore, #tpu.memory_space<semaphore_mem>> -> memref<1x!tpu.dma_semaphore, #tpu.memory_space<semaphore_mem>>
    %dma_start3A_253 = tpu.memref_squeeze %dma_start3A_252 : memref<1x!tpu.dma_semaphore, #tpu.memory_space<semaphore_mem>> -> memref<!tpu.dma_semaphore, #tpu.memory_space<semaphore_mem>>
    %dma_start3A_254 = arith.constant 1280 : i32
    %dma_start3A_255 = tpu.memref_slice %arg3[%select_n3A, %dma_start3A_254, %mul3A_32] : memref<2x2048x2048xf32, #tpu.memory_space<hbm>> -> memref<1x256x128xf32, #tpu.memory_space<hbm>>
    %dma_start3A_256 = tpu.memref_squeeze %dma_start3A_255 : memref<1x256x128xf32, #tpu.memory_space<hbm>> -> memref<256x128xf32, #tpu.memory_space<hbm>>
    %dma_start3A_257 = arith.constant 0 : i32
    %dma_start3A_258 = arith.constant 0 : i32
    %dma_start3A_259 = tpu.memref_slice %arg4[%dma_start3A_243, %dma_start3A_257, %dma_start3A_258] : memref<3x256x128xf32, #tpu.memory_space<vmem>> -> memref<1x256x128xf32, #tpu.memory_space<vmem>>
    %dma_start3A_260 = tpu.memref_squeeze %dma_start3A_259 : memref<1x256x128xf32, #tpu.memory_space<vmem>> -> memref<256x128xf32, #tpu.memory_space<vmem>>
    tpu.enqueue_dma source(%dma_start3A_260 : memref<256x128xf32, #tpu.memory_space<vmem>>) target(%dma_start3A_256 : memref<256x128xf32, #tpu.memory_space<hbm>>) target_semaphore(%dma_start3A_253 : memref<!tpu.dma_semaphore, #tpu.memory_space<semaphore_mem>>)
    %dma_wait3A_261 = arith.constant 0 : i32
    %dma_wait3A_262 = arith.constant 0 : i32
    %dma_wait3A_263 = arith.constant 0 : i32
    %dma_wait3A_264 = arith.constant 0 : i32
    %dma_wait3A_265 = tpu.memref_slice %arg4[%dma_wait3A_261, %dma_wait3A_263, %dma_wait3A_264] : memref<3x256x128xf32, #tpu.memory_space<vmem>> -> memref<1x256x128xf32, #tpu.memory_space<vmem>>
    %dma_wait3A_266 = tpu.memref_squeeze %dma_wait3A_265 : memref<1x256x128xf32, #tpu.memory_space<vmem>> -> memref<256x128xf32, #tpu.memory_space<vmem>>
    %dma_wait3A_267 = arith.constant 1024 : i32
    %dma_wait3A_268 = tpu.memref_slice %arg2[%select_n3A, %dma_wait3A_267, %mul3A_32] : memref<2x2048x2048xf32, #tpu.memory_space<hbm>> -> memref<1x256x128xf32, #tpu.memory_space<hbm>>
    %dma_wait3A_269 = tpu.memref_squeeze %dma_wait3A_268 : memref<1x256x128xf32, #tpu.memory_space<hbm>> -> memref<256x128xf32, #tpu.memory_space<hbm>>
    %dma_wait3A_270 = tpu.memref_slice %arg5[%dma_wait3A_262] : memref<3x!tpu.dma_semaphore, #tpu.memory_space<semaphore_mem>> -> memref<1x!tpu.dma_semaphore, #tpu.memory_space<semaphore_mem>>
    %dma_wait3A_271 = tpu.memref_squeeze %dma_wait3A_270 : memref<1x!tpu.dma_semaphore, #tpu.memory_space<semaphore_mem>> -> memref<!tpu.dma_semaphore, #tpu.memory_space<semaphore_mem>>
    %dma_wait3A_272 = arith.constant 0 : i32
    %dma_wait3A_273 = arith.constant 0 : i32
    %dma_wait3A_274 = tpu.memref_slice %arg4[%dma_wait3A_261, %dma_wait3A_272, %dma_wait3A_273] : memref<3x256x128xf32, #tpu.memory_space<vmem>> -> memref<1x256x128xf32, #tpu.memory_space<vmem>>
    %dma_wait3A_275 = tpu.memref_squeeze %dma_wait3A_274 : memref<1x256x128xf32, #tpu.memory_space<vmem>> -> memref<256x128xf32, #tpu.memory_space<vmem>>
    %dma_wait3A_276 = arith.constant 1024 : i32
    %dma_wait3A_277 = tpu.memref_slice %arg2[%select_n3A, %dma_wait3A_276, %mul3A_32] : memref<2x2048x2048xf32, #tpu.memory_space<hbm>> -> memref<1x256x128xf32, #tpu.memory_space<hbm>>
    %dma_wait3A_278 = tpu.memref_squeeze %dma_wait3A_277 : memref<1x256x128xf32, #tpu.memory_space<hbm>> -> memref<256x128xf32, #tpu.memory_space<hbm>>
    tpu.wait_dma2 semaphore(%dma_wait3A_271 : memref<!tpu.dma_semaphore, #tpu.memory_space<semaphore_mem>>) src(%dma_wait3A_278 : memref<256x128xf32, #tpu.memory_space<hbm>>) dst(%dma_wait3A_275 : memref<256x128xf32, #tpu.memory_space<vmem>>)
    %dma_wait3A_279 = arith.constant 1 : i32
    %dma_wait3A_280 = arith.constant 1 : i32
    %dma_wait3A_281 = arith.constant 0 : i32
    %dma_wait3A_282 = arith.constant 0 : i32
    %dma_wait3A_283 = tpu.memref_slice %arg4[%dma_wait3A_279, %dma_wait3A_281, %dma_wait3A_282] : memref<3x256x128xf32, #tpu.memory_space<vmem>> -> memref<1x256x128xf32, #tpu.memory_space<vmem>>
    %dma_wait3A_284 = tpu.memref_squeeze %dma_wait3A_283 : memref<1x256x128xf32, #tpu.memory_space<vmem>> -> memref<256x128xf32, #tpu.memory_space<vmem>>
    %dma_wait3A_285 = arith.constant 1536 : i32
    %dma_wait3A_286 = tpu.memref_slice %arg3[%select_n3A, %dma_wait3A_285, %mul3A_32] : memref<2x2048x2048xf32, #tpu.memory_space<hbm>> -> memref<1x256x128xf32, #tpu.memory_space<hbm>>
    %dma_wait3A_287 = tpu.memref_squeeze %dma_wait3A_286 : memref<1x256x128xf32, #tpu.memory_space<hbm>> -> memref<256x128xf32, #tpu.memory_space<hbm>>
    %dma_wait3A_288 = tpu.memref_slice %arg6[%dma_wait3A_280] : memref<3x!tpu.dma_semaphore, #tpu.memory_space<semaphore_mem>> -> memref<1x!tpu.dma_semaphore, #tpu.memory_space<semaphore_mem>>
    %dma_wait3A_289 = tpu.memref_squeeze %dma_wait3A_288 : memref<1x!tpu.dma_semaphore, #tpu.memory_space<semaphore_mem>> -> memref<!tpu.dma_semaphore, #tpu.memory_space<semaphore_mem>>
    %dma_wait3A_290 = arith.constant 1536 : i32
    %dma_wait3A_291 = tpu.memref_slice %arg3[%select_n3A, %dma_wait3A_290, %mul3A_32] : memref<2x2048x2048xf32, #tpu.memory_space<hbm>> -> memref<1x256x128xf32, #tpu.memory_space<hbm>>
    %dma_wait3A_292 = tpu.memref_squeeze %dma_wait3A_291 : memref<1x256x128xf32, #tpu.memory_space<hbm>> -> memref<256x128xf32, #tpu.memory_space<hbm>>
    %dma_wait3A_293 = arith.constant 0 : i32
    %dma_wait3A_294 = arith.constant 0 : i32
    %dma_wait3A_295 = tpu.memref_slice %arg4[%dma_wait3A_279, %dma_wait3A_293, %dma_wait3A_294] : memref<3x256x128xf32, #tpu.memory_space<vmem>> -> memref<1x256x128xf32, #tpu.memory_space<vmem>>
    %dma_wait3A_296 = tpu.memref_squeeze %dma_wait3A_295 : memref<1x256x128xf32, #tpu.memory_space<vmem>> -> memref<256x128xf32, #tpu.memory_space<vmem>>
    tpu.wait_dma2 semaphore(%dma_wait3A_289 : memref<!tpu.dma_semaphore, #tpu.memory_space<semaphore_mem>>) src(%dma_wait3A_296 : memref<256x128xf32, #tpu.memory_space<vmem>>) dst(%dma_wait3A_292 : memref<256x128xf32, #tpu.memory_space<hbm>>)
    %dma_start3A_297 = arith.constant 1 : i32
    %dma_start3A_298 = arith.constant 1 : i32
    %dma_start3A_299 = arith.constant 0 : i32
    %dma_start3A_300 = arith.constant 0 : i32
    %dma_start3A_301 = tpu.memref_slice %arg4[%dma_start3A_297, %dma_start3A_299, %dma_start3A_300] : memref<3x256x128xf32, #tpu.memory_space<vmem>> -> memref<1x256x128xf32, #tpu.memory_space<vmem>>
    %dma_start3A_302 = tpu.memref_squeeze %dma_start3A_301 : memref<1x256x128xf32, #tpu.memory_space<vmem>> -> memref<256x128xf32, #tpu.memory_space<vmem>>
    %dma_start3A_303 = arith.constant 768 : i32
    %dma_start3A_304 = tpu.memref_slice %arg2[%select_n3A, %dma_start3A_303, %mul3A_32] : memref<2x2048x2048xf32, #tpu.memory_space<hbm>> -> memref<1x256x128xf32, #tpu.memory_space<hbm>>
    %dma_start3A_305 = tpu.memref_squeeze %dma_start3A_304 : memref<1x256x128xf32, #tpu.memory_space<hbm>> -> memref<256x128xf32, #tpu.memory_space<hbm>>
    %dma_start3A_306 = tpu.memref_slice %arg5[%dma_start3A_298] : memref<3x!tpu.dma_semaphore, #tpu.memory_space<semaphore_mem>> -> memref<1x!tpu.dma_semaphore, #tpu.memory_space<semaphore_mem>>
    %dma_start3A_307 = tpu.memref_squeeze %dma_start3A_306 : memref<1x!tpu.dma_semaphore, #tpu.memory_space<semaphore_mem>> -> memref<!tpu.dma_semaphore, #tpu.memory_space<semaphore_mem>>
    %dma_start3A_308 = arith.constant 0 : i32
    %dma_start3A_309 = arith.constant 0 : i32
    %dma_start3A_310 = tpu.memref_slice %arg4[%dma_start3A_297, %dma_start3A_308, %dma_start3A_309] : memref<3x256x128xf32, #tpu.memory_space<vmem>> -> memref<1x256x128xf32, #tpu.memory_space<vmem>>
    %dma_start3A_311 = tpu.memref_squeeze %dma_start3A_310 : memref<1x256x128xf32, #tpu.memory_space<vmem>> -> memref<256x128xf32, #tpu.memory_space<vmem>>
    %dma_start3A_312 = arith.constant 768 : i32
    %dma_start3A_313 = tpu.memref_slice %arg2[%select_n3A, %dma_start3A_312, %mul3A_32] : memref<2x2048x2048xf32, #tpu.memory_space<hbm>> -> memref<1x256x128xf32, #tpu.memory_space<hbm>>
    %dma_start3A_314 = tpu.memref_squeeze %dma_start3A_313 : memref<1x256x128xf32, #tpu.memory_space<hbm>> -> memref<256x128xf32, #tpu.memory_space<hbm>>
    tpu.enqueue_dma source(%dma_start3A_314 : memref<256x128xf32, #tpu.memory_space<hbm>>) target(%dma_start3A_311 : memref<256x128xf32, #tpu.memory_space<vmem>>) target_semaphore(%dma_start3A_307 : memref<!tpu.dma_semaphore, #tpu.memory_space<semaphore_mem>>)
    %scan3A_315 = arith.constant 0 : i32
    %scan3A_316 = arith.constant 256 : i32
    %scan3A_317 = arith.addi %scan3A_315, %scan3A_316 : i32
    %scan3A_318 = arith.constant 1 : i32
    %scan3A_319:8 = scf.for %scan3A_669 = %scan3A_315 to %scan3A_317 step %scan3A_318 iter_args(%scan3A_670 = %scan3A_241#0, %scan3A_671 = %scan3A_241#1, %scan3A_672 = %scan3A_241#2, %scan3A_673 = %scan3A_241#3, %scan3A_674 = %scan3A_241#4, %scan3A_675 = %scan3A_241#5, %scan3A_676 = %scan3A_241#6, %scan3A_677 = %scan3A_241#7) -> (vector<16xf32>, vector<16xf32>, vector<16xf32>, vector<16xf32>, vector<16xf32>, vector<16xf32>, vector<16xf32>, vector<16xf32>)  : i32 {
      %add3A_678 = arith.constant 1 : i32
      %add3A_679 = arith.addi %scan3A_669, %add3A_678 : i32
      %mul3A_680 = arith.constant 1 : i32
      %mul3A_681 = arith.muli %add3A_679, %mul3A_680 : i32
      %sub3A_682 = arith.constant 256 : i32
      %sub3A_683 = arith.subi %sub3A_682, %mul3A_681 : i32
      %add3A_684 = arith.constant 0 : i32
      %add3A_685 = arith.addi %sub3A_683, %add3A_684 : i32
      %get3A = arith.constant 0 : i32
      %get3A_686 = arith.index_cast %get3A : i32 to index
      %get3A_687 = arith.index_cast %add3A_685 : i32 to index
      %get3A_688 = arith.constant 0 : index
      %get3A_689 = tpu.vector_load %arg4[%get3A_686, %get3A_687, %get3A_688] {strides = array<i32>} : memref<3x256x128xf32, #tpu.memory_space<vmem>>, vector<1x1x16xf32>,
      %get3A_690 = vector.shape_cast %get3A_689 : vector<1x1x16xf32> to vector<16xf32>
      %add3A_691 = arith.addf %get3A_690, %scan3A_670 : vector<16xf32>
      %swap3A = arith.constant 0 : i32
      %swap3A_692 = arith.index_cast %swap3A : i32 to index
      %swap3A_693 = arith.index_cast %add3A_685 : i32 to index
      %swap3A_694 = arith.constant 0 : index
      %swap3A_695 = tpu.vector_load %arg4[%swap3A_692, %swap3A_693, %swap3A_694] {strides = array<i32>} : memref<3x256x128xf32, #tpu.memory_space<vmem>>, vector<1x1x16xf32>,
      %swap3A_696 = vector.shape_cast %swap3A_695 : vector<1x1x16xf32> to vector<16xf32>
      %swap3A_697 = vector.shape_cast %add3A_691 : vector<16xf32> to vector<1x1x16xf32>
      tpu.vector_store %arg4[%swap3A_692, %swap3A_693, %swap3A_694], %swap3A_697 {strides = array<i32>} : memref<3x256x128xf32, #tpu.memory_space<vmem>>, vector<1x1x16xf32>,
      %get3A_698 = arith.constant 0 : i32
      %get3A_699 = arith.index_cast %get3A_698 : i32 to index
      %get3A_700 = arith.index_cast %add3A_685 : i32 to index
      %get3A_701 = arith.constant 16 : index
      %get3A_702 = tpu.vector_load %arg4[%get3A_699, %get3A_700, %get3A_701] {strides = array<i32>} : memref<3x256x128xf32, #tpu.memory_space<vmem>>, vector<1x1x16xf32>,
      %get3A_703 = vector.shape_cast %get3A_702 : vector<1x1x16xf32> to vector<16xf32>
      %add3A_704 = arith.addf %get3A_703, %scan3A_671 : vector<16xf32>
      %swap3A_705 = arith.constant 0 : i32
      %swap3A_706 = arith.index_cast %swap3A_705 : i32 to index
      %swap3A_707 = arith.index_cast %add3A_685 : i32 to index
      %swap3A_708 = arith.constant 16 : index
      %swap3A_709 = tpu.vector_load %arg4[%swap3A_706, %swap3A_707, %swap3A_708] {strides = array<i32>} : memref<3x256x128xf32, #tpu.memory_space<vmem>>, vector<1x1x16xf32>,
      %swap3A_710 = vector.shape_cast %swap3A_709 : vector<1x1x16xf32> to vector<16xf32>
      %swap3A_711 = vector.shape_cast %add3A_704 : vector<16xf32> to vector<1x1x16xf32>
      tpu.vector_store %arg4[%swap3A_706, %swap3A_707, %swap3A_708], %swap3A_711 {strides = array<i32>} : memref<3x256x128xf32, #tpu.memory_space<vmem>>, vector<1x1x16xf32>,
      %get3A_712 = arith.constant 0 : i32
      %get3A_713 = arith.index_cast %get3A_712 : i32 to index
      %get3A_714 = arith.index_cast %add3A_685 : i32 to index
      %get3A_715 = arith.constant 32 : index
      %get3A_716 = tpu.vector_load %arg4[%get3A_713, %get3A_714, %get3A_715] {strides = array<i32>} : memref<3x256x128xf32, #tpu.memory_space<vmem>>, vector<1x1x16xf32>,
      %get3A_717 = vector.shape_cast %get3A_716 : vector<1x1x16xf32> to vector<16xf32>
      %add3A_718 = arith.addf %get3A_717, %scan3A_672 : vector<16xf32>
      %swap3A_719 = arith.constant 0 : i32
      %swap3A_720 = arith.index_cast %swap3A_719 : i32 to index
      %swap3A_721 = arith.index_cast %add3A_685 : i32 to index
      %swap3A_722 = arith.constant 32 : index
      %swap3A_723 = tpu.vector_load %arg4[%swap3A_720, %swap3A_721, %swap3A_722] {strides = array<i32>} : memref<3x256x128xf32, #tpu.memory_space<vmem>>, vector<1x1x16xf32>,
      %swap3A_724 = vector.shape_cast %swap3A_723 : vector<1x1x16xf32> to vector<16xf32>
      %swap3A_725 = vector.shape_cast %add3A_718 : vector<16xf32> to vector<1x1x16xf32>
      tpu.vector_store %arg4[%swap3A_720, %swap3A_721, %swap3A_722], %swap3A_725 {strides = array<i32>} : memref<3x256x128xf32, #tpu.memory_space<vmem>>, vector<1x1x16xf32>,
      %get3A_726 = arith.constant 0 : i32
      %get3A_727 = arith.index_cast %get3A_726 : i32 to index
      %get3A_728 = arith.index_cast %add3A_685 : i32 to index
      %get3A_729 = arith.constant 48 : index
      %get3A_730 = tpu.vector_load %arg4[%get3A_727, %get3A_728, %get3A_729] {strides = array<i32>} : memref<3x256x128xf32, #tpu.memory_space<vmem>>, vector<1x1x16xf32>,
      %get3A_731 = vector.shape_cast %get3A_730 : vector<1x1x16xf32> to vector<16xf32>
      %add3A_732 = arith.addf %get3A_731, %scan3A_673 : vector<16xf32>
      %swap3A_733 = arith.constant 0 : i32
      %swap3A_734 = arith.index_cast %swap3A_733 : i32 to index
      %swap3A_735 = arith.index_cast %add3A_685 : i32 to index
      %swap3A_736 = arith.constant 48 : index
      %swap3A_737 = tpu.vector_load %arg4[%swap3A_734, %swap3A_735, %swap3A_736] {strides = array<i32>} : memref<3x256x128xf32, #tpu.memory_space<vmem>>, vector<1x1x16xf32>,
      %swap3A_738 = vector.shape_cast %swap3A_737 : vector<1x1x16xf32> to vector<16xf32>
      %swap3A_739 = vector.shape_cast %add3A_732 : vector<16xf32> to vector<1x1x16xf32>
      tpu.vector_store %arg4[%swap3A_734, %swap3A_735, %swap3A_736], %swap3A_739 {strides = array<i32>} : memref<3x256x128xf32, #tpu.memory_space<vmem>>, vector<1x1x16xf32>,
      %get3A_740 = arith.constant 0 : i32
      %get3A_741 = arith.index_cast %get3A_740 : i32 to index
      %get3A_742 = arith.index_cast %add3A_685 : i32 to index
      %get3A_743 = arith.constant 64 : index
      %get3A_744 = tpu.vector_load %arg4[%get3A_741, %get3A_742, %get3A_743] {strides = array<i32>} : memref<3x256x128xf32, #tpu.memory_space<vmem>>, vector<1x1x16xf32>,
      %get3A_745 = vector.shape_cast %get3A_744 : vector<1x1x16xf32> to vector<16xf32>
      %add3A_746 = arith.addf %get3A_745, %scan3A_674 : vector<16xf32>
      %swap3A_747 = arith.constant 0 : i32
      %swap3A_748 = arith.index_cast %swap3A_747 : i32 to index
      %swap3A_749 = arith.index_cast %add3A_685 : i32 to index
      %swap3A_750 = arith.constant 64 : index
      %swap3A_751 = tpu.vector_load %arg4[%swap3A_748, %swap3A_749, %swap3A_750] {strides = array<i32>} : memref<3x256x128xf32, #tpu.memory_space<vmem>>, vector<1x1x16xf32>,
      %swap3A_752 = vector.shape_cast %swap3A_751 : vector<1x1x16xf32> to vector<16xf32>
      %swap3A_753 = vector.shape_cast %add3A_746 : vector<16xf32> to vector<1x1x16xf32>
      tpu.vector_store %arg4[%swap3A_748, %swap3A_749, %swap3A_750], %swap3A_753 {strides = array<i32>} : memref<3x256x128xf32, #tpu.memory_space<vmem>>, vector<1x1x16xf32>,
      %get3A_754 = arith.constant 0 : i32
      %get3A_755 = arith.index_cast %get3A_754 : i32 to index
      %get3A_756 = arith.index_cast %add3A_685 : i32 to index
      %get3A_757 = arith.constant 80 : index
      %get3A_758 = tpu.vector_load %arg4[%get3A_755, %get3A_756, %get3A_757] {strides = array<i32>} : memref<3x256x128xf32, #tpu.memory_space<vmem>>, vector<1x1x16xf32>,
      %get3A_759 = vector.shape_cast %get3A_758 : vector<1x1x16xf32> to vector<16xf32>
      %add3A_760 = arith.addf %get3A_759, %scan3A_675 : vector<16xf32>
      %swap3A_761 = arith.constant 0 : i32
      %swap3A_762 = arith.index_cast %swap3A_761 : i32 to index
      %swap3A_763 = arith.index_cast %add3A_685 : i32 to index
      %swap3A_764 = arith.constant 80 : index
      %swap3A_765 = tpu.vector_load %arg4[%swap3A_762, %swap3A_763, %swap3A_764] {strides = array<i32>} : memref<3x256x128xf32, #tpu.memory_space<vmem>>, vector<1x1x16xf32>,
      %swap3A_766 = vector.shape_cast %swap3A_765 : vector<1x1x16xf32> to vector<16xf32>
      %swap3A_767 = vector.shape_cast %add3A_760 : vector<16xf32> to vector<1x1x16xf32>
      tpu.vector_store %arg4[%swap3A_762, %swap3A_763, %swap3A_764], %swap3A_767 {strides = array<i32>} : memref<3x256x128xf32, #tpu.memory_space<vmem>>, vector<1x1x16xf32>,
      %get3A_768 = arith.constant 0 : i32
      %get3A_769 = arith.index_cast %get3A_768 : i32 to index
      %get3A_770 = arith.index_cast %add3A_685 : i32 to index
      %get3A_771 = arith.constant 96 : index
      %get3A_772 = tpu.vector_load %arg4[%get3A_769, %get3A_770, %get3A_771] {strides = array<i32>} : memref<3x256x128xf32, #tpu.memory_space<vmem>>, vector<1x1x16xf32>,
      %get3A_773 = vector.shape_cast %get3A_772 : vector<1x1x16xf32> to vector<16xf32>
      %add3A_774 = arith.addf %get3A_773, %scan3A_676 : vector<16xf32>
      %swap3A_775 = arith.constant 0 : i32
      %swap3A_776 = arith.index_cast %swap3A_775 : i32 to index
      %swap3A_777 = arith.index_cast %add3A_685 : i32 to index
      %swap3A_778 = arith.constant 96 : index
      %swap3A_779 = tpu.vector_load %arg4[%swap3A_776, %swap3A_777, %swap3A_778] {strides = array<i32>} : memref<3x256x128xf32, #tpu.memory_space<vmem>>, vector<1x1x16xf32>,
      %swap3A_780 = vector.shape_cast %swap3A_779 : vector<1x1x16xf32> to vector<16xf32>
      %swap3A_781 = vector.shape_cast %add3A_774 : vector<16xf32> to vector<1x1x16xf32>
      tpu.vector_store %arg4[%swap3A_776, %swap3A_777, %swap3A_778], %swap3A_781 {strides = array<i32>} : memref<3x256x128xf32, #tpu.memory_space<vmem>>, vector<1x1x16xf32>,
      %get3A_782 = arith.constant 0 : i32
      %get3A_783 = arith.index_cast %get3A_782 : i32 to index
      %get3A_784 = arith.index_cast %add3A_685 : i32 to index
      %get3A_785 = arith.constant 112 : index
      %get3A_786 = tpu.vector_load %arg4[%get3A_783, %get3A_784, %get3A_785] {strides = array<i32>} : memref<3x256x128xf32, #tpu.memory_space<vmem>>, vector<1x1x16xf32>,
      %get3A_787 = vector.shape_cast %get3A_786 : vector<1x1x16xf32> to vector<16xf32>
      %add3A_788 = arith.addf %get3A_787, %scan3A_677 : vector<16xf32>
      %swap3A_789 = arith.constant 0 : i32
      %swap3A_790 = arith.index_cast %swap3A_789 : i32 to index
      %swap3A_791 = arith.index_cast %add3A_685 : i32 to index
      %swap3A_792 = arith.constant 112 : index
      %swap3A_793 = tpu.vector_load %arg4[%swap3A_790, %swap3A_791, %swap3A_792] {strides = array<i32>} : memref<3x256x128xf32, #tpu.memory_space<vmem>>, vector<1x1x16xf32>,
      %swap3A_794 = vector.shape_cast %swap3A_793 : vector<1x1x16xf32> to vector<16xf32>
      %swap3A_795 = vector.shape_cast %add3A_788 : vector<16xf32> to vector<1x1x16xf32>
      tpu.vector_store %arg4[%swap3A_790, %swap3A_791, %swap3A_792], %swap3A_795 {strides = array<i32>} : memref<3x256x128xf32, #tpu.memory_space<vmem>>, vector<1x1x16xf32>,
      scf.yield %add3A_691, %add3A_704, %add3A_718, %add3A_732, %add3A_746, %add3A_760, %add3A_774, %add3A_788 : vector<16xf32>, vector<16xf32>, vector<16xf32>, vector<16xf32>, vector<16xf32>, vector<16xf32>, vector<16xf32>, vector<16xf32>
    }
    %scan3A_320 = arith.constant 256 : i32
    %dma_start3A_321 = arith.constant 0 : i32
    %dma_start3A_322 = arith.constant 0 : i32
    %dma_start3A_323 = arith.constant 0 : i32
    %dma_start3A_324 = arith.constant 0 : i32
    %dma_start3A_325 = tpu.memref_slice %arg4[%dma_start3A_321, %dma_start3A_323, %dma_start3A_324] : memref<3x256x128xf32, #tpu.memory_space<vmem>> -> memref<1x256x128xf32, #tpu.memory_space<vmem>>
    %dma_start3A_326 = tpu.memref_squeeze %dma_start3A_325 : memref<1x256x128xf32, #tpu.memory_space<vmem>> -> memref<256x128xf32, #tpu.memory_space<vmem>>
    %dma_start3A_327 = arith.constant 1024 : i32
    %dma_start3A_328 = tpu.memref_slice %arg3[%select_n3A, %dma_start3A_327, %mul3A_32] : memref<2x2048x2048xf32, #tpu.memory_space<hbm>> -> memref<1x256x128xf32, #tpu.memory_space<hbm>>
    %dma_start3A_329 = tpu.memref_squeeze %dma_start3A_328 : memref<1x256x128xf32, #tpu.memory_space<hbm>> -> memref<256x128xf32, #tpu.memory_space<hbm>>
    %dma_start3A_330 = tpu.memref_slice %arg6[%dma_start3A_322] : memref<3x!tpu.dma_semaphore, #tpu.memory_space<semaphore_mem>> -> memref<1x!tpu.dma_semaphore, #tpu.memory_space<semaphore_mem>>
    %dma_start3A_331 = tpu.memref_squeeze %dma_start3A_330 : memref<1x!tpu.dma_semaphore, #tpu.memory_space<semaphore_mem>> -> memref<!tpu.dma_semaphore, #tpu.memory_space<semaphore_mem>>
    %dma_start3A_332 = arith.constant 1024 : i32
    %dma_start3A_333 = tpu.memref_slice %arg3[%select_n3A, %dma_start3A_332, %mul3A_32] : memref<2x2048x2048xf32, #tpu.memory_space<hbm>> -> memref<1x256x128xf32, #tpu.memory_space<hbm>>
    %dma_start3A_334 = tpu.memref_squeeze %dma_start3A_333 : memref<1x256x128xf32, #tpu.memory_space<hbm>> -> memref<256x128xf32, #tpu.memory_space<hbm>>
    %dma_start3A_335 = arith.constant 0 : i32
    %dma_start3A_336 = arith.constant 0 : i32
    %dma_start3A_337 = tpu.memref_slice %arg4[%dma_start3A_321, %dma_start3A_335, %dma_start3A_336] : memref<3x256x128xf32, #tpu.memory_space<vmem>> -> memref<1x256x128xf32, #tpu.memory_space<vmem>>
    %dma_start3A_338 = tpu.memref_squeeze %dma_start3A_337 : memref<1x256x128xf32, #tpu.memory_space<vmem>> -> memref<256x128xf32, #tpu.memory_space<vmem>>
    tpu.enqueue_dma source(%dma_start3A_338 : memref<256x128xf32, #tpu.memory_space<vmem>>) target(%dma_start3A_334 : memref<256x128xf32, #tpu.memory_space<hbm>>) target_semaphore(%dma_start3A_331 : memref<!tpu.dma_semaphore, #tpu.memory_space<semaphore_mem>>)
    %dma_wait3A_339 = arith.constant 1 : i32
    %dma_wait3A_340 = arith.constant 1 : i32
    %dma_wait3A_341 = arith.constant 0 : i32
    %dma_wait3A_342 = arith.constant 0 : i32
    %dma_wait3A_343 = tpu.memref_slice %arg4[%dma_wait3A_339, %dma_wait3A_341, %dma_wait3A_342] : memref<3x256x128xf32, #tpu.memory_space<vmem>> -> memref<1x256x128xf32, #tpu.memory_space<vmem>>
    %dma_wait3A_344 = tpu.memref_squeeze %dma_wait3A_343 : memref<1x256x128xf32, #tpu.memory_space<vmem>> -> memref<256x128xf32, #tpu.memory_space<vmem>>
    %dma_wait3A_345 = arith.constant 768 : i32
    %dma_wait3A_346 = tpu.memref_slice %arg2[%select_n3A, %dma_wait3A_345, %mul3A_32] : memref<2x2048x2048xf32, #tpu.memory_space<hbm>> -> memref<1x256x128xf32, #tpu.memory_space<hbm>>
    %dma_wait3A_347 = tpu.memref_squeeze %dma_wait3A_346 : memref<1x256x128xf32, #tpu.memory_space<hbm>> -> memref<256x128xf32, #tpu.memory_space<hbm>>
    %dma_wait3A_348 = tpu.memref_slice %arg5[%dma_wait3A_340] : memref<3x!tpu.dma_semaphore, #tpu.memory_space<semaphore_mem>> -> memref<1x!tpu.dma_semaphore, #tpu.memory_space<semaphore_mem>>
    %dma_wait3A_349 = tpu.memref_squeeze %dma_wait3A_348 : memref<1x!tpu.dma_semaphore, #tpu.memory_space<semaphore_mem>> -> memref<!tpu.dma_semaphore, #tpu.memory_space<semaphore_mem>>
    %dma_wait3A_350 = arith.constant 0 : i32
    %dma_wait3A_351 = arith.constant 0 : i32
    %dma_wait3A_352 = tpu.memref_slice %arg4[%dma_wait3A_339, %dma_wait3A_350, %dma_wait3A_351] : memref<3x256x128xf32, #tpu.memory_space<vmem>> -> memref<1x256x128xf32, #tpu.memory_space<vmem>>
    %dma_wait3A_353 = tpu.memref_squeeze %dma_wait3A_352 : memref<1x256x128xf32, #tpu.memory_space<vmem>> -> memref<256x128xf32, #tpu.memory_space<vmem>>
    %dma_wait3A_354 = arith.constant 768 : i32
    %dma_wait3A_355 = tpu.memref_slice %arg2[%select_n3A, %dma_wait3A_354, %mul3A_32] : memref<2x2048x2048xf32, #tpu.memory_space<hbm>> -> memref<1x256x128xf32, #tpu.memory_space<hbm>>
    %dma_wait3A_356 = tpu.memref_squeeze %dma_wait3A_355 : memref<1x256x128xf32, #tpu.memory_space<hbm>> -> memref<256x128xf32, #tpu.memory_space<hbm>>
    tpu.wait_dma2 semaphore(%dma_wait3A_349 : memref<!tpu.dma_semaphore, #tpu.memory_space<semaphore_mem>>) src(%dma_wait3A_356 : memref<256x128xf32, #tpu.memory_space<hbm>>) dst(%dma_wait3A_353 : memref<256x128xf32, #tpu.memory_space<vmem>>)
    %dma_wait3A_357 = arith.constant 2 : i32
    %dma_wait3A_358 = arith.constant 2 : i32
    %dma_wait3A_359 = arith.constant 0 : i32
    %dma_wait3A_360 = arith.constant 0 : i32
    %dma_wait3A_361 = tpu.memref_slice %arg4[%dma_wait3A_357, %dma_wait3A_359, %dma_wait3A_360] : memref<3x256x128xf32, #tpu.memory_space<vmem>> -> memref<1x256x128xf32, #tpu.memory_space<vmem>>
    %dma_wait3A_362 = tpu.memref_squeeze %dma_wait3A_361 : memref<1x256x128xf32, #tpu.memory_space<vmem>> -> memref<256x128xf32, #tpu.memory_space<vmem>>
    %dma_wait3A_363 = arith.constant 1280 : i32
    %dma_wait3A_364 = tpu.memref_slice %arg3[%select_n3A, %dma_wait3A_363, %mul3A_32] : memref<2x2048x2048xf32, #tpu.memory_space<hbm>> -> memref<1x256x128xf32, #tpu.memory_space<hbm>>
    %dma_wait3A_365 = tpu.memref_squeeze %dma_wait3A_364 : memref<1x256x128xf32, #tpu.memory_space<hbm>> -> memref<256x128xf32, #tpu.memory_space<hbm>>
    %dma_wait3A_366 = tpu.memref_slice %arg6[%dma_wait3A_358] : memref<3x!tpu.dma_semaphore, #tpu.memory_space<semaphore_mem>> -> memref<1x!tpu.dma_semaphore, #tpu.memory_space<semaphore_mem>>
    %dma_wait3A_367 = tpu.memref_squeeze %dma_wait3A_366 : memref<1x!tpu.dma_semaphore, #tpu.memory_space<semaphore_mem>> -> memref<!tpu.dma_semaphore, #tpu.memory_space<semaphore_mem>>
    %dma_wait3A_368 = arith.constant 1280 : i32
    %dma_wait3A_369 = tpu.memref_slice %arg3[%select_n3A, %dma_wait3A_368, %mul3A_32] : memref<2x2048x2048xf32, #tpu.memory_space<hbm>> -> memref<1x256x128xf32, #tpu.memory_space<hbm>>
    %dma_wait3A_370 = tpu.memref_squeeze %dma_wait3A_369 : memref<1x256x128xf32, #tpu.memory_space<hbm>> -> memref<256x128xf32, #tpu.memory_space<hbm>>
    %dma_wait3A_371 = arith.constant 0 : i32
    %dma_wait3A_372 = arith.constant 0 : i32
    %dma_wait3A_373 = tpu.memref_slice %arg4[%dma_wait3A_357, %dma_wait3A_371, %dma_wait3A_372] : memref<3x256x128xf32, #tpu.memory_space<vmem>> -> memref<1x256x128xf32, #tpu.memory_space<vmem>>
    %dma_wait3A_374 = tpu.memref_squeeze %dma_wait3A_373 : memref<1x256x128xf32, #tpu.memory_space<vmem>> -> memref<256x128xf32, #tpu.memory_space<vmem>>
    tpu.wait_dma2 semaphore(%dma_wait3A_367 : memref<!tpu.dma_semaphore, #tpu.memory_space<semaphore_mem>>) src(%dma_wait3A_374 : memref<256x128xf32, #tpu.memory_space<vmem>>) dst(%dma_wait3A_370 : memref<256x128xf32, #tpu.memory_space<hbm>>)
    %dma_start3A_375 = arith.constant 2 : i32
    %dma_start3A_376 = arith.constant 2 : i32
    %dma_start3A_377 = arith.constant 0 : i32
    %dma_start3A_378 = arith.constant 0 : i32
    %dma_start3A_379 = tpu.memref_slice %arg4[%dma_start3A_375, %dma_start3A_377, %dma_start3A_378] : memref<3x256x128xf32, #tpu.memory_space<vmem>> -> memref<1x256x128xf32, #tpu.memory_space<vmem>>
    %dma_start3A_380 = tpu.memref_squeeze %dma_start3A_379 : memref<1x256x128xf32, #tpu.memory_space<vmem>> -> memref<256x128xf32, #tpu.memory_space<vmem>>
    %dma_start3A_381 = arith.constant 512 : i32
    %dma_start3A_382 = tpu.memref_slice %arg2[%select_n3A, %dma_start3A_381, %mul3A_32] : memref<2x2048x2048xf32, #tpu.memory_space<hbm>> -> memref<1x256x128xf32, #tpu.memory_space<hbm>>
    %dma_start3A_383 = tpu.memref_squeeze %dma_start3A_382 : memref<1x256x128xf32, #tpu.memory_space<hbm>> -> memref<256x128xf32, #tpu.memory_space<hbm>>
    %dma_start3A_384 = tpu.memref_slice %arg5[%dma_start3A_376] : memref<3x!tpu.dma_semaphore, #tpu.memory_space<semaphore_mem>> -> memref<1x!tpu.dma_semaphore, #tpu.memory_space<semaphore_mem>>
    %dma_start3A_385 = tpu.memref_squeeze %dma_start3A_384 : memref<1x!tpu.dma_semaphore, #tpu.memory_space<semaphore_mem>> -> memref<!tpu.dma_semaphore, #tpu.memory_space<semaphore_mem>>
    %dma_start3A_386 = arith.constant 0 : i32
    %dma_start3A_387 = arith.constant 0 : i32
    %dma_start3A_388 = tpu.memref_slice %arg4[%dma_start3A_375, %dma_start3A_386, %dma_start3A_387] : memref<3x256x128xf32, #tpu.memory_space<vmem>> -> memref<1x256x128xf32, #tpu.memory_space<vmem>>
    %dma_start3A_389 = tpu.memref_squeeze %dma_start3A_388 : memref<1x256x128xf32, #tpu.memory_space<vmem>> -> memref<256x128xf32, #tpu.memory_space<vmem>>
    %dma_start3A_390 = arith.constant 512 : i32
    %dma_start3A_391 = tpu.memref_slice %arg2[%select_n3A, %dma_start3A_390, %mul3A_32] : memref<2x2048x2048xf32, #tpu.memory_space<hbm>> -> memref<1x256x128xf32, #tpu.memory_space<hbm>>
    %dma_start3A_392 = tpu.memref_squeeze %dma_start3A_391 : memref<1x256x128xf32, #tpu.memory_space<hbm>> -> memref<256x128xf32, #tpu.memory_space<hbm>>
    tpu.enqueue_dma source(%dma_start3A_392 : memref<256x128xf32, #tpu.memory_space<hbm>>) target(%dma_start3A_389 : memref<256x128xf32, #tpu.memory_space<vmem>>) target_semaphore(%dma_start3A_385 : memref<!tpu.dma_semaphore, #tpu.memory_space<semaphore_mem>>)
    %scan3A_393 = arith.constant 0 : i32
    %scan3A_394 = arith.constant 256 : i32
    %scan3A_395 = arith.addi %scan3A_393, %scan3A_394 : i32
    %scan3A_396 = arith.constant 1 : i32
    %scan3A_397:8 = scf.for %scan3A_669 = %scan3A_393 to %scan3A_395 step %scan3A_396 iter_args(%scan3A_670 = %scan3A_319#0, %scan3A_671 = %scan3A_319#1, %scan3A_672 = %scan3A_319#2, %scan3A_673 = %scan3A_319#3, %scan3A_674 = %scan3A_319#4, %scan3A_675 = %scan3A_319#5, %scan3A_676 = %scan3A_319#6, %scan3A_677 = %scan3A_319#7) -> (vector<16xf32>, vector<16xf32>, vector<16xf32>, vector<16xf32>, vector<16xf32>, vector<16xf32>, vector<16xf32>, vector<16xf32>)  : i32 {
      %add3A_678 = arith.constant 1 : i32
      %add3A_679 = arith.addi %scan3A_669, %add3A_678 : i32
      %mul3A_680 = arith.constant 1 : i32
      %mul3A_681 = arith.muli %add3A_679, %mul3A_680 : i32
      %sub3A_682 = arith.constant 256 : i32
      %sub3A_683 = arith.subi %sub3A_682, %mul3A_681 : i32
      %add3A_684 = arith.constant 0 : i32
      %add3A_685 = arith.addi %sub3A_683, %add3A_684 : i32
      %get3A = arith.constant 1 : i32
      %get3A_686 = arith.index_cast %get3A : i32 to index
      %get3A_687 = arith.index_cast %add3A_685 : i32 to index
      %get3A_688 = arith.constant 0 : index
      %get3A_689 = tpu.vector_load %arg4[%get3A_686, %get3A_687, %get3A_688] {strides = array<i32>} : memref<3x256x128xf32, #tpu.memory_space<vmem>>, vector<1x1x16xf32>,
      %get3A_690 = vector.shape_cast %get3A_689 : vector<1x1x16xf32> to vector<16xf32>
      %add3A_691 = arith.addf %get3A_690, %scan3A_670 : vector<16xf32>
      %swap3A = arith.constant 1 : i32
      %swap3A_692 = arith.index_cast %swap3A : i32 to index
      %swap3A_693 = arith.index_cast %add3A_685 : i32 to index
      %swap3A_694 = arith.constant 0 : index
      %swap3A_695 = tpu.vector_load %arg4[%swap3A_692, %swap3A_693, %swap3A_694] {strides = array<i32>} : memref<3x256x128xf32, #tpu.memory_space<vmem>>, vector<1x1x16xf32>,
      %swap3A_696 = vector.shape_cast %swap3A_695 : vector<1x1x16xf32> to vector<16xf32>
      %swap3A_697 = vector.shape_cast %add3A_691 : vector<16xf32> to vector<1x1x16xf32>
      tpu.vector_store %arg4[%swap3A_692, %swap3A_693, %swap3A_694], %swap3A_697 {strides = array<i32>} : memref<3x256x128xf32, #tpu.memory_space<vmem>>, vector<1x1x16xf32>,
      %get3A_698 = arith.constant 1 : i32
      %get3A_699 = arith.index_cast %get3A_698 : i32 to index
      %get3A_700 = arith.index_cast %add3A_685 : i32 to index
      %get3A_701 = arith.constant 16 : index
      %get3A_702 = tpu.vector_load %arg4[%get3A_699, %get3A_700, %get3A_701] {strides = array<i32>} : memref<3x256x128xf32, #tpu.memory_space<vmem>>, vector<1x1x16xf32>,
      %get3A_703 = vector.shape_cast %get3A_702 : vector<1x1x16xf32> to vector<16xf32>
      %add3A_704 = arith.addf %get3A_703, %scan3A_671 : vector<16xf32>
      %swap3A_705 = arith.constant 1 : i32
      %swap3A_706 = arith.index_cast %swap3A_705 : i32 to index
      %swap3A_707 = arith.index_cast %add3A_685 : i32 to index
      %swap3A_708 = arith.constant 16 : index
      %swap3A_709 = tpu.vector_load %arg4[%swap3A_706, %swap3A_707, %swap3A_708] {strides = array<i32>} : memref<3x256x128xf32, #tpu.memory_space<vmem>>, vector<1x1x16xf32>,
      %swap3A_710 = vector.shape_cast %swap3A_709 : vector<1x1x16xf32> to vector<16xf32>
      %swap3A_711 = vector.shape_cast %add3A_704 : vector<16xf32> to vector<1x1x16xf32>
      tpu.vector_store %arg4[%swap3A_706, %swap3A_707, %swap3A_708], %swap3A_711 {strides = array<i32>} : memref<3x256x128xf32, #tpu.memory_space<vmem>>, vector<1x1x16xf32>,
      %get3A_712 = arith.constant 1 : i32
      %get3A_713 = arith.index_cast %get3A_712 : i32 to index
      %get3A_714 = arith.index_cast %add3A_685 : i32 to index
      %get3A_715 = arith.constant 32 : index
      %get3A_716 = tpu.vector_load %arg4[%get3A_713, %get3A_714, %get3A_715] {strides = array<i32>} : memref<3x256x128xf32, #tpu.memory_space<vmem>>, vector<1x1x16xf32>,
      %get3A_717 = vector.shape_cast %get3A_716 : vector<1x1x16xf32> to vector<16xf32>
      %add3A_718 = arith.addf %get3A_717, %scan3A_672 : vector<16xf32>
      %swap3A_719 = arith.constant 1 : i32
      %swap3A_720 = arith.index_cast %swap3A_719 : i32 to index
      %swap3A_721 = arith.index_cast %add3A_685 : i32 to index
      %swap3A_722 = arith.constant 32 : index
      %swap3A_723 = tpu.vector_load %arg4[%swap3A_720, %swap3A_721, %swap3A_722] {strides = array<i32>} : memref<3x256x128xf32, #tpu.memory_space<vmem>>, vector<1x1x16xf32>,
      %swap3A_724 = vector.shape_cast %swap3A_723 : vector<1x1x16xf32> to vector<16xf32>
      %swap3A_725 = vector.shape_cast %add3A_718 : vector<16xf32> to vector<1x1x16xf32>
      tpu.vector_store %arg4[%swap3A_720, %swap3A_721, %swap3A_722], %swap3A_725 {strides = array<i32>} : memref<3x256x128xf32, #tpu.memory_space<vmem>>, vector<1x1x16xf32>,
      %get3A_726 = arith.constant 1 : i32
      %get3A_727 = arith.index_cast %get3A_726 : i32 to index
      %get3A_728 = arith.index_cast %add3A_685 : i32 to index
      %get3A_729 = arith.constant 48 : index
      %get3A_730 = tpu.vector_load %arg4[%get3A_727, %get3A_728, %get3A_729] {strides = array<i32>} : memref<3x256x128xf32, #tpu.memory_space<vmem>>, vector<1x1x16xf32>,
      %get3A_731 = vector.shape_cast %get3A_730 : vector<1x1x16xf32> to vector<16xf32>
      %add3A_732 = arith.addf %get3A_731, %scan3A_673 : vector<16xf32>
      %swap3A_733 = arith.constant 1 : i32
      %swap3A_734 = arith.index_cast %swap3A_733 : i32 to index
      %swap3A_735 = arith.index_cast %add3A_685 : i32 to index
      %swap3A_736 = arith.constant 48 : index
      %swap3A_737 = tpu.vector_load %arg4[%swap3A_734, %swap3A_735, %swap3A_736] {strides = array<i32>} : memref<3x256x128xf32, #tpu.memory_space<vmem>>, vector<1x1x16xf32>,
      %swap3A_738 = vector.shape_cast %swap3A_737 : vector<1x1x16xf32> to vector<16xf32>
      %swap3A_739 = vector.shape_cast %add3A_732 : vector<16xf32> to vector<1x1x16xf32>
      tpu.vector_store %arg4[%swap3A_734, %swap3A_735, %swap3A_736], %swap3A_739 {strides = array<i32>} : memref<3x256x128xf32, #tpu.memory_space<vmem>>, vector<1x1x16xf32>,
      %get3A_740 = arith.constant 1 : i32
      %get3A_741 = arith.index_cast %get3A_740 : i32 to index
      %get3A_742 = arith.index_cast %add3A_685 : i32 to index
      %get3A_743 = arith.constant 64 : index
      %get3A_744 = tpu.vector_load %arg4[%get3A_741, %get3A_742, %get3A_743] {strides = array<i32>} : memref<3x256x128xf32, #tpu.memory_space<vmem>>, vector<1x1x16xf32>,
      %get3A_745 = vector.shape_cast %get3A_744 : vector<1x1x16xf32> to vector<16xf32>
      %add3A_746 = arith.addf %get3A_745, %scan3A_674 : vector<16xf32>
      %swap3A_747 = arith.constant 1 : i32
      %swap3A_748 = arith.index_cast %swap3A_747 : i32 to index
      %swap3A_749 = arith.index_cast %add3A_685 : i32 to index
      %swap3A_750 = arith.constant 64 : index
      %swap3A_751 = tpu.vector_load %arg4[%swap3A_748, %swap3A_749, %swap3A_750] {strides = array<i32>} : memref<3x256x128xf32, #tpu.memory_space<vmem>>, vector<1x1x16xf32>,
      %swap3A_752 = vector.shape_cast %swap3A_751 : vector<1x1x16xf32> to vector<16xf32>
      %swap3A_753 = vector.shape_cast %add3A_746 : vector<16xf32> to vector<1x1x16xf32>
      tpu.vector_store %arg4[%swap3A_748, %swap3A_749, %swap3A_750], %swap3A_753 {strides = array<i32>} : memref<3x256x128xf32, #tpu.memory_space<vmem>>, vector<1x1x16xf32>,
      %get3A_754 = arith.constant 1 : i32
      %get3A_755 = arith.index_cast %get3A_754 : i32 to index
      %get3A_756 = arith.index_cast %add3A_685 : i32 to index
      %get3A_757 = arith.constant 80 : index
      %get3A_758 = tpu.vector_load %arg4[%get3A_755, %get3A_756, %get3A_757] {strides = array<i32>} : memref<3x256x128xf32, #tpu.memory_space<vmem>>, vector<1x1x16xf32>,
      %get3A_759 = vector.shape_cast %get3A_758 : vector<1x1x16xf32> to vector<16xf32>
      %add3A_760 = arith.addf %get3A_759, %scan3A_675 : vector<16xf32>
      %swap3A_761 = arith.constant 1 : i32
      %swap3A_762 = arith.index_cast %swap3A_761 : i32 to index
      %swap3A_763 = arith.index_cast %add3A_685 : i32 to index
      %swap3A_764 = arith.constant 80 : index
      %swap3A_765 = tpu.vector_load %arg4[%swap3A_762, %swap3A_763, %swap3A_764] {strides = array<i32>} : memref<3x256x128xf32, #tpu.memory_space<vmem>>, vector<1x1x16xf32>,
      %swap3A_766 = vector.shape_cast %swap3A_765 : vector<1x1x16xf32> to vector<16xf32>
      %swap3A_767 = vector.shape_cast %add3A_760 : vector<16xf32> to vector<1x1x16xf32>
      tpu.vector_store %arg4[%swap3A_762, %swap3A_763, %swap3A_764], %swap3A_767 {strides = array<i32>} : memref<3x256x128xf32, #tpu.memory_space<vmem>>, vector<1x1x16xf32>,
      %get3A_768 = arith.constant 1 : i32
      %get3A_769 = arith.index_cast %get3A_768 : i32 to index
      %get3A_770 = arith.index_cast %add3A_685 : i32 to index
      %get3A_771 = arith.constant 96 : index
      %get3A_772 = tpu.vector_load %arg4[%get3A_769, %get3A_770, %get3A_771] {strides = array<i32>} : memref<3x256x128xf32, #tpu.memory_space<vmem>>, vector<1x1x16xf32>,
      %get3A_773 = vector.shape_cast %get3A_772 : vector<1x1x16xf32> to vector<16xf32>
      %add3A_774 = arith.addf %get3A_773, %scan3A_676 : vector<16xf32>
      %swap3A_775 = arith.constant 1 : i32
      %swap3A_776 = arith.index_cast %swap3A_775 : i32 to index
      %swap3A_777 = arith.index_cast %add3A_685 : i32 to index
      %swap3A_778 = arith.constant 96 : index
      %swap3A_779 = tpu.vector_load %arg4[%swap3A_776, %swap3A_777, %swap3A_778] {strides = array<i32>} : memref<3x256x128xf32, #tpu.memory_space<vmem>>, vector<1x1x16xf32>,
      %swap3A_780 = vector.shape_cast %swap3A_779 : vector<1x1x16xf32> to vector<16xf32>
      %swap3A_781 = vector.shape_cast %add3A_774 : vector<16xf32> to vector<1x1x16xf32>
      tpu.vector_store %arg4[%swap3A_776, %swap3A_777, %swap3A_778], %swap3A_781 {strides = array<i32>} : memref<3x256x128xf32, #tpu.memory_space<vmem>>, vector<1x1x16xf32>,
      %get3A_782 = arith.constant 1 : i32
      %get3A_783 = arith.index_cast %get3A_782 : i32 to index
      %get3A_784 = arith.index_cast %add3A_685 : i32 to index
      %get3A_785 = arith.constant 112 : index
      %get3A_786 = tpu.vector_load %arg4[%get3A_783, %get3A_784, %get3A_785] {strides = array<i32>} : memref<3x256x128xf32, #tpu.memory_space<vmem>>, vector<1x1x16xf32>,
      %get3A_787 = vector.shape_cast %get3A_786 : vector<1x1x16xf32> to vector<16xf32>
      %add3A_788 = arith.addf %get3A_787, %scan3A_677 : vector<16xf32>
      %swap3A_789 = arith.constant 1 : i32
      %swap3A_790 = arith.index_cast %swap3A_789 : i32 to index
      %swap3A_791 = arith.index_cast %add3A_685 : i32 to index
      %swap3A_792 = arith.constant 112 : index
      %swap3A_793 = tpu.vector_load %arg4[%swap3A_790, %swap3A_791, %swap3A_792] {strides = array<i32>} : memref<3x256x128xf32, #tpu.memory_space<vmem>>, vector<1x1x16xf32>,
      %swap3A_794 = vector.shape_cast %swap3A_793 : vector<1x1x16xf32> to vector<16xf32>
      %swap3A_795 = vector.shape_cast %add3A_788 : vector<16xf32> to vector<1x1x16xf32>
      tpu.vector_store %arg4[%swap3A_790, %swap3A_791, %swap3A_792], %swap3A_795 {strides = array<i32>} : memref<3x256x128xf32, #tpu.memory_space<vmem>>, vector<1x1x16xf32>,
      scf.yield %add3A_691, %add3A_704, %add3A_718, %add3A_732, %add3A_746, %add3A_760, %add3A_774, %add3A_788 : vector<16xf32>, vector<16xf32>, vector<16xf32>, vector<16xf32>, vector<16xf32>, vector<16xf32>, vector<16xf32>, vector<16xf32>
    }
    %scan3A_398 = arith.constant 256 : i32
    %dma_start3A_399 = arith.constant 1 : i32
    %dma_start3A_400 = arith.constant 1 : i32
    %dma_start3A_401 = arith.constant 0 : i32
    %dma_start3A_402 = arith.constant 0 : i32
    %dma_start3A_403 = tpu.memref_slice %arg4[%dma_start3A_399, %dma_start3A_401, %dma_start3A_402] : memref<3x256x128xf32, #tpu.memory_space<vmem>> -> memref<1x256x128xf32, #tpu.memory_space<vmem>>
    %dma_start3A_404 = tpu.memref_squeeze %dma_start3A_403 : memref<1x256x128xf32, #tpu.memory_space<vmem>> -> memref<256x128xf32, #tpu.memory_space<vmem>>
    %dma_start3A_405 = arith.constant 768 : i32
    %dma_start3A_406 = tpu.memref_slice %arg3[%select_n3A, %dma_start3A_405, %mul3A_32] : memref<2x2048x2048xf32, #tpu.memory_space<hbm>> -> memref<1x256x128xf32, #tpu.memory_space<hbm>>
    %dma_start3A_407 = tpu.memref_squeeze %dma_start3A_406 : memref<1x256x128xf32, #tpu.memory_space<hbm>> -> memref<256x128xf32, #tpu.memory_space<hbm>>
    %dma_start3A_408 = tpu.memref_slice %arg6[%dma_start3A_400] : memref<3x!tpu.dma_semaphore, #tpu.memory_space<semaphore_mem>> -> memref<1x!tpu.dma_semaphore, #tpu.memory_space<semaphore_mem>>
    %dma_start3A_409 = tpu.memref_squeeze %dma_start3A_408 : memref<1x!tpu.dma_semaphore, #tpu.memory_space<semaphore_mem>> -> memref<!tpu.dma_semaphore, #tpu.memory_space<semaphore_mem>>
    %dma_start3A_410 = arith.constant 768 : i32
    %dma_start3A_411 = tpu.memref_slice %arg3[%select_n3A, %dma_start3A_410, %mul3A_32] : memref<2x2048x2048xf32, #tpu.memory_space<hbm>> -> memref<1x256x128xf32, #tpu.memory_space<hbm>>
    %dma_start3A_412 = tpu.memref_squeeze %dma_start3A_411 : memref<1x256x128xf32, #tpu.memory_space<hbm>> -> memref<256x128xf32, #tpu.memory_space<hbm>>
    %dma_start3A_413 = arith.constant 0 : i32
    %dma_start3A_414 = arith.constant 0 : i32
    %dma_start3A_415 = tpu.memref_slice %arg4[%dma_start3A_399, %dma_start3A_413, %dma_start3A_414] : memref<3x256x128xf32, #tpu.memory_space<vmem>> -> memref<1x256x128xf32, #tpu.memory_space<vmem>>
    %dma_start3A_416 = tpu.memref_squeeze %dma_start3A_415 : memref<1x256x128xf32, #tpu.memory_space<vmem>> -> memref<256x128xf32, #tpu.memory_space<vmem>>
    tpu.enqueue_dma source(%dma_start3A_416 : memref<256x128xf32, #tpu.memory_space<vmem>>) target(%dma_start3A_412 : memref<256x128xf32, #tpu.memory_space<hbm>>) target_semaphore(%dma_start3A_409 : memref<!tpu.dma_semaphore, #tpu.memory_space<semaphore_mem>>)
    %dma_wait3A_417 = arith.constant 2 : i32
    %dma_wait3A_418 = arith.constant 2 : i32
    %dma_wait3A_419 = arith.constant 0 : i32
    %dma_wait3A_420 = arith.constant 0 : i32
    %dma_wait3A_421 = tpu.memref_slice %arg4[%dma_wait3A_417, %dma_wait3A_419, %dma_wait3A_420] : memref<3x256x128xf32, #tpu.memory_space<vmem>> -> memref<1x256x128xf32, #tpu.memory_space<vmem>>
    %dma_wait3A_422 = tpu.memref_squeeze %dma_wait3A_421 : memref<1x256x128xf32, #tpu.memory_space<vmem>> -> memref<256x128xf32, #tpu.memory_space<vmem>>
    %dma_wait3A_423 = arith.constant 512 : i32
    %dma_wait3A_424 = tpu.memref_slice %arg2[%select_n3A, %dma_wait3A_423, %mul3A_32] : memref<2x2048x2048xf32, #tpu.memory_space<hbm>> -> memref<1x256x128xf32, #tpu.memory_space<hbm>>
    %dma_wait3A_425 = tpu.memref_squeeze %dma_wait3A_424 : memref<1x256x128xf32, #tpu.memory_space<hbm>> -> memref<256x128xf32, #tpu.memory_space<hbm>>
    %dma_wait3A_426 = tpu.memref_slice %arg5[%dma_wait3A_418] : memref<3x!tpu.dma_semaphore, #tpu.memory_space<semaphore_mem>> -> memref<1x!tpu.dma_semaphore, #tpu.memory_space<semaphore_mem>>
    %dma_wait3A_427 = tpu.memref_squeeze %dma_wait3A_426 : memref<1x!tpu.dma_semaphore, #tpu.memory_space<semaphore_mem>> -> memref<!tpu.dma_semaphore, #tpu.memory_space<semaphore_mem>>
    %dma_wait3A_428 = arith.constant 0 : i32
    %dma_wait3A_429 = arith.constant 0 : i32
    %dma_wait3A_430 = tpu.memref_slice %arg4[%dma_wait3A_417, %dma_wait3A_428, %dma_wait3A_429] : memref<3x256x128xf32, #tpu.memory_space<vmem>> -> memref<1x256x128xf32, #tpu.memory_space<vmem>>
    %dma_wait3A_431 = tpu.memref_squeeze %dma_wait3A_430 : memref<1x256x128xf32, #tpu.memory_space<vmem>> -> memref<256x128xf32, #tpu.memory_space<vmem>>
    %dma_wait3A_432 = arith.constant 512 : i32
    %dma_wait3A_433 = tpu.memref_slice %arg2[%select_n3A, %dma_wait3A_432, %mul3A_32] : memref<2x2048x2048xf32, #tpu.memory_space<hbm>> -> memref<1x256x128xf32, #tpu.memory_space<hbm>>
    %dma_wait3A_434 = tpu.memref_squeeze %dma_wait3A_433 : memref<1x256x128xf32, #tpu.memory_space<hbm>> -> memref<256x128xf32, #tpu.memory_space<hbm>>
    tpu.wait_dma2 semaphore(%dma_wait3A_427 : memref<!tpu.dma_semaphore, #tpu.memory_space<semaphore_mem>>) src(%dma_wait3A_434 : memref<256x128xf32, #tpu.memory_space<hbm>>) dst(%dma_wait3A_431 : memref<256x128xf32, #tpu.memory_space<vmem>>)
    %dma_wait3A_435 = arith.constant 0 : i32
    %dma_wait3A_436 = arith.constant 0 : i32
    %dma_wait3A_437 = arith.constant 0 : i32
    %dma_wait3A_438 = arith.constant 0 : i32
    %dma_wait3A_439 = tpu.memref_slice %arg4[%dma_wait3A_435, %dma_wait3A_437, %dma_wait3A_438] : memref<3x256x128xf32, #tpu.memory_space<vmem>> -> memref<1x256x128xf32, #tpu.memory_space<vmem>>
    %dma_wait3A_440 = tpu.memref_squeeze %dma_wait3A_439 : memref<1x256x128xf32, #tpu.memory_space<vmem>> -> memref<256x128xf32, #tpu.memory_space<vmem>>
    %dma_wait3A_441 = arith.constant 1024 : i32
    %dma_wait3A_442 = tpu.memref_slice %arg3[%select_n3A, %dma_wait3A_441, %mul3A_32] : memref<2x2048x2048xf32, #tpu.memory_space<hbm>> -> memref<1x256x128xf32, #tpu.memory_space<hbm>>
    %dma_wait3A_443 = tpu.memref_squeeze %dma_wait3A_442 : memref<1x256x128xf32, #tpu.memory_space<hbm>> -> memref<256x128xf32, #tpu.memory_space<hbm>>
    %dma_wait3A_444 = tpu.memref_slice %arg6[%dma_wait3A_436] : memref<3x!tpu.dma_semaphore, #tpu.memory_space<semaphore_mem>> -> memref<1x!tpu.dma_semaphore, #tpu.memory_space<semaphore_mem>>
    %dma_wait3A_445 = tpu.memref_squeeze %dma_wait3A_444 : memref<1x!tpu.dma_semaphore, #tpu.memory_space<semaphore_mem>> -> memref<!tpu.dma_semaphore, #tpu.memory_space<semaphore_mem>>
    %dma_wait3A_446 = arith.constant 1024 : i32
    %dma_wait3A_447 = tpu.memref_slice %arg3[%select_n3A, %dma_wait3A_446, %mul3A_32] : memref<2x2048x2048xf32, #tpu.memory_space<hbm>> -> memref<1x256x128xf32, #tpu.memory_space<hbm>>
    %dma_wait3A_448 = tpu.memref_squeeze %dma_wait3A_447 : memref<1x256x128xf32, #tpu.memory_space<hbm>> -> memref<256x128xf32, #tpu.memory_space<hbm>>
    %dma_wait3A_449 = arith.constant 0 : i32
    %dma_wait3A_450 = arith.constant 0 : i32
    %dma_wait3A_451 = tpu.memref_slice %arg4[%dma_wait3A_435, %dma_wait3A_449, %dma_wait3A_450] : memref<3x256x128xf32, #tpu.memory_space<vmem>> -> memref<1x256x128xf32, #tpu.memory_space<vmem>>
    %dma_wait3A_452 = tpu.memref_squeeze %dma_wait3A_451 : memref<1x256x128xf32, #tpu.memory_space<vmem>> -> memref<256x128xf32, #tpu.memory_space<vmem>>
    tpu.wait_dma2 semaphore(%dma_wait3A_445 : memref<!tpu.dma_semaphore, #tpu.memory_space<semaphore_mem>>) src(%dma_wait3A_452 : memref<256x128xf32, #tpu.memory_space<vmem>>) dst(%dma_wait3A_448 : memref<256x128xf32, #tpu.memory_space<hbm>>)
    %dma_start3A_453 = arith.constant 0 : i32
    %dma_start3A_454 = arith.constant 0 : i32
    %dma_start3A_455 = arith.constant 0 : i32
    %dma_start3A_456 = arith.constant 0 : i32
    %dma_start3A_457 = tpu.memref_slice %arg4[%dma_start3A_453, %dma_start3A_455, %dma_start3A_456] : memref<3x256x128xf32, #tpu.memory_space<vmem>> -> memref<1x256x128xf32, #tpu.memory_space<vmem>>
    %dma_start3A_458 = tpu.memref_squeeze %dma_start3A_457 : memref<1x256x128xf32, #tpu.memory_space<vmem>> -> memref<256x128xf32, #tpu.memory_space<vmem>>
    %dma_start3A_459 = arith.constant 256 : i32
    %dma_start3A_460 = tpu.memref_slice %arg2[%select_n3A, %dma_start3A_459, %mul3A_32] : memref<2x2048x2048xf32, #tpu.memory_space<hbm>> -> memref<1x256x128xf32, #tpu.memory_space<hbm>>
    %dma_start3A_461 = tpu.memref_squeeze %dma_start3A_460 : memref<1x256x128xf32, #tpu.memory_space<hbm>> -> memref<256x128xf32, #tpu.memory_space<hbm>>
    %dma_start3A_462 = tpu.memref_slice %arg5[%dma_start3A_454] : memref<3x!tpu.dma_semaphore, #tpu.memory_space<semaphore_mem>> -> memref<1x!tpu.dma_semaphore, #tpu.memory_space<semaphore_mem>>
    %dma_start3A_463 = tpu.memref_squeeze %dma_start3A_462 : memref<1x!tpu.dma_semaphore, #tpu.memory_space<semaphore_mem>> -> memref<!tpu.dma_semaphore, #tpu.memory_space<semaphore_mem>>
    %dma_start3A_464 = arith.constant 0 : i32
    %dma_start3A_465 = arith.constant 0 : i32
    %dma_start3A_466 = tpu.memref_slice %arg4[%dma_start3A_453, %dma_start3A_464, %dma_start3A_465] : memref<3x256x128xf32, #tpu.memory_space<vmem>> -> memref<1x256x128xf32, #tpu.memory_space<vmem>>
    %dma_start3A_467 = tpu.memref_squeeze %dma_start3A_466 : memref<1x256x128xf32, #tpu.memory_space<vmem>> -> memref<256x128xf32, #tpu.memory_space<vmem>>
    %dma_start3A_468 = arith.constant 256 : i32
    %dma_start3A_469 = tpu.memref_slice %arg2[%select_n3A, %dma_start3A_468, %mul3A_32] : memref<2x2048x2048xf32, #tpu.memory_space<hbm>> -> memref<1x256x128xf32, #tpu.memory_space<hbm>>
    %dma_start3A_470 = tpu.memref_squeeze %dma_start3A_469 : memref<1x256x128xf32, #tpu.memory_space<hbm>> -> memref<256x128xf32, #tpu.memory_space<hbm>>
    tpu.enqueue_dma source(%dma_start3A_470 : memref<256x128xf32, #tpu.memory_space<hbm>>) target(%dma_start3A_467 : memref<256x128xf32, #tpu.memory_space<vmem>>) target_semaphore(%dma_start3A_463 : memref<!tpu.dma_semaphore, #tpu.memory_space<semaphore_mem>>)
    %scan3A_471 = arith.constant 0 : i32
    %scan3A_472 = arith.constant 256 : i32
    %scan3A_473 = arith.addi %scan3A_471, %scan3A_472 : i32
    %scan3A_474 = arith.constant 1 : i32
    %scan3A_475:8 = scf.for %scan3A_669 = %scan3A_471 to %scan3A_473 step %scan3A_474 iter_args(%scan3A_670 = %scan3A_397#0, %scan3A_671 = %scan3A_397#1, %scan3A_672 = %scan3A_397#2, %scan3A_673 = %scan3A_397#3, %scan3A_674 = %scan3A_397#4, %scan3A_675 = %scan3A_397#5, %scan3A_676 = %scan3A_397#6, %scan3A_677 = %scan3A_397#7) -> (vector<16xf32>, vector<16xf32>, vector<16xf32>, vector<16xf32>, vector<16xf32>, vector<16xf32>, vector<16xf32>, vector<16xf32>)  : i32 {
      %add3A_678 = arith.constant 1 : i32
      %add3A_679 = arith.addi %scan3A_669, %add3A_678 : i32
      %mul3A_680 = arith.constant 1 : i32
      %mul3A_681 = arith.muli %add3A_679, %mul3A_680 : i32
      %sub3A_682 = arith.constant 256 : i32
      %sub3A_683 = arith.subi %sub3A_682, %mul3A_681 : i32
      %add3A_684 = arith.constant 0 : i32
      %add3A_685 = arith.addi %sub3A_683, %add3A_684 : i32
      %get3A = arith.constant 2 : i32
      %get3A_686 = arith.index_cast %get3A : i32 to index
      %get3A_687 = arith.index_cast %add3A_685 : i32 to index
      %get3A_688 = arith.constant 0 : index
      %get3A_689 = tpu.vector_load %arg4[%get3A_686, %get3A_687, %get3A_688] {strides = array<i32>} : memref<3x256x128xf32, #tpu.memory_space<vmem>>, vector<1x1x16xf32>,
      %get3A_690 = vector.shape_cast %get3A_689 : vector<1x1x16xf32> to vector<16xf32>
      %add3A_691 = arith.addf %get3A_690, %scan3A_670 : vector<16xf32>
      %swap3A = arith.constant 2 : i32
      %swap3A_692 = arith.index_cast %swap3A : i32 to index
      %swap3A_693 = arith.index_cast %add3A_685 : i32 to index
      %swap3A_694 = arith.constant 0 : index
      %swap3A_695 = tpu.vector_load %arg4[%swap3A_692, %swap3A_693, %swap3A_694] {strides = array<i32>} : memref<3x256x128xf32, #tpu.memory_space<vmem>>, vector<1x1x16xf32>,
      %swap3A_696 = vector.shape_cast %swap3A_695 : vector<1x1x16xf32> to vector<16xf32>
      %swap3A_697 = vector.shape_cast %add3A_691 : vector<16xf32> to vector<1x1x16xf32>
      tpu.vector_store %arg4[%swap3A_692, %swap3A_693, %swap3A_694], %swap3A_697 {strides = array<i32>} : memref<3x256x128xf32, #tpu.memory_space<vmem>>, vector<1x1x16xf32>,
      %get3A_698 = arith.constant 2 : i32
      %get3A_699 = arith.index_cast %get3A_698 : i32 to index
      %get3A_700 = arith.index_cast %add3A_685 : i32 to index
      %get3A_701 = arith.constant 16 : index
      %get3A_702 = tpu.vector_load %arg4[%get3A_699, %get3A_700, %get3A_701] {strides = array<i32>} : memref<3x256x128xf32, #tpu.memory_space<vmem>>, vector<1x1x16xf32>,
      %get3A_703 = vector.shape_cast %get3A_702 : vector<1x1x16xf32> to vector<16xf32>
      %add3A_704 = arith.addf %get3A_703, %scan3A_671 : vector<16xf32>
      %swap3A_705 = arith.constant 2 : i32
      %swap3A_706 = arith.index_cast %swap3A_705 : i32 to index
      %swap3A_707 = arith.index_cast %add3A_685 : i32 to index
      %swap3A_708 = arith.constant 16 : index
      %swap3A_709 = tpu.vector_load %arg4[%swap3A_706, %swap3A_707, %swap3A_708] {strides = array<i32>} : memref<3x256x128xf32, #tpu.memory_space<vmem>>, vector<1x1x16xf32>,
      %swap3A_710 = vector.shape_cast %swap3A_709 : vector<1x1x16xf32> to vector<16xf32>
      %swap3A_711 = vector.shape_cast %add3A_704 : vector<16xf32> to vector<1x1x16xf32>
      tpu.vector_store %arg4[%swap3A_706, %swap3A_707, %swap3A_708], %swap3A_711 {strides = array<i32>} : memref<3x256x128xf32, #tpu.memory_space<vmem>>, vector<1x1x16xf32>,
      %get3A_712 = arith.constant 2 : i32
      %get3A_713 = arith.index_cast %get3A_712 : i32 to index
      %get3A_714 = arith.index_cast %add3A_685 : i32 to index
      %get3A_715 = arith.constant 32 : index
      %get3A_716 = tpu.vector_load %arg4[%get3A_713, %get3A_714, %get3A_715] {strides = array<i32>} : memref<3x256x128xf32, #tpu.memory_space<vmem>>, vector<1x1x16xf32>,
      %get3A_717 = vector.shape_cast %get3A_716 : vector<1x1x16xf32> to vector<16xf32>
      %add3A_718 = arith.addf %get3A_717, %scan3A_672 : vector<16xf32>
      %swap3A_719 = arith.constant 2 : i32
      %swap3A_720 = arith.index_cast %swap3A_719 : i32 to index
      %swap3A_721 = arith.index_cast %add3A_685 : i32 to index
      %swap3A_722 = arith.constant 32 : index
      %swap3A_723 = tpu.vector_load %arg4[%swap3A_720, %swap3A_721, %swap3A_722] {strides = array<i32>} : memref<3x256x128xf32, #tpu.memory_space<vmem>>, vector<1x1x16xf32>,
      %swap3A_724 = vector.shape_cast %swap3A_723 : vector<1x1x16xf32> to vector<16xf32>
      %swap3A_725 = vector.shape_cast %add3A_718 : vector<16xf32> to vector<1x1x16xf32>
      tpu.vector_store %arg4[%swap3A_720, %swap3A_721, %swap3A_722], %swap3A_725 {strides = array<i32>} : memref<3x256x128xf32, #tpu.memory_space<vmem>>, vector<1x1x16xf32>,
      %get3A_726 = arith.constant 2 : i32
      %get3A_727 = arith.index_cast %get3A_726 : i32 to index
      %get3A_728 = arith.index_cast %add3A_685 : i32 to index
      %get3A_729 = arith.constant 48 : index
      %get3A_730 = tpu.vector_load %arg4[%get3A_727, %get3A_728, %get3A_729] {strides = array<i32>} : memref<3x256x128xf32, #tpu.memory_space<vmem>>, vector<1x1x16xf32>,
      %get3A_731 = vector.shape_cast %get3A_730 : vector<1x1x16xf32> to vector<16xf32>
      %add3A_732 = arith.addf %get3A_731, %scan3A_673 : vector<16xf32>
      %swap3A_733 = arith.constant 2 : i32
      %swap3A_734 = arith.index_cast %swap3A_733 : i32 to index
      %swap3A_735 = arith.index_cast %add3A_685 : i32 to index
      %swap3A_736 = arith.constant 48 : index
      %swap3A_737 = tpu.vector_load %arg4[%swap3A_734, %swap3A_735, %swap3A_736] {strides = array<i32>} : memref<3x256x128xf32, #tpu.memory_space<vmem>>, vector<1x1x16xf32>,
      %swap3A_738 = vector.shape_cast %swap3A_737 : vector<1x1x16xf32> to vector<16xf32>
      %swap3A_739 = vector.shape_cast %add3A_732 : vector<16xf32> to vector<1x1x16xf32>
      tpu.vector_store %arg4[%swap3A_734, %swap3A_735, %swap3A_736], %swap3A_739 {strides = array<i32>} : memref<3x256x128xf32, #tpu.memory_space<vmem>>, vector<1x1x16xf32>,
      %get3A_740 = arith.constant 2 : i32
      %get3A_741 = arith.index_cast %get3A_740 : i32 to index
      %get3A_742 = arith.index_cast %add3A_685 : i32 to index
      %get3A_743 = arith.constant 64 : index
      %get3A_744 = tpu.vector_load %arg4[%get3A_741, %get3A_742, %get3A_743] {strides = array<i32>} : memref<3x256x128xf32, #tpu.memory_space<vmem>>, vector<1x1x16xf32>,
      %get3A_745 = vector.shape_cast %get3A_744 : vector<1x1x16xf32> to vector<16xf32>
      %add3A_746 = arith.addf %get3A_745, %scan3A_674 : vector<16xf32>
      %swap3A_747 = arith.constant 2 : i32
      %swap3A_748 = arith.index_cast %swap3A_747 : i32 to index
      %swap3A_749 = arith.index_cast %add3A_685 : i32 to index
      %swap3A_750 = arith.constant 64 : index
      %swap3A_751 = tpu.vector_load %arg4[%swap3A_748, %swap3A_749, %swap3A_750] {strides = array<i32>} : memref<3x256x128xf32, #tpu.memory_space<vmem>>, vector<1x1x16xf32>,
      %swap3A_752 = vector.shape_cast %swap3A_751 : vector<1x1x16xf32> to vector<16xf32>
      %swap3A_753 = vector.shape_cast %add3A_746 : vector<16xf32> to vector<1x1x16xf32>
      tpu.vector_store %arg4[%swap3A_748, %swap3A_749, %swap3A_750], %swap3A_753 {strides = array<i32>} : memref<3x256x128xf32, #tpu.memory_space<vmem>>, vector<1x1x16xf32>,
      %get3A_754 = arith.constant 2 : i32
      %get3A_755 = arith.index_cast %get3A_754 : i32 to index
      %get3A_756 = arith.index_cast %add3A_685 : i32 to index
      %get3A_757 = arith.constant 80 : index
      %get3A_758 = tpu.vector_load %arg4[%get3A_755, %get3A_756, %get3A_757] {strides = array<i32>} : memref<3x256x128xf32, #tpu.memory_space<vmem>>, vector<1x1x16xf32>,
      %get3A_759 = vector.shape_cast %get3A_758 : vector<1x1x16xf32> to vector<16xf32>
      %add3A_760 = arith.addf %get3A_759, %scan3A_675 : vector<16xf32>
      %swap3A_761 = arith.constant 2 : i32
      %swap3A_762 = arith.index_cast %swap3A_761 : i32 to index
      %swap3A_763 = arith.index_cast %add3A_685 : i32 to index
      %swap3A_764 = arith.constant 80 : index
      %swap3A_765 = tpu.vector_load %arg4[%swap3A_762, %swap3A_763, %swap3A_764] {strides = array<i32>} : memref<3x256x128xf32, #tpu.memory_space<vmem>>, vector<1x1x16xf32>,
      %swap3A_766 = vector.shape_cast %swap3A_765 : vector<1x1x16xf32> to vector<16xf32>
      %swap3A_767 = vector.shape_cast %add3A_760 : vector<16xf32> to vector<1x1x16xf32>
      tpu.vector_store %arg4[%swap3A_762, %swap3A_763, %swap3A_764], %swap3A_767 {strides = array<i32>} : memref<3x256x128xf32, #tpu.memory_space<vmem>>, vector<1x1x16xf32>,
      %get3A_768 = arith.constant 2 : i32
      %get3A_769 = arith.index_cast %get3A_768 : i32 to index
      %get3A_770 = arith.index_cast %add3A_685 : i32 to index
      %get3A_771 = arith.constant 96 : index
      %get3A_772 = tpu.vector_load %arg4[%get3A_769, %get3A_770, %get3A_771] {strides = array<i32>} : memref<3x256x128xf32, #tpu.memory_space<vmem>>, vector<1x1x16xf32>,
      %get3A_773 = vector.shape_cast %get3A_772 : vector<1x1x16xf32> to vector<16xf32>
      %add3A_774 = arith.addf %get3A_773, %scan3A_676 : vector<16xf32>
      %swap3A_775 = arith.constant 2 : i32
      %swap3A_776 = arith.index_cast %swap3A_775 : i32 to index
      %swap3A_777 = arith.index_cast %add3A_685 : i32 to index
      %swap3A_778 = arith.constant 96 : index
      %swap3A_779 = tpu.vector_load %arg4[%swap3A_776, %swap3A_777, %swap3A_778] {strides = array<i32>} : memref<3x256x128xf32, #tpu.memory_space<vmem>>, vector<1x1x16xf32>,
      %swap3A_780 = vector.shape_cast %swap3A_779 : vector<1x1x16xf32> to vector<16xf32>
      %swap3A_781 = vector.shape_cast %add3A_774 : vector<16xf32> to vector<1x1x16xf32>
      tpu.vector_store %arg4[%swap3A_776, %swap3A_777, %swap3A_778], %swap3A_781 {strides = array<i32>} : memref<3x256x128xf32, #tpu.memory_space<vmem>>, vector<1x1x16xf32>,
      %get3A_782 = arith.constant 2 : i32
      %get3A_783 = arith.index_cast %get3A_782 : i32 to index
      %get3A_784 = arith.index_cast %add3A_685 : i32 to index
      %get3A_785 = arith.constant 112 : index
      %get3A_786 = tpu.vector_load %arg4[%get3A_783, %get3A_784, %get3A_785] {strides = array<i32>} : memref<3x256x128xf32, #tpu.memory_space<vmem>>, vector<1x1x16xf32>,
      %get3A_787 = vector.shape_cast %get3A_786 : vector<1x1x16xf32> to vector<16xf32>
      %add3A_788 = arith.addf %get3A_787, %scan3A_677 : vector<16xf32>
      %swap3A_789 = arith.constant 2 : i32
      %swap3A_790 = arith.index_cast %swap3A_789 : i32 to index
      %swap3A_791 = arith.index_cast %add3A_685 : i32 to index
      %swap3A_792 = arith.constant 112 : index
      %swap3A_793 = tpu.vector_load %arg4[%swap3A_790, %swap3A_791, %swap3A_792] {strides = array<i32>} : memref<3x256x128xf32, #tpu.memory_space<vmem>>, vector<1x1x16xf32>,
      %swap3A_794 = vector.shape_cast %swap3A_793 : vector<1x1x16xf32> to vector<16xf32>
      %swap3A_795 = vector.shape_cast %add3A_788 : vector<16xf32> to vector<1x1x16xf32>
      tpu.vector_store %arg4[%swap3A_790, %swap3A_791, %swap3A_792], %swap3A_795 {strides = array<i32>} : memref<3x256x128xf32, #tpu.memory_space<vmem>>, vector<1x1x16xf32>,
      scf.yield %add3A_691, %add3A_704, %add3A_718, %add3A_732, %add3A_746, %add3A_760, %add3A_774, %add3A_788 : vector<16xf32>, vector<16xf32>, vector<16xf32>, vector<16xf32>, vector<16xf32>, vector<16xf32>, vector<16xf32>, vector<16xf32>
    }
    %scan3A_476 = arith.constant 256 : i32
    %dma_start3A_477 = arith.constant 2 : i32
    %dma_start3A_478 = arith.constant 2 : i32
    %dma_start3A_479 = arith.constant 0 : i32
    %dma_start3A_480 = arith.constant 0 : i32
    %dma_start3A_481 = tpu.memref_slice %arg4[%dma_start3A_477, %dma_start3A_479, %dma_start3A_480] : memref<3x256x128xf32, #tpu.memory_space<vmem>> -> memref<1x256x128xf32, #tpu.memory_space<vmem>>
    %dma_start3A_482 = tpu.memref_squeeze %dma_start3A_481 : memref<1x256x128xf32, #tpu.memory_space<vmem>> -> memref<256x128xf32, #tpu.memory_space<vmem>>
    %dma_start3A_483 = arith.constant 512 : i32
    %dma_start3A_484 = tpu.memref_slice %arg3[%select_n3A, %dma_start3A_483, %mul3A_32] : memref<2x2048x2048xf32, #tpu.memory_space<hbm>> -> memref<1x256x128xf32, #tpu.memory_space<hbm>>
    %dma_start3A_485 = tpu.memref_squeeze %dma_start3A_484 : memref<1x256x128xf32, #tpu.memory_space<hbm>> -> memref<256x128xf32, #tpu.memory_space<hbm>>
    %dma_start3A_486 = tpu.memref_slice %arg6[%dma_start3A_478] : memref<3x!tpu.dma_semaphore, #tpu.memory_space<semaphore_mem>> -> memref<1x!tpu.dma_semaphore, #tpu.memory_space<semaphore_mem>>
    %dma_start3A_487 = tpu.memref_squeeze %dma_start3A_486 : memref<1x!tpu.dma_semaphore, #tpu.memory_space<semaphore_mem>> -> memref<!tpu.dma_semaphore, #tpu.memory_space<semaphore_mem>>
    %dma_start3A_488 = arith.constant 512 : i32
    %dma_start3A_489 = tpu.memref_slice %arg3[%select_n3A, %dma_start3A_488, %mul3A_32] : memref<2x2048x2048xf32, #tpu.memory_space<hbm>> -> memref<1x256x128xf32, #tpu.memory_space<hbm>>
    %dma_start3A_490 = tpu.memref_squeeze %dma_start3A_489 : memref<1x256x128xf32, #tpu.memory_space<hbm>> -> memref<256x128xf32, #tpu.memory_space<hbm>>
    %dma_start3A_491 = arith.constant 0 : i32
    %dma_start3A_492 = arith.constant 0 : i32
    %dma_start3A_493 = tpu.memref_slice %arg4[%dma_start3A_477, %dma_start3A_491, %dma_start3A_492] : memref<3x256x128xf32, #tpu.memory_space<vmem>> -> memref<1x256x128xf32, #tpu.memory_space<vmem>>
    %dma_start3A_494 = tpu.memref_squeeze %dma_start3A_493 : memref<1x256x128xf32, #tpu.memory_space<vmem>> -> memref<256x128xf32, #tpu.memory_space<vmem>>
    tpu.enqueue_dma source(%dma_start3A_494 : memref<256x128xf32, #tpu.memory_space<vmem>>) target(%dma_start3A_490 : memref<256x128xf32, #tpu.memory_space<hbm>>) target_semaphore(%dma_start3A_487 : memref<!tpu.dma_semaphore, #tpu.memory_space<semaphore_mem>>)
    %dma_wait3A_495 = arith.constant 0 : i32
    %dma_wait3A_496 = arith.constant 0 : i32
    %dma_wait3A_497 = arith.constant 0 : i32
    %dma_wait3A_498 = arith.constant 0 : i32
    %dma_wait3A_499 = tpu.memref_slice %arg4[%dma_wait3A_495, %dma_wait3A_497, %dma_wait3A_498] : memref<3x256x128xf32, #tpu.memory_space<vmem>> -> memref<1x256x128xf32, #tpu.memory_space<vmem>>
    %dma_wait3A_500 = tpu.memref_squeeze %dma_wait3A_499 : memref<1x256x128xf32, #tpu.memory_space<vmem>> -> memref<256x128xf32, #tpu.memory_space<vmem>>
    %dma_wait3A_501 = arith.constant 256 : i32
    %dma_wait3A_502 = tpu.memref_slice %arg2[%select_n3A, %dma_wait3A_501, %mul3A_32] : memref<2x2048x2048xf32, #tpu.memory_space<hbm>> -> memref<1x256x128xf32, #tpu.memory_space<hbm>>
    %dma_wait3A_503 = tpu.memref_squeeze %dma_wait3A_502 : memref<1x256x128xf32, #tpu.memory_space<hbm>> -> memref<256x128xf32, #tpu.memory_space<hbm>>
    %dma_wait3A_504 = tpu.memref_slice %arg5[%dma_wait3A_496] : memref<3x!tpu.dma_semaphore, #tpu.memory_space<semaphore_mem>> -> memref<1x!tpu.dma_semaphore, #tpu.memory_space<semaphore_mem>>
    %dma_wait3A_505 = tpu.memref_squeeze %dma_wait3A_504 : memref<1x!tpu.dma_semaphore, #tpu.memory_space<semaphore_mem>> -> memref<!tpu.dma_semaphore, #tpu.memory_space<semaphore_mem>>
    %dma_wait3A_506 = arith.constant 0 : i32
    %dma_wait3A_507 = arith.constant 0 : i32
    %dma_wait3A_508 = tpu.memref_slice %arg4[%dma_wait3A_495, %dma_wait3A_506, %dma_wait3A_507] : memref<3x256x128xf32, #tpu.memory_space<vmem>> -> memref<1x256x128xf32, #tpu.memory_space<vmem>>
    %dma_wait3A_509 = tpu.memref_squeeze %dma_wait3A_508 : memref<1x256x128xf32, #tpu.memory_space<vmem>> -> memref<256x128xf32, #tpu.memory_space<vmem>>
    %dma_wait3A_510 = arith.constant 256 : i32
    %dma_wait3A_511 = tpu.memref_slice %arg2[%select_n3A, %dma_wait3A_510, %mul3A_32] : memref<2x2048x2048xf32, #tpu.memory_space<hbm>> -> memref<1x256x128xf32, #tpu.memory_space<hbm>>
    %dma_wait3A_512 = tpu.memref_squeeze %dma_wait3A_511 : memref<1x256x128xf32, #tpu.memory_space<hbm>> -> memref<256x128xf32, #tpu.memory_space<hbm>>
    tpu.wait_dma2 semaphore(%dma_wait3A_505 : memref<!tpu.dma_semaphore, #tpu.memory_space<semaphore_mem>>) src(%dma_wait3A_512 : memref<256x128xf32, #tpu.memory_space<hbm>>) dst(%dma_wait3A_509 : memref<256x128xf32, #tpu.memory_space<vmem>>)
    %dma_wait3A_513 = arith.constant 1 : i32
    %dma_wait3A_514 = arith.constant 1 : i32
    %dma_wait3A_515 = arith.constant 0 : i32
    %dma_wait3A_516 = arith.constant 0 : i32
    %dma_wait3A_517 = tpu.memref_slice %arg4[%dma_wait3A_513, %dma_wait3A_515, %dma_wait3A_516] : memref<3x256x128xf32, #tpu.memory_space<vmem>> -> memref<1x256x128xf32, #tpu.memory_space<vmem>>
    %dma_wait3A_518 = tpu.memref_squeeze %dma_wait3A_517 : memref<1x256x128xf32, #tpu.memory_space<vmem>> -> memref<256x128xf32, #tpu.memory_space<vmem>>
    %dma_wait3A_519 = arith.constant 768 : i32
    %dma_wait3A_520 = tpu.memref_slice %arg3[%select_n3A, %dma_wait3A_519, %mul3A_32] : memref<2x2048x2048xf32, #tpu.memory_space<hbm>> -> memref<1x256x128xf32, #tpu.memory_space<hbm>>
    %dma_wait3A_521 = tpu.memref_squeeze %dma_wait3A_520 : memref<1x256x128xf32, #tpu.memory_space<hbm>> -> memref<256x128xf32, #tpu.memory_space<hbm>>
    %dma_wait3A_522 = tpu.memref_slice %arg6[%dma_wait3A_514] : memref<3x!tpu.dma_semaphore, #tpu.memory_space<semaphore_mem>> -> memref<1x!tpu.dma_semaphore, #tpu.memory_space<semaphore_mem>>
    %dma_wait3A_523 = tpu.memref_squeeze %dma_wait3A_522 : memref<1x!tpu.dma_semaphore, #tpu.memory_space<semaphore_mem>> -> memref<!tpu.dma_semaphore, #tpu.memory_space<semaphore_mem>>
    %dma_wait3A_524 = arith.constant 768 : i32
    %dma_wait3A_525 = tpu.memref_slice %arg3[%select_n3A, %dma_wait3A_524, %mul3A_32] : memref<2x2048x2048xf32, #tpu.memory_space<hbm>> -> memref<1x256x128xf32, #tpu.memory_space<hbm>>
    %dma_wait3A_526 = tpu.memref_squeeze %dma_wait3A_525 : memref<1x256x128xf32, #tpu.memory_space<hbm>> -> memref<256x128xf32, #tpu.memory_space<hbm>>
    %dma_wait3A_527 = arith.constant 0 : i32
    %dma_wait3A_528 = arith.constant 0 : i32
    %dma_wait3A_529 = tpu.memref_slice %arg4[%dma_wait3A_513, %dma_wait3A_527, %dma_wait3A_528] : memref<3x256x128xf32, #tpu.memory_space<vmem>> -> memref<1x256x128xf32, #tpu.memory_space<vmem>>
    %dma_wait3A_530 = tpu.memref_squeeze %dma_wait3A_529 : memref<1x256x128xf32, #tpu.memory_space<vmem>> -> memref<256x128xf32, #tpu.memory_space<vmem>>
    tpu.wait_dma2 semaphore(%dma_wait3A_523 : memref<!tpu.dma_semaphore, #tpu.memory_space<semaphore_mem>>) src(%dma_wait3A_530 : memref<256x128xf32, #tpu.memory_space<vmem>>) dst(%dma_wait3A_526 : memref<256x128xf32, #tpu.memory_space<hbm>>)
    %dma_start3A_531 = arith.constant 1 : i32
    %dma_start3A_532 = arith.constant 1 : i32
    %dma_start3A_533 = arith.constant 0 : i32
    %dma_start3A_534 = arith.constant 0 : i32
    %dma_start3A_535 = tpu.memref_slice %arg4[%dma_start3A_531, %dma_start3A_533, %dma_start3A_534] : memref<3x256x128xf32, #tpu.memory_space<vmem>> -> memref<1x256x128xf32, #tpu.memory_space<vmem>>
    %dma_start3A_536 = tpu.memref_squeeze %dma_start3A_535 : memref<1x256x128xf32, #tpu.memory_space<vmem>> -> memref<256x128xf32, #tpu.memory_space<vmem>>
    %dma_start3A_537 = arith.constant 0 : i32
    %dma_start3A_538 = tpu.memref_slice %arg2[%select_n3A, %dma_start3A_537, %mul3A_32] : memref<2x2048x2048xf32, #tpu.memory_space<hbm>> -> memref<1x256x128xf32, #tpu.memory_space<hbm>>
    %dma_start3A_539 = tpu.memref_squeeze %dma_start3A_538 : memref<1x256x128xf32, #tpu.memory_space<hbm>> -> memref<256x128xf32, #tpu.memory_space<hbm>>
    %dma_start3A_540 = tpu.memref_slice %arg5[%dma_start3A_532] : memref<3x!tpu.dma_semaphore, #tpu.memory_space<semaphore_mem>> -> memref<1x!tpu.dma_semaphore, #tpu.memory_space<semaphore_mem>>
    %dma_start3A_541 = tpu.memref_squeeze %dma_start3A_540 : memref<1x!tpu.dma_semaphore, #tpu.memory_space<semaphore_mem>> -> memref<!tpu.dma_semaphore, #tpu.memory_space<semaphore_mem>>
    %dma_start3A_542 = arith.constant 0 : i32
    %dma_start3A_543 = arith.constant 0 : i32
    %dma_start3A_544 = tpu.memref_slice %arg4[%dma_start3A_531, %dma_start3A_542, %dma_start3A_543] : memref<3x256x128xf32, #tpu.memory_space<vmem>> -> memref<1x256x128xf32, #tpu.memory_space<vmem>>
    %dma_start3A_545 = tpu.memref_squeeze %dma_start3A_544 : memref<1x256x128xf32, #tpu.memory_space<vmem>> -> memref<256x128xf32, #tpu.memory_space<vmem>>
    %dma_start3A_546 = arith.constant 0 : i32
    %dma_start3A_547 = tpu.memref_slice %arg2[%select_n3A, %dma_start3A_546, %mul3A_32] : memref<2x2048x2048xf32, #tpu.memory_space<hbm>> -> memref<1x256x128xf32, #tpu.memory_space<hbm>>
    %dma_start3A_548 = tpu.memref_squeeze %dma_start3A_547 : memref<1x256x128xf32, #tpu.memory_space<hbm>> -> memref<256x128xf32, #tpu.memory_space<hbm>>
    tpu.enqueue_dma source(%dma_start3A_548 : memref<256x128xf32, #tpu.memory_space<hbm>>) target(%dma_start3A_545 : memref<256x128xf32, #tpu.memory_space<vmem>>) target_semaphore(%dma_start3A_541 : memref<!tpu.dma_semaphore, #tpu.memory_space<semaphore_mem>>)
    %scan3A_549 = arith.constant 0 : i32
    %scan3A_550 = arith.constant 256 : i32
    %scan3A_551 = arith.addi %scan3A_549, %scan3A_550 : i32
    %scan3A_552 = arith.constant 1 : i32
    %scan3A_553:8 = scf.for %scan3A_669 = %scan3A_549 to %scan3A_551 step %scan3A_552 iter_args(%scan3A_670 = %scan3A_475#0, %scan3A_671 = %scan3A_475#1, %scan3A_672 = %scan3A_475#2, %scan3A_673 = %scan3A_475#3, %scan3A_674 = %scan3A_475#4, %scan3A_675 = %scan3A_475#5, %scan3A_676 = %scan3A_475#6, %scan3A_677 = %scan3A_475#7) -> (vector<16xf32>, vector<16xf32>, vector<16xf32>, vector<16xf32>, vector<16xf32>, vector<16xf32>, vector<16xf32>, vector<16xf32>)  : i32 {
      %add3A_678 = arith.constant 1 : i32
      %add3A_679 = arith.addi %scan3A_669, %add3A_678 : i32
      %mul3A_680 = arith.constant 1 : i32
      %mul3A_681 = arith.muli %add3A_679, %mul3A_680 : i32
      %sub3A_682 = arith.constant 256 : i32
      %sub3A_683 = arith.subi %sub3A_682, %mul3A_681 : i32
      %add3A_684 = arith.constant 0 : i32
      %add3A_685 = arith.addi %sub3A_683, %add3A_684 : i32
      %get3A = arith.constant 0 : i32
      %get3A_686 = arith.index_cast %get3A : i32 to index
      %get3A_687 = arith.index_cast %add3A_685 : i32 to index
      %get3A_688 = arith.constant 0 : index
      %get3A_689 = tpu.vector_load %arg4[%get3A_686, %get3A_687, %get3A_688] {strides = array<i32>} : memref<3x256x128xf32, #tpu.memory_space<vmem>>, vector<1x1x16xf32>,
      %get3A_690 = vector.shape_cast %get3A_689 : vector<1x1x16xf32> to vector<16xf32>
      %add3A_691 = arith.addf %get3A_690, %scan3A_670 : vector<16xf32>
      %swap3A = arith.constant 0 : i32
      %swap3A_692 = arith.index_cast %swap3A : i32 to index
      %swap3A_693 = arith.index_cast %add3A_685 : i32 to index
      %swap3A_694 = arith.constant 0 : index
      %swap3A_695 = tpu.vector_load %arg4[%swap3A_692, %swap3A_693, %swap3A_694] {strides = array<i32>} : memref<3x256x128xf32, #tpu.memory_space<vmem>>, vector<1x1x16xf32>,
      %swap3A_696 = vector.shape_cast %swap3A_695 : vector<1x1x16xf32> to vector<16xf32>
      %swap3A_697 = vector.shape_cast %add3A_691 : vector<16xf32> to vector<1x1x16xf32>
      tpu.vector_store %arg4[%swap3A_692, %swap3A_693, %swap3A_694], %swap3A_697 {strides = array<i32>} : memref<3x256x128xf32, #tpu.memory_space<vmem>>, vector<1x1x16xf32>,
      %get3A_698 = arith.constant 0 : i32
      %get3A_699 = arith.index_cast %get3A_698 : i32 to index
      %get3A_700 = arith.index_cast %add3A_685 : i32 to index
      %get3A_701 = arith.constant 16 : index
      %get3A_702 = tpu.vector_load %arg4[%get3A_699, %get3A_700, %get3A_701] {strides = array<i32>} : memref<3x256x128xf32, #tpu.memory_space<vmem>>, vector<1x1x16xf32>,
      %get3A_703 = vector.shape_cast %get3A_702 : vector<1x1x16xf32> to vector<16xf32>
      %add3A_704 = arith.addf %get3A_703, %scan3A_671 : vector<16xf32>
      %swap3A_705 = arith.constant 0 : i32
      %swap3A_706 = arith.index_cast %swap3A_705 : i32 to index
      %swap3A_707 = arith.index_cast %add3A_685 : i32 to index
      %swap3A_708 = arith.constant 16 : index
      %swap3A_709 = tpu.vector_load %arg4[%swap3A_706, %swap3A_707, %swap3A_708] {strides = array<i32>} : memref<3x256x128xf32, #tpu.memory_space<vmem>>, vector<1x1x16xf32>,
      %swap3A_710 = vector.shape_cast %swap3A_709 : vector<1x1x16xf32> to vector<16xf32>
      %swap3A_711 = vector.shape_cast %add3A_704 : vector<16xf32> to vector<1x1x16xf32>
      tpu.vector_store %arg4[%swap3A_706, %swap3A_707, %swap3A_708], %swap3A_711 {strides = array<i32>} : memref<3x256x128xf32, #tpu.memory_space<vmem>>, vector<1x1x16xf32>,
      %get3A_712 = arith.constant 0 : i32
      %get3A_713 = arith.index_cast %get3A_712 : i32 to index
      %get3A_714 = arith.index_cast %add3A_685 : i32 to index
      %get3A_715 = arith.constant 32 : index
      %get3A_716 = tpu.vector_load %arg4[%get3A_713, %get3A_714, %get3A_715] {strides = array<i32>} : memref<3x256x128xf32, #tpu.memory_space<vmem>>, vector<1x1x16xf32>,
      %get3A_717 = vector.shape_cast %get3A_716 : vector<1x1x16xf32> to vector<16xf32>
      %add3A_718 = arith.addf %get3A_717, %scan3A_672 : vector<16xf32>
      %swap3A_719 = arith.constant 0 : i32
      %swap3A_720 = arith.index_cast %swap3A_719 : i32 to index
      %swap3A_721 = arith.index_cast %add3A_685 : i32 to index
      %swap3A_722 = arith.constant 32 : index
      %swap3A_723 = tpu.vector_load %arg4[%swap3A_720, %swap3A_721, %swap3A_722] {strides = array<i32>} : memref<3x256x128xf32, #tpu.memory_space<vmem>>, vector<1x1x16xf32>,
      %swap3A_724 = vector.shape_cast %swap3A_723 : vector<1x1x16xf32> to vector<16xf32>
      %swap3A_725 = vector.shape_cast %add3A_718 : vector<16xf32> to vector<1x1x16xf32>
      tpu.vector_store %arg4[%swap3A_720, %swap3A_721, %swap3A_722], %swap3A_725 {strides = array<i32>} : memref<3x256x128xf32, #tpu.memory_space<vmem>>, vector<1x1x16xf32>,
      %get3A_726 = arith.constant 0 : i32
      %get3A_727 = arith.index_cast %get3A_726 : i32 to index
      %get3A_728 = arith.index_cast %add3A_685 : i32 to index
      %get3A_729 = arith.constant 48 : index
      %get3A_730 = tpu.vector_load %arg4[%get3A_727, %get3A_728, %get3A_729] {strides = array<i32>} : memref<3x256x128xf32, #tpu.memory_space<vmem>>, vector<1x1x16xf32>,
      %get3A_731 = vector.shape_cast %get3A_730 : vector<1x1x16xf32> to vector<16xf32>
      %add3A_732 = arith.addf %get3A_731, %scan3A_673 : vector<16xf32>
      %swap3A_733 = arith.constant 0 : i32
      %swap3A_734 = arith.index_cast %swap3A_733 : i32 to index
      %swap3A_735 = arith.index_cast %add3A_685 : i32 to index
      %swap3A_736 = arith.constant 48 : index
      %swap3A_737 = tpu.vector_load %arg4[%swap3A_734, %swap3A_735, %swap3A_736] {strides = array<i32>} : memref<3x256x128xf32, #tpu.memory_space<vmem>>, vector<1x1x16xf32>,
      %swap3A_738 = vector.shape_cast %swap3A_737 : vector<1x1x16xf32> to vector<16xf32>
      %swap3A_739 = vector.shape_cast %add3A_732 : vector<16xf32> to vector<1x1x16xf32>
      tpu.vector_store %arg4[%swap3A_734, %swap3A_735, %swap3A_736], %swap3A_739 {strides = array<i32>} : memref<3x256x128xf32, #tpu.memory_space<vmem>>, vector<1x1x16xf32>,
      %get3A_740 = arith.constant 0 : i32
      %get3A_741 = arith.index_cast %get3A_740 : i32 to index
      %get3A_742 = arith.index_cast %add3A_685 : i32 to index
      %get3A_743 = arith.constant 64 : index
      %get3A_744 = tpu.vector_load %arg4[%get3A_741, %get3A_742, %get3A_743] {strides = array<i32>} : memref<3x256x128xf32, #tpu.memory_space<vmem>>, vector<1x1x16xf32>,
      %get3A_745 = vector.shape_cast %get3A_744 : vector<1x1x16xf32> to vector<16xf32>
      %add3A_746 = arith.addf %get3A_745, %scan3A_674 : vector<16xf32>
      %swap3A_747 = arith.constant 0 : i32
      %swap3A_748 = arith.index_cast %swap3A_747 : i32 to index
      %swap3A_749 = arith.index_cast %add3A_685 : i32 to index
      %swap3A_750 = arith.constant 64 : index
      %swap3A_751 = tpu.vector_load %arg4[%swap3A_748, %swap3A_749, %swap3A_750] {strides = array<i32>} : memref<3x256x128xf32, #tpu.memory_space<vmem>>, vector<1x1x16xf32>,
      %swap3A_752 = vector.shape_cast %swap3A_751 : vector<1x1x16xf32> to vector<16xf32>
      %swap3A_753 = vector.shape_cast %add3A_746 : vector<16xf32> to vector<1x1x16xf32>
      tpu.vector_store %arg4[%swap3A_748, %swap3A_749, %swap3A_750], %swap3A_753 {strides = array<i32>} : memref<3x256x128xf32, #tpu.memory_space<vmem>>, vector<1x1x16xf32>,
      %get3A_754 = arith.constant 0 : i32
      %get3A_755 = arith.index_cast %get3A_754 : i32 to index
      %get3A_756 = arith.index_cast %add3A_685 : i32 to index
      %get3A_757 = arith.constant 80 : index
      %get3A_758 = tpu.vector_load %arg4[%get3A_755, %get3A_756, %get3A_757] {strides = array<i32>} : memref<3x256x128xf32, #tpu.memory_space<vmem>>, vector<1x1x16xf32>,
      %get3A_759 = vector.shape_cast %get3A_758 : vector<1x1x16xf32> to vector<16xf32>
      %add3A_760 = arith.addf %get3A_759, %scan3A_675 : vector<16xf32>
      %swap3A_761 = arith.constant 0 : i32
      %swap3A_762 = arith.index_cast %swap3A_761 : i32 to index
      %swap3A_763 = arith.index_cast %add3A_685 : i32 to index
      %swap3A_764 = arith.constant 80 : index
      %swap3A_765 = tpu.vector_load %arg4[%swap3A_762, %swap3A_763, %swap3A_764] {strides = array<i32>} : memref<3x256x128xf32, #tpu.memory_space<vmem>>, vector<1x1x16xf32>,
      %swap3A_766 = vector.shape_cast %swap3A_765 : vector<1x1x16xf32> to vector<16xf32>
      %swap3A_767 = vector.shape_cast %add3A_760 : vector<16xf32> to vector<1x1x16xf32>
      tpu.vector_store %arg4[%swap3A_762, %swap3A_763, %swap3A_764], %swap3A_767 {strides = array<i32>} : memref<3x256x128xf32, #tpu.memory_space<vmem>>, vector<1x1x16xf32>,
      %get3A_768 = arith.constant 0 : i32
      %get3A_769 = arith.index_cast %get3A_768 : i32 to index
      %get3A_770 = arith.index_cast %add3A_685 : i32 to index
      %get3A_771 = arith.constant 96 : index
      %get3A_772 = tpu.vector_load %arg4[%get3A_769, %get3A_770, %get3A_771] {strides = array<i32>} : memref<3x256x128xf32, #tpu.memory_space<vmem>>, vector<1x1x16xf32>,
      %get3A_773 = vector.shape_cast %get3A_772 : vector<1x1x16xf32> to vector<16xf32>
      %add3A_774 = arith.addf %get3A_773, %scan3A_676 : vector<16xf32>
      %swap3A_775 = arith.constant 0 : i32
      %swap3A_776 = arith.index_cast %swap3A_775 : i32 to index
      %swap3A_777 = arith.index_cast %add3A_685 : i32 to index
      %swap3A_778 = arith.constant 96 : index
      %swap3A_779 = tpu.vector_load %arg4[%swap3A_776, %swap3A_777, %swap3A_778] {strides = array<i32>} : memref<3x256x128xf32, #tpu.memory_space<vmem>>, vector<1x1x16xf32>,
      %swap3A_780 = vector.shape_cast %swap3A_779 : vector<1x1x16xf32> to vector<16xf32>
      %swap3A_781 = vector.shape_cast %add3A_774 : vector<16xf32> to vector<1x1x16xf32>
      tpu.vector_store %arg4[%swap3A_776, %swap3A_777, %swap3A_778], %swap3A_781 {strides = array<i32>} : memref<3x256x128xf32, #tpu.memory_space<vmem>>, vector<1x1x16xf32>,
      %get3A_782 = arith.constant 0 : i32
      %get3A_783 = arith.index_cast %get3A_782 : i32 to index
      %get3A_784 = arith.index_cast %add3A_685 : i32 to index
      %get3A_785 = arith.constant 112 : index
      %get3A_786 = tpu.vector_load %arg4[%get3A_783, %get3A_784, %get3A_785] {strides = array<i32>} : memref<3x256x128xf32, #tpu.memory_space<vmem>>, vector<1x1x16xf32>,
      %get3A_787 = vector.shape_cast %get3A_786 : vector<1x1x16xf32> to vector<16xf32>
      %add3A_788 = arith.addf %get3A_787, %scan3A_677 : vector<16xf32>
      %swap3A_789 = arith.constant 0 : i32
      %swap3A_790 = arith.index_cast %swap3A_789 : i32 to index
      %swap3A_791 = arith.index_cast %add3A_685 : i32 to index
      %swap3A_792 = arith.constant 112 : index
      %swap3A_793 = tpu.vector_load %arg4[%swap3A_790, %swap3A_791, %swap3A_792] {strides = array<i32>} : memref<3x256x128xf32, #tpu.memory_space<vmem>>, vector<1x1x16xf32>,
      %swap3A_794 = vector.shape_cast %swap3A_793 : vector<1x1x16xf32> to vector<16xf32>
      %swap3A_795 = vector.shape_cast %add3A_788 : vector<16xf32> to vector<1x1x16xf32>
      tpu.vector_store %arg4[%swap3A_790, %swap3A_791, %swap3A_792], %swap3A_795 {strides = array<i32>} : memref<3x256x128xf32, #tpu.memory_space<vmem>>, vector<1x1x16xf32>,
      scf.yield %add3A_691, %add3A_704, %add3A_718, %add3A_732, %add3A_746, %add3A_760, %add3A_774, %add3A_788 : vector<16xf32>, vector<16xf32>, vector<16xf32>, vector<16xf32>, vector<16xf32>, vector<16xf32>, vector<16xf32>, vector<16xf32>
    }
    %scan3A_554 = arith.constant 256 : i32
    %dma_start3A_555 = arith.constant 0 : i32
    %dma_start3A_556 = arith.constant 0 : i32
    %dma_start3A_557 = arith.constant 0 : i32
    %dma_start3A_558 = arith.constant 0 : i32
    %dma_start3A_559 = tpu.memref_slice %arg4[%dma_start3A_555, %dma_start3A_557, %dma_start3A_558] : memref<3x256x128xf32, #tpu.memory_space<vmem>> -> memref<1x256x128xf32, #tpu.memory_space<vmem>>
    %dma_start3A_560 = tpu.memref_squeeze %dma_start3A_559 : memref<1x256x128xf32, #tpu.memory_space<vmem>> -> memref<256x128xf32, #tpu.memory_space<vmem>>
    %dma_start3A_561 = arith.constant 256 : i32
    %dma_start3A_562 = tpu.memref_slice %arg3[%select_n3A, %dma_start3A_561, %mul3A_32] : memref<2x2048x2048xf32, #tpu.memory_space<hbm>> -> memref<1x256x128xf32, #tpu.memory_space<hbm>>
    %dma_start3A_563 = tpu.memref_squeeze %dma_start3A_562 : memref<1x256x128xf32, #tpu.memory_space<hbm>> -> memref<256x128xf32, #tpu.memory_space<hbm>>
    %dma_start3A_564 = tpu.memref_slice %arg6[%dma_start3A_556] : memref<3x!tpu.dma_semaphore, #tpu.memory_space<semaphore_mem>> -> memref<1x!tpu.dma_semaphore, #tpu.memory_space<semaphore_mem>>
    %dma_start3A_565 = tpu.memref_squeeze %dma_start3A_564 : memref<1x!tpu.dma_semaphore, #tpu.memory_space<semaphore_mem>> -> memref<!tpu.dma_semaphore, #tpu.memory_space<semaphore_mem>>
    %dma_start3A_566 = arith.constant 256 : i32
    %dma_start3A_567 = tpu.memref_slice %arg3[%select_n3A, %dma_start3A_566, %mul3A_32] : memref<2x2048x2048xf32, #tpu.memory_space<hbm>> -> memref<1x256x128xf32, #tpu.memory_space<hbm>>
    %dma_start3A_568 = tpu.memref_squeeze %dma_start3A_567 : memref<1x256x128xf32, #tpu.memory_space<hbm>> -> memref<256x128xf32, #tpu.memory_space<hbm>>
    %dma_start3A_569 = arith.constant 0 : i32
    %dma_start3A_570 = arith.constant 0 : i32
    %dma_start3A_571 = tpu.memref_slice %arg4[%dma_start3A_555, %dma_start3A_569, %dma_start3A_570] : memref<3x256x128xf32, #tpu.memory_space<vmem>> -> memref<1x256x128xf32, #tpu.memory_space<vmem>>
    %dma_start3A_572 = tpu.memref_squeeze %dma_start3A_571 : memref<1x256x128xf32, #tpu.memory_space<vmem>> -> memref<256x128xf32, #tpu.memory_space<vmem>>
    tpu.enqueue_dma source(%dma_start3A_572 : memref<256x128xf32, #tpu.memory_space<vmem>>) target(%dma_start3A_568 : memref<256x128xf32, #tpu.memory_space<hbm>>) target_semaphore(%dma_start3A_565 : memref<!tpu.dma_semaphore, #tpu.memory_space<semaphore_mem>>)
    %dma_wait3A_573 = arith.constant 1 : i32
    %dma_wait3A_574 = arith.constant 1 : i32
    %dma_wait3A_575 = arith.constant 0 : i32
    %dma_wait3A_576 = arith.constant 0 : i32
    %dma_wait3A_577 = tpu.memref_slice %arg4[%dma_wait3A_573, %dma_wait3A_575, %dma_wait3A_576] : memref<3x256x128xf32, #tpu.memory_space<vmem>> -> memref<1x256x128xf32, #tpu.memory_space<vmem>>
    %dma_wait3A_578 = tpu.memref_squeeze %dma_wait3A_577 : memref<1x256x128xf32, #tpu.memory_space<vmem>> -> memref<256x128xf32, #tpu.memory_space<vmem>>
    %dma_wait3A_579 = arith.constant 0 : i32
    %dma_wait3A_580 = tpu.memref_slice %arg2[%select_n3A, %dma_wait3A_579, %mul3A_32] : memref<2x2048x2048xf32, #tpu.memory_space<hbm>> -> memref<1x256x128xf32, #tpu.memory_space<hbm>>
    %dma_wait3A_581 = tpu.memref_squeeze %dma_wait3A_580 : memref<1x256x128xf32, #tpu.memory_space<hbm>> -> memref<256x128xf32, #tpu.memory_space<hbm>>
    %dma_wait3A_582 = tpu.memref_slice %arg5[%dma_wait3A_574] : memref<3x!tpu.dma_semaphore, #tpu.memory_space<semaphore_mem>> -> memref<1x!tpu.dma_semaphore, #tpu.memory_space<semaphore_mem>>
    %dma_wait3A_583 = tpu.memref_squeeze %dma_wait3A_582 : memref<1x!tpu.dma_semaphore, #tpu.memory_space<semaphore_mem>> -> memref<!tpu.dma_semaphore, #tpu.memory_space<semaphore_mem>>
    %dma_wait3A_584 = arith.constant 0 : i32
    %dma_wait3A_585 = arith.constant 0 : i32
    %dma_wait3A_586 = tpu.memref_slice %arg4[%dma_wait3A_573, %dma_wait3A_584, %dma_wait3A_585] : memref<3x256x128xf32, #tpu.memory_space<vmem>> -> memref<1x256x128xf32, #tpu.memory_space<vmem>>
    %dma_wait3A_587 = tpu.memref_squeeze %dma_wait3A_586 : memref<1x256x128xf32, #tpu.memory_space<vmem>> -> memref<256x128xf32, #tpu.memory_space<vmem>>
    %dma_wait3A_588 = arith.constant 0 : i32
    %dma_wait3A_589 = tpu.memref_slice %arg2[%select_n3A, %dma_wait3A_588, %mul3A_32] : memref<2x2048x2048xf32, #tpu.memory_space<hbm>> -> memref<1x256x128xf32, #tpu.memory_space<hbm>>
    %dma_wait3A_590 = tpu.memref_squeeze %dma_wait3A_589 : memref<1x256x128xf32, #tpu.memory_space<hbm>> -> memref<256x128xf32, #tpu.memory_space<hbm>>
    tpu.wait_dma2 semaphore(%dma_wait3A_583 : memref<!tpu.dma_semaphore, #tpu.memory_space<semaphore_mem>>) src(%dma_wait3A_590 : memref<256x128xf32, #tpu.memory_space<hbm>>) dst(%dma_wait3A_587 : memref<256x128xf32, #tpu.memory_space<vmem>>)
    %scan3A_591 = arith.constant 0 : i32
    %scan3A_592 = arith.constant 256 : i32
    %scan3A_593 = arith.addi %scan3A_591, %scan3A_592 : i32
    %scan3A_594 = arith.constant 1 : i32
    %scan3A_595:8 = scf.for %scan3A_669 = %scan3A_591 to %scan3A_593 step %scan3A_594 iter_args(%scan3A_670 = %scan3A_553#0, %scan3A_671 = %scan3A_553#1, %scan3A_672 = %scan3A_553#2, %scan3A_673 = %scan3A_553#3, %scan3A_674 = %scan3A_553#4, %scan3A_675 = %scan3A_553#5, %scan3A_676 = %scan3A_553#6, %scan3A_677 = %scan3A_553#7) -> (vector<16xf32>, vector<16xf32>, vector<16xf32>, vector<16xf32>, vector<16xf32>, vector<16xf32>, vector<16xf32>, vector<16xf32>)  : i32 {
      %add3A_678 = arith.constant 1 : i32
      %add3A_679 = arith.addi %scan3A_669, %add3A_678 : i32
      %mul3A_680 = arith.constant 1 : i32
      %mul3A_681 = arith.muli %add3A_679, %mul3A_680 : i32
      %sub3A_682 = arith.constant 256 : i32
      %sub3A_683 = arith.subi %sub3A_682, %mul3A_681 : i32
      %add3A_684 = arith.constant 0 : i32
      %add3A_685 = arith.addi %sub3A_683, %add3A_684 : i32
      %get3A = arith.constant 1 : i32
      %get3A_686 = arith.index_cast %get3A : i32 to index
      %get3A_687 = arith.index_cast %add3A_685 : i32 to index
      %get3A_688 = arith.constant 0 : index
      %get3A_689 = tpu.vector_load %arg4[%get3A_686, %get3A_687, %get3A_688] {strides = array<i32>} : memref<3x256x128xf32, #tpu.memory_space<vmem>>, vector<1x1x16xf32>,
      %get3A_690 = vector.shape_cast %get3A_689 : vector<1x1x16xf32> to vector<16xf32>
      %add3A_691 = arith.addf %get3A_690, %scan3A_670 : vector<16xf32>
      %swap3A = arith.constant 1 : i32
      %swap3A_692 = arith.index_cast %swap3A : i32 to index
      %swap3A_693 = arith.index_cast %add3A_685 : i32 to index
      %swap3A_694 = arith.constant 0 : index
      %swap3A_695 = tpu.vector_load %arg4[%swap3A_692, %swap3A_693, %swap3A_694] {strides = array<i32>} : memref<3x256x128xf32, #tpu.memory_space<vmem>>, vector<1x1x16xf32>,
      %swap3A_696 = vector.shape_cast %swap3A_695 : vector<1x1x16xf32> to vector<16xf32>
      %swap3A_697 = vector.shape_cast %add3A_691 : vector<16xf32> to vector<1x1x16xf32>
      tpu.vector_store %arg4[%swap3A_692, %swap3A_693, %swap3A_694], %swap3A_697 {strides = array<i32>} : memref<3x256x128xf32, #tpu.memory_space<vmem>>, vector<1x1x16xf32>,
      %get3A_698 = arith.constant 1 : i32
      %get3A_699 = arith.index_cast %get3A_698 : i32 to index
      %get3A_700 = arith.index_cast %add3A_685 : i32 to index
      %get3A_701 = arith.constant 16 : index
      %get3A_702 = tpu.vector_load %arg4[%get3A_699, %get3A_700, %get3A_701] {strides = array<i32>} : memref<3x256x128xf32, #tpu.memory_space<vmem>>, vector<1x1x16xf32>,
      %get3A_703 = vector.shape_cast %get3A_702 : vector<1x1x16xf32> to vector<16xf32>
      %add3A_704 = arith.addf %get3A_703, %scan3A_671 : vector<16xf32>
      %swap3A_705 = arith.constant 1 : i32
      %swap3A_706 = arith.index_cast %swap3A_705 : i32 to index
      %swap3A_707 = arith.index_cast %add3A_685 : i32 to index
      %swap3A_708 = arith.constant 16 : index
      %swap3A_709 = tpu.vector_load %arg4[%swap3A_706, %swap3A_707, %swap3A_708] {strides = array<i32>} : memref<3x256x128xf32, #tpu.memory_space<vmem>>, vector<1x1x16xf32>,
      %swap3A_710 = vector.shape_cast %swap3A_709 : vector<1x1x16xf32> to vector<16xf32>
      %swap3A_711 = vector.shape_cast %add3A_704 : vector<16xf32> to vector<1x1x16xf32>
      tpu.vector_store %arg4[%swap3A_706, %swap3A_707, %swap3A_708], %swap3A_711 {strides = array<i32>} : memref<3x256x128xf32, #tpu.memory_space<vmem>>, vector<1x1x16xf32>,
      %get3A_712 = arith.constant 1 : i32
      %get3A_713 = arith.index_cast %get3A_712 : i32 to index
      %get3A_714 = arith.index_cast %add3A_685 : i32 to index
      %get3A_715 = arith.constant 32 : index
      %get3A_716 = tpu.vector_load %arg4[%get3A_713, %get3A_714, %get3A_715] {strides = array<i32>} : memref<3x256x128xf32, #tpu.memory_space<vmem>>, vector<1x1x16xf32>,
      %get3A_717 = vector.shape_cast %get3A_716 : vector<1x1x16xf32> to vector<16xf32>
      %add3A_718 = arith.addf %get3A_717, %scan3A_672 : vector<16xf32>
      %swap3A_719 = arith.constant 1 : i32
      %swap3A_720 = arith.index_cast %swap3A_719 : i32 to index
      %swap3A_721 = arith.index_cast %add3A_685 : i32 to index
      %swap3A_722 = arith.constant 32 : index
      %swap3A_723 = tpu.vector_load %arg4[%swap3A_720, %swap3A_721, %swap3A_722] {strides = array<i32>} : memref<3x256x128xf32, #tpu.memory_space<vmem>>, vector<1x1x16xf32>,
      %swap3A_724 = vector.shape_cast %swap3A_723 : vector<1x1x16xf32> to vector<16xf32>
      %swap3A_725 = vector.shape_cast %add3A_718 : vector<16xf32> to vector<1x1x16xf32>
      tpu.vector_store %arg4[%swap3A_720, %swap3A_721, %swap3A_722], %swap3A_725 {strides = array<i32>} : memref<3x256x128xf32, #tpu.memory_space<vmem>>, vector<1x1x16xf32>,
      %get3A_726 = arith.constant 1 : i32
      %get3A_727 = arith.index_cast %get3A_726 : i32 to index
      %get3A_728 = arith.index_cast %add3A_685 : i32 to index
      %get3A_729 = arith.constant 48 : index
      %get3A_730 = tpu.vector_load %arg4[%get3A_727, %get3A_728, %get3A_729] {strides = array<i32>} : memref<3x256x128xf32, #tpu.memory_space<vmem>>, vector<1x1x16xf32>,
      %get3A_731 = vector.shape_cast %get3A_730 : vector<1x1x16xf32> to vector<16xf32>
      %add3A_732 = arith.addf %get3A_731, %scan3A_673 : vector<16xf32>
      %swap3A_733 = arith.constant 1 : i32
      %swap3A_734 = arith.index_cast %swap3A_733 : i32 to index
      %swap3A_735 = arith.index_cast %add3A_685 : i32 to index
      %swap3A_736 = arith.constant 48 : index
      %swap3A_737 = tpu.vector_load %arg4[%swap3A_734, %swap3A_735, %swap3A_736] {strides = array<i32>} : memref<3x256x128xf32, #tpu.memory_space<vmem>>, vector<1x1x16xf32>,
      %swap3A_738 = vector.shape_cast %swap3A_737 : vector<1x1x16xf32> to vector<16xf32>
      %swap3A_739 = vector.shape_cast %add3A_732 : vector<16xf32> to vector<1x1x16xf32>
      tpu.vector_store %arg4[%swap3A_734, %swap3A_735, %swap3A_736], %swap3A_739 {strides = array<i32>} : memref<3x256x128xf32, #tpu.memory_space<vmem>>, vector<1x1x16xf32>,
      %get3A_740 = arith.constant 1 : i32
      %get3A_741 = arith.index_cast %get3A_740 : i32 to index
      %get3A_742 = arith.index_cast %add3A_685 : i32 to index
      %get3A_743 = arith.constant 64 : index
      %get3A_744 = tpu.vector_load %arg4[%get3A_741, %get3A_742, %get3A_743] {strides = array<i32>} : memref<3x256x128xf32, #tpu.memory_space<vmem>>, vector<1x1x16xf32>,
      %get3A_745 = vector.shape_cast %get3A_744 : vector<1x1x16xf32> to vector<16xf32>
      %add3A_746 = arith.addf %get3A_745, %scan3A_674 : vector<16xf32>
      %swap3A_747 = arith.constant 1 : i32
      %swap3A_748 = arith.index_cast %swap3A_747 : i32 to index
      %swap3A_749 = arith.index_cast %add3A_685 : i32 to index
      %swap3A_750 = arith.constant 64 : index
      %swap3A_751 = tpu.vector_load %arg4[%swap3A_748, %swap3A_749, %swap3A_750] {strides = array<i32>} : memref<3x256x128xf32, #tpu.memory_space<vmem>>, vector<1x1x16xf32>,
      %swap3A_752 = vector.shape_cast %swap3A_751 : vector<1x1x16xf32> to vector<16xf32>
      %swap3A_753 = vector.shape_cast %add3A_746 : vector<16xf32> to vector<1x1x16xf32>
      tpu.vector_store %arg4[%swap3A_748, %swap3A_749, %swap3A_750], %swap3A_753 {strides = array<i32>} : memref<3x256x128xf32, #tpu.memory_space<vmem>>, vector<1x1x16xf32>,
      %get3A_754 = arith.constant 1 : i32
      %get3A_755 = arith.index_cast %get3A_754 : i32 to index
      %get3A_756 = arith.index_cast %add3A_685 : i32 to index
      %get3A_757 = arith.constant 80 : index
      %get3A_758 = tpu.vector_load %arg4[%get3A_755, %get3A_756, %get3A_757] {strides = array<i32>} : memref<3x256x128xf32, #tpu.memory_space<vmem>>, vector<1x1x16xf32>,
      %get3A_759 = vector.shape_cast %get3A_758 : vector<1x1x16xf32> to vector<16xf32>
      %add3A_760 = arith.addf %get3A_759, %scan3A_675 : vector<16xf32>
      %swap3A_761 = arith.constant 1 : i32
      %swap3A_762 = arith.index_cast %swap3A_761 : i32 to index
      %swap3A_763 = arith.index_cast %add3A_685 : i32 to index
      %swap3A_764 = arith.constant 80 : index
      %swap3A_765 = tpu.vector_load %arg4[%swap3A_762, %swap3A_763, %swap3A_764] {strides = array<i32>} : memref<3x256x128xf32, #tpu.memory_space<vmem>>, vector<1x1x16xf32>,
      %swap3A_766 = vector.shape_cast %swap3A_765 : vector<1x1x16xf32> to vector<16xf32>
      %swap3A_767 = vector.shape_cast %add3A_760 : vector<16xf32> to vector<1x1x16xf32>
      tpu.vector_store %arg4[%swap3A_762, %swap3A_763, %swap3A_764], %swap3A_767 {strides = array<i32>} : memref<3x256x128xf32, #tpu.memory_space<vmem>>, vector<1x1x16xf32>,
      %get3A_768 = arith.constant 1 : i32
      %get3A_769 = arith.index_cast %get3A_768 : i32 to index
      %get3A_770 = arith.index_cast %add3A_685 : i32 to index
      %get3A_771 = arith.constant 96 : index
      %get3A_772 = tpu.vector_load %arg4[%get3A_769, %get3A_770, %get3A_771] {strides = array<i32>} : memref<3x256x128xf32, #tpu.memory_space<vmem>>, vector<1x1x16xf32>,
      %get3A_773 = vector.shape_cast %get3A_772 : vector<1x1x16xf32> to vector<16xf32>
      %add3A_774 = arith.addf %get3A_773, %scan3A_676 : vector<16xf32>
      %swap3A_775 = arith.constant 1 : i32
      %swap3A_776 = arith.index_cast %swap3A_775 : i32 to index
      %swap3A_777 = arith.index_cast %add3A_685 : i32 to index
      %swap3A_778 = arith.constant 96 : index
      %swap3A_779 = tpu.vector_load %arg4[%swap3A_776, %swap3A_777, %swap3A_778] {strides = array<i32>} : memref<3x256x128xf32, #tpu.memory_space<vmem>>, vector<1x1x16xf32>,
      %swap3A_780 = vector.shape_cast %swap3A_779 : vector<1x1x16xf32> to vector<16xf32>
      %swap3A_781 = vector.shape_cast %add3A_774 : vector<16xf32> to vector<1x1x16xf32>
      tpu.vector_store %arg4[%swap3A_776, %swap3A_777, %swap3A_778], %swap3A_781 {strides = array<i32>} : memref<3x256x128xf32, #tpu.memory_space<vmem>>, vector<1x1x16xf32>,
      %get3A_782 = arith.constant 1 : i32
      %get3A_783 = arith.index_cast %get3A_782 : i32 to index
      %get3A_784 = arith.index_cast %add3A_685 : i32 to index
      %get3A_785 = arith.constant 112 : index
      %get3A_786 = tpu.vector_load %arg4[%get3A_783, %get3A_784, %get3A_785] {strides = array<i32>} : memref<3x256x128xf32, #tpu.memory_space<vmem>>, vector<1x1x16xf32>,
      %get3A_787 = vector.shape_cast %get3A_786 : vector<1x1x16xf32> to vector<16xf32>
      %add3A_788 = arith.addf %get3A_787, %scan3A_677 : vector<16xf32>
      %swap3A_789 = arith.constant 1 : i32
      %swap3A_790 = arith.index_cast %swap3A_789 : i32 to index
      %swap3A_791 = arith.index_cast %add3A_685 : i32 to index
      %swap3A_792 = arith.constant 112 : index
      %swap3A_793 = tpu.vector_load %arg4[%swap3A_790, %swap3A_791, %swap3A_792] {strides = array<i32>} : memref<3x256x128xf32, #tpu.memory_space<vmem>>, vector<1x1x16xf32>,
      %swap3A_794 = vector.shape_cast %swap3A_793 : vector<1x1x16xf32> to vector<16xf32>
      %swap3A_795 = vector.shape_cast %add3A_788 : vector<16xf32> to vector<1x1x16xf32>
      tpu.vector_store %arg4[%swap3A_790, %swap3A_791, %swap3A_792], %swap3A_795 {strides = array<i32>} : memref<3x256x128xf32, #tpu.memory_space<vmem>>, vector<1x1x16xf32>,
      scf.yield %add3A_691, %add3A_704, %add3A_718, %add3A_732, %add3A_746, %add3A_760, %add3A_774, %add3A_788 : vector<16xf32>, vector<16xf32>, vector<16xf32>, vector<16xf32>, vector<16xf32>, vector<16xf32>, vector<16xf32>, vector<16xf32>
    }
    %scan3A_596 = arith.constant 256 : i32
    %dma_start3A_597 = arith.constant 1 : i32
    %dma_start3A_598 = arith.constant 1 : i32
    %dma_start3A_599 = arith.constant 0 : i32
    %dma_start3A_600 = arith.constant 0 : i32
    %dma_start3A_601 = tpu.memref_slice %arg4[%dma_start3A_597, %dma_start3A_599, %dma_start3A_600] : memref<3x256x128xf32, #tpu.memory_space<vmem>> -> memref<1x256x128xf32, #tpu.memory_space<vmem>>
    %dma_start3A_602 = tpu.memref_squeeze %dma_start3A_601 : memref<1x256x128xf32, #tpu.memory_space<vmem>> -> memref<256x128xf32, #tpu.memory_space<vmem>>
    %dma_start3A_603 = arith.constant 0 : i32
    %dma_start3A_604 = tpu.memref_slice %arg3[%select_n3A, %dma_start3A_603, %mul3A_32] : memref<2x2048x2048xf32, #tpu.memory_space<hbm>> -> memref<1x256x128xf32, #tpu.memory_space<hbm>>
    %dma_start3A_605 = tpu.memref_squeeze %dma_start3A_604 : memref<1x256x128xf32, #tpu.memory_space<hbm>> -> memref<256x128xf32, #tpu.memory_space<hbm>>
    %dma_start3A_606 = tpu.memref_slice %arg6[%dma_start3A_598] : memref<3x!tpu.dma_semaphore, #tpu.memory_space<semaphore_mem>> -> memref<1x!tpu.dma_semaphore, #tpu.memory_space<semaphore_mem>>
    %dma_start3A_607 = tpu.memref_squeeze %dma_start3A_606 : memref<1x!tpu.dma_semaphore, #tpu.memory_space<semaphore_mem>> -> memref<!tpu.dma_semaphore, #tpu.memory_space<semaphore_mem>>
    %dma_start3A_608 = arith.constant 0 : i32
    %dma_start3A_609 = tpu.memref_slice %arg3[%select_n3A, %dma_start3A_608, %mul3A_32] : memref<2x2048x2048xf32, #tpu.memory_space<hbm>> -> memref<1x256x128xf32, #tpu.memory_space<hbm>>
    %dma_start3A_610 = tpu.memref_squeeze %dma_start3A_609 : memref<1x256x128xf32, #tpu.memory_space<hbm>> -> memref<256x128xf32, #tpu.memory_space<hbm>>
    %dma_start3A_611 = arith.constant 0 : i32
    %dma_start3A_612 = arith.constant 0 : i32
    %dma_start3A_613 = tpu.memref_slice %arg4[%dma_start3A_597, %dma_start3A_611, %dma_start3A_612] : memref<3x256x128xf32, #tpu.memory_space<vmem>> -> memref<1x256x128xf32, #tpu.memory_space<vmem>>
    %dma_start3A_614 = tpu.memref_squeeze %dma_start3A_613 : memref<1x256x128xf32, #tpu.memory_space<vmem>> -> memref<256x128xf32, #tpu.memory_space<vmem>>
    tpu.enqueue_dma source(%dma_start3A_614 : memref<256x128xf32, #tpu.memory_space<vmem>>) target(%dma_start3A_610 : memref<256x128xf32, #tpu.memory_space<hbm>>) target_semaphore(%dma_start3A_607 : memref<!tpu.dma_semaphore, #tpu.memory_space<semaphore_mem>>)
    %dma_wait3A_615 = arith.constant 2 : i32
    %dma_wait3A_616 = arith.constant 2 : i32
    %dma_wait3A_617 = arith.constant 0 : i32
    %dma_wait3A_618 = arith.constant 0 : i32
    %dma_wait3A_619 = tpu.memref_slice %arg4[%dma_wait3A_615, %dma_wait3A_617, %dma_wait3A_618] : memref<3x256x128xf32, #tpu.memory_space<vmem>> -> memref<1x256x128xf32, #tpu.memory_space<vmem>>
    %dma_wait3A_620 = tpu.memref_squeeze %dma_wait3A_619 : memref<1x256x128xf32, #tpu.memory_space<vmem>> -> memref<256x128xf32, #tpu.memory_space<vmem>>
    %dma_wait3A_621 = arith.constant 512 : i32
    %dma_wait3A_622 = tpu.memref_slice %arg3[%select_n3A, %dma_wait3A_621, %mul3A_32] : memref<2x2048x2048xf32, #tpu.memory_space<hbm>> -> memref<1x256x128xf32, #tpu.memory_space<hbm>>
    %dma_wait3A_623 = tpu.memref_squeeze %dma_wait3A_622 : memref<1x256x128xf32, #tpu.memory_space<hbm>> -> memref<256x128xf32, #tpu.memory_space<hbm>>
    %dma_wait3A_624 = tpu.memref_slice %arg6[%dma_wait3A_616] : memref<3x!tpu.dma_semaphore, #tpu.memory_space<semaphore_mem>> -> memref<1x!tpu.dma_semaphore, #tpu.memory_space<semaphore_mem>>
    %dma_wait3A_625 = tpu.memref_squeeze %dma_wait3A_624 : memref<1x!tpu.dma_semaphore, #tpu.memory_space<semaphore_mem>> -> memref<!tpu.dma_semaphore, #tpu.memory_space<semaphore_mem>>
    %dma_wait3A_626 = arith.constant 512 : i32
    %dma_wait3A_627 = tpu.memref_slice %arg3[%select_n3A, %dma_wait3A_626, %mul3A_32] : memref<2x2048x2048xf32, #tpu.memory_space<hbm>> -> memref<1x256x128xf32, #tpu.memory_space<hbm>>
    %dma_wait3A_628 = tpu.memref_squeeze %dma_wait3A_627 : memref<1x256x128xf32, #tpu.memory_space<hbm>> -> memref<256x128xf32, #tpu.memory_space<hbm>>
    %dma_wait3A_629 = arith.constant 0 : i32
    %dma_wait3A_630 = arith.constant 0 : i32
    %dma_wait3A_631 = tpu.memref_slice %arg4[%dma_wait3A_615, %dma_wait3A_629, %dma_wait3A_630] : memref<3x256x128xf32, #tpu.memory_space<vmem>> -> memref<1x256x128xf32, #tpu.memory_space<vmem>>
    %dma_wait3A_632 = tpu.memref_squeeze %dma_wait3A_631 : memref<1x256x128xf32, #tpu.memory_space<vmem>> -> memref<256x128xf32, #tpu.memory_space<vmem>>
    tpu.wait_dma2 semaphore(%dma_wait3A_625 : memref<!tpu.dma_semaphore, #tpu.memory_space<semaphore_mem>>) src(%dma_wait3A_632 : memref<256x128xf32, #tpu.memory_space<vmem>>) dst(%dma_wait3A_628 : memref<256x128xf32, #tpu.memory_space<hbm>>)
    %dma_wait3A_633 = arith.constant 0 : i32
    %dma_wait3A_634 = arith.constant 0 : i32
    %dma_wait3A_635 = arith.constant 0 : i32
    %dma_wait3A_636 = arith.constant 0 : i32
    %dma_wait3A_637 = tpu.memref_slice %arg4[%dma_wait3A_633, %dma_wait3A_635, %dma_wait3A_636] : memref<3x256x128xf32, #tpu.memory_space<vmem>> -> memref<1x256x128xf32, #tpu.memory_space<vmem>>
    %dma_wait3A_638 = tpu.memref_squeeze %dma_wait3A_637 : memref<1x256x128xf32, #tpu.memory_space<vmem>> -> memref<256x128xf32, #tpu.memory_space<vmem>>
    %dma_wait3A_639 = arith.constant 256 : i32
    %dma_wait3A_640 = tpu.memref_slice %arg3[%select_n3A, %dma_wait3A_639, %mul3A_32] : memref<2x2048x2048xf32, #tpu.memory_space<hbm>> -> memref<1x256x128xf32, #tpu.memory_space<hbm>>
    %dma_wait3A_641 = tpu.memref_squeeze %dma_wait3A_640 : memref<1x256x128xf32, #tpu.memory_space<hbm>> -> memref<256x128xf32, #tpu.memory_space<hbm>>
    %dma_wait3A_642 = tpu.memref_slice %arg6[%dma_wait3A_634] : memref<3x!tpu.dma_semaphore, #tpu.memory_space<semaphore_mem>> -> memref<1x!tpu.dma_semaphore, #tpu.memory_space<semaphore_mem>>
    %dma_wait3A_643 = tpu.memref_squeeze %dma_wait3A_642 : memref<1x!tpu.dma_semaphore, #tpu.memory_space<semaphore_mem>> -> memref<!tpu.dma_semaphore, #tpu.memory_space<semaphore_mem>>
    %dma_wait3A_644 = arith.constant 256 : i32
    %dma_wait3A_645 = tpu.memref_slice %arg3[%select_n3A, %dma_wait3A_644, %mul3A_32] : memref<2x2048x2048xf32, #tpu.memory_space<hbm>> -> memref<1x256x128xf32, #tpu.memory_space<hbm>>
    %dma_wait3A_646 = tpu.memref_squeeze %dma_wait3A_645 : memref<1x256x128xf32, #tpu.memory_space<hbm>> -> memref<256x128xf32, #tpu.memory_space<hbm>>
    %dma_wait3A_647 = arith.constant 0 : i32
    %dma_wait3A_648 = arith.constant 0 : i32
    %dma_wait3A_649 = tpu.memref_slice %arg4[%dma_wait3A_633, %dma_wait3A_647, %dma_wait3A_648] : memref<3x256x128xf32, #tpu.memory_space<vmem>> -> memref<1x256x128xf32, #tpu.memory_space<vmem>>
    %dma_wait3A_650 = tpu.memref_squeeze %dma_wait3A_649 : memref<1x256x128xf32, #tpu.memory_space<vmem>> -> memref<256x128xf32, #tpu.memory_space<vmem>>
    tpu.wait_dma2 semaphore(%dma_wait3A_643 : memref<!tpu.dma_semaphore, #tpu.memory_space<semaphore_mem>>) src(%dma_wait3A_650 : memref<256x128xf32, #tpu.memory_space<vmem>>) dst(%dma_wait3A_646 : memref<256x128xf32, #tpu.memory_space<hbm>>)
    %dma_wait3A_651 = arith.constant 1 : i32
    %dma_wait3A_652 = arith.constant 1 : i32
    %dma_wait3A_653 = arith.constant 0 : i32
    %dma_wait3A_654 = arith.constant 0 : i32
    %dma_wait3A_655 = tpu.memref_slice %arg4[%dma_wait3A_651, %dma_wait3A_653, %dma_wait3A_654] : memref<3x256x128xf32, #tpu.memory_space<vmem>> -> memref<1x256x128xf32, #tpu.memory_space<vmem>>
    %dma_wait3A_656 = tpu.memref_squeeze %dma_wait3A_655 : memref<1x256x128xf32, #tpu.memory_space<vmem>> -> memref<256x128xf32, #tpu.memory_space<vmem>>
    %dma_wait3A_657 = arith.constant 0 : i32
    %dma_wait3A_658 = tpu.memref_slice %arg3[%select_n3A, %dma_wait3A_657, %mul3A_32] : memref<2x2048x2048xf32, #tpu.memory_space<hbm>> -> memref<1x256x128xf32, #tpu.memory_space<hbm>>
    %dma_wait3A_659 = tpu.memref_squeeze %dma_wait3A_658 : memref<1x256x128xf32, #tpu.memory_space<hbm>> -> memref<256x128xf32, #tpu.memory_space<hbm>>
    %dma_wait3A_660 = tpu.memref_slice %arg6[%dma_wait3A_652] : memref<3x!tpu.dma_semaphore, #tpu.memory_space<semaphore_mem>> -> memref<1x!tpu.dma_semaphore, #tpu.memory_space<semaphore_mem>>
    %dma_wait3A_661 = tpu.memref_squeeze %dma_wait3A_660 : memref<1x!tpu.dma_semaphore, #tpu.memory_space<semaphore_mem>> -> memref<!tpu.dma_semaphore, #tpu.memory_space<semaphore_mem>>
    %dma_wait3A_662 = arith.constant 0 : i32
    %dma_wait3A_663 = tpu.memref_slice %arg3[%select_n3A, %dma_wait3A_662, %mul3A_32] : memref<2x2048x2048xf32, #tpu.memory_space<hbm>> -> memref<1x256x128xf32, #tpu.memory_space<hbm>>
    %dma_wait3A_664 = tpu.memref_squeeze %dma_wait3A_663 : memref<1x256x128xf32, #tpu.memory_space<hbm>> -> memref<256x128xf32, #tpu.memory_space<hbm>>
    %dma_wait3A_665 = arith.constant 0 : i32
    %dma_wait3A_666 = arith.constant 0 : i32
    %dma_wait3A_667 = tpu.memref_slice %arg4[%dma_wait3A_651, %dma_wait3A_665, %dma_wait3A_666] : memref<3x256x128xf32, #tpu.memory_space<vmem>> -> memref<1x256x128xf32, #tpu.memory_space<vmem>>
    %dma_wait3A_668 = tpu.memref_squeeze %dma_wait3A_667 : memref<1x256x128xf32, #tpu.memory_space<vmem>> -> memref<256x128xf32, #tpu.memory_space<vmem>>
    tpu.wait_dma2 semaphore(%dma_wait3A_661 : memref<!tpu.dma_semaphore, #tpu.memory_space<semaphore_mem>>) src(%dma_wait3A_668 : memref<256x128xf32, #tpu.memory_space<vmem>>) dst(%dma_wait3A_664 : memref<256x128xf32, #tpu.memory_space<hbm>>)
    return
  }
}

</mosaic_0001>

<sc_bundles>
// kernel: kernel.3.cloned.1.call-start
scs
__scs_entry_jumppad:
0x0: {  	(pc) =	sbr.rel $0x88, $3  }
0x1: {  	(tag) =	ssettag $0x0;
	lr =	simm.s32 $0x1  }
0x2: {  	[smem:$0x3FA0] =	sst lr;
	_ =	strace $0xD0000000  }
0x3: {  	_ = 	snop  }
0x4: {  	_ = 	snop  }
0x5: {  	_ = 	snop  }
0x6: {  	_ = 	snop  }
0x7: {  	_ = 	snop  }
__scs_overlays_trampoline_lowered:
0x8: {  	[smem:$0x3FAF] =	sst s0  }
0x9: {  	[smem:$0x3FB0] =	sst s1  }
0xa: {  	[smem:$0x3FB1] =	sst s2  }
0xb: {  	[smem:$0x3FB2] =	sst s3  }
0xc: {  	[smem:$0x3FB3] =	sst s4  }
0xd: {  	[smem:$0x3FB4] =	sst s5  }
0xe: {  	[smem:$0x3FB5] =	sst s6  }
0xf: {  	[smem:$0x3FB6] =	sst s7  }
0x10: {  	[smem:$0x3FB7] =	sst s8  }
0x11: {  	[smem:$0x3FB8] =	sst s9;
	s0 =	simm.s32 @!p0 $0x0  }
0x12: {  	s1 =	sld [smem:$0x3F9E];
	s0 =	simm.s32 @p0 $0x1  }
0x13: {  	[smem:$0x3FB9] =	sst s0;
	s0 =	simm.s32 @!p1 $0x0  }
0x14: {  	s2 =	sld [smem:$0x3F9D];
	s0 =	simm.s32 @p1 $0x1  }
0x15: {  	[smem:$0x3FBA] =	sst s0;
	s0 =	simm.s32 @!p2 $0x0  }
0x16: {  	s3 =	sld [smem:$0x3FDB];
	s0 =	simm.s32 @p2 $0x1  }
0x17: {  	s4 =	simm.s32 $0x1BF5;
	[smem:$0x3FBC] =	sst s0  }
0x18: {  	s0 =	sld [smem:$0x3F9F];
	_ =	swait.ge [sflag:s4], $0x0  }
0x19: {  	s7 =	sld [smem:$0x3FA0]  }
0x1a: {  	s8 =	sadd.s32 $0xFFFFE003, lr  }
0x1b: {  	s9 =	sadd.s32 $0xFFFFFEF7, lr;
	s5 =	simm.s32 $0xFFFFFFFF;
	p2 =	slt.u32 s8, $0xFFFFF086  }
0x1c: {  	p1 =	slt.u32 s9, $0xF7A;
	s5 =	simm.s32 @!p2 $0x0  }
0x1d: {  	s5 =	simm.s32 @p1 $0x1;
	p0 =	seq.s32 s7, s2  }
0x1e: {  	s7 =	smul.u32 @!p0 $0xF7A, s2;
	p2 =	seq.s32 @!p0 s5, $0x0  }
0x1f: {  	s9 =	smul.u32 $0xF7A, s1;
	s8 =	simm.s32 @!p0 $0x1BF5;
	p2 =	por !p2, p0  }
0x20: {  	[sflag:s8] =	ssyncset.s32 @!p0 $0xFFFFF086;
	s6 =	sadd.s32 @!p0 s3, s7;
	s7 =	simm.s32 @!p0 $0x108  }
0x21: {  	s3 =	sadd.s32 s3, s9;
	s6 =	sadd.s32 @!p0 $0x88, s6;
	s7 =	simm.s32 @p2 $0x1082  }
0x22: {  	[simem:s7], [sflag:s8] =	dma.local @!p0 [hbm:s6], $0xF7A  }
0x23: {  	s9 =	sor.u32 $0xD0000000, s2;
	s6 =	simm.s32 $0x108;
	_ =	swait.ge @!p0 [sflag:s8], $0x0  }
0x24: {  	s3 =	sadd.s32 $0x88, s3;
	s6 =	simm.s32 @!p1 $0x1082;
	[sflag:s4] =	ssyncset.s32 $0xFFFFF086  }
0x25: {  	[simem:s6], [sflag:s4] =	dma.local [hbm:s3], $0xF7A  }
0x26: {  	[smem:$0x3FA0] =	sst s1;
	(tag) =	ssettag s2;
	_ =	strace s9  }
0x27: {  	s1 =	sld [smem:$0x3FB0]  }
0x28: {  	s2 =	sld [smem:$0x3FB1]  }
0x29: {  	s4 =	sld [smem:$0x3FB3]  }
0x2a: {  	p0 =	seq.s32 s5, $0x0;
	s5 =	sld [smem:$0x3FB4]  }
0x2b: {  	s6 =	sld [smem:$0x3FB5]  }
0x2c: {  	s7 =	sld [smem:$0x3FB6]  }
0x2d: {  	s3 =	simm.s32 $0x108;
	s8 =	sld [smem:$0x3FB7]  }
0x2e: {  	s3 =	simm.s32 @!p0 $0x1082;
	s9 =	sld [smem:$0x3FB8]  }
0x2f: {  	lr =	sadd.s32 s0, s3;
	s0 =	sld [smem:$0x3FAF]  }
0x30: {  	s3 =	sld [smem:$0x3FB2]  }
0x31: {  	[smem:$0x3FBB] =	sst s10  }
0x32: {  	s10 =	sld [smem:$0x3FB9];
	_ =	sdelay $0x3  }
0x33: {  	p0 =	seq.s32 s10, $0x1;
	s10 =	sld [smem:$0x3FBB];
	_ =	sdelay $0x3  }
0x34: {  	[smem:$0x3FBB] =	sst s10  }
0x35: {  	s10 =	sld [smem:$0x3FBA];
	_ =	sdelay $0x3  }
0x36: {  	p1 =	seq.s32 s10, $0x1;
	s10 =	sld [smem:$0x3FBB];
	_ =	sdelay $0x3  }
0x37: {  	[smem:$0x3FBB] =	sst s10  }
0x38: {  	s10 =	sld [smem:$0x3FBC]  }
0x39: {  	_ = 	snop;
	(pc) =	sbr.ind lr, $3  }
0x3a: {  	_ = 	snop  }
0x3b: {  	_ = 	snop  }
0x3c: {  	p2 =	seq.s32 s10, $0x1;
	s10 =	sld [smem:$0x3FBB]  }
0x3d: {  	_ =	shalt  }
0x3e: {  	_ =	shalt  }
0x3f: {  	_ =	shalt  }
0x40: {  	_ =	shalt  }
0x41: {  	_ =	shalt  }
0x42: {  	_ =	shalt  }
0x43: {  	_ =	shalt  }
0x44: {  	_ =	shalt  }
0x45: {  	_ =	shalt  }
0x46: {  	_ =	shalt  }
0x47: {  	_ =	shalt  }
0x48: {  	_ =	shalt  }
0x49: {  	_ =	shalt  }
0x4a: {  	_ =	shalt  }
0x4b: {  	_ =	shalt  }
0x4c: {  	_ =	shalt  }
0x4d: {  	_ =	shalt  }
0x4e: {  	_ =	shalt  }
0x4f: {  	_ =	shalt  }
0x50: {  	_ =	shalt  }
0x51: {  	_ =	shalt  }
0x52: {  	_ =	shalt  }
0x53: {  	_ =	shalt  }
0x54: {  	_ =	shalt  }
0x55: {  	_ =	shalt  }
0x56: {  	_ =	shalt  }
0x57: {  	_ =	shalt  }
0x58: {  	_ =	shalt  }
0x59: {  	_ =	shalt  }
0x5a: {  	_ =	shalt  }
0x5b: {  	_ =	shalt  }
0x5c: {  	_ =	shalt  }
0x5d: {  	_ =	shalt  }
0x5e: {  	_ =	shalt  }
0x5f: {  	_ =	shalt  }
0x60: {  	_ =	shalt  }
0x61: {  	_ =	shalt  }
0x62: {  	_ =	shalt  }
0x63: {  	_ =	shalt  }
0x64: {  	_ =	shalt  }
0x65: {  	_ =	shalt  }
0x66: {  	_ =	shalt  }
0x67: {  	_ =	shalt  }
0x68: {  	_ =	shalt  }
0x69: {  	_ =	shalt  }
0x6a: {  	_ =	shalt  }
0x6b: {  	_ =	shalt  }
0x6c: {  	_ =	shalt  }
0x6d: {  	_ =	shalt  }
0x6e: {  	_ =	shalt  }
0x6f: {  	_ =	shalt  }
0x70: {  	_ =	shalt  }
0x71: {  	_ =	shalt  }
0x72: {  	_ =	shalt  }
0x73: {  	_ =	shalt  }
0x74: {  	_ =	shalt  }
0x75: {  	_ =	shalt  }
0x76: {  	_ =	shalt  }
0x77: {  	_ =	shalt  }
0x78: {  	_ =	shalt  }
0x79: {  	_ =	shalt  }
0x7a: {  	_ =	shalt  }
0x7b: {  	_ =	shalt  }
0x7c: {  	_ =	shalt  }
0x7d: {  	_ =	shalt  }
0x7e: {  	_ =	shalt  }
0x7f: {  	_ =	shalt  }
0x80: {  	_ =	shalt  }
0x81: {  	_ =	shalt  }
0x82: {  	_ =	shalt  }
0x83: {  	_ =	shalt  }
0x84: {  	_ =	shalt  }
0x85: {  	_ =	shalt  }
0x86: {  	_ =	shalt  }
0x87: {  	_ =	shalt  }
.Lfunc_end0:
.L_simem_size_0:
called_computation_lowered:
.L_overlay_start_0:
0x88: {  	s2 =	sld [smem:$0x3FD9]  }
0x89: {  	s3 =	sld [smem:$0x3FFE];
	_ =	sdelay $0x1  }
0x8a: {  	s1 =	srdreg.scid  }
0x8b: {  	s0 =	sand.u32 $0x1, s1  }
0x8c: {  	s18 =	sshll.u32 s0, $0xA;
	s2 =	sadd.s32 s3, s2  }
0x8d: {  	s2 =	sadd.s32 s2, s18  }
0x8e: {  	[smem:$0x3FC7] =	sst s2  }
0x8f: {  	_ = 	snop  }
0x90: {  	s2 =	sld [smem:$0x3FC9]  }
0x91: {  	s19 =	sld [smem:$0x3FD0];
	(tm) =	ssettm $0x1  }
0x92: {  	s4 =	sld [smem:$0x3FFB];
	_ =	sdelay $0x3  }
0x93: {  	_ =	strace s4  }
0x94: {  	s4 =	sld [smem:$0x3FFC];
	_ =	sdelay $0x3  }
0x95: {  	_ =	strace s4  }
0x96: {  	s4 =	sld [smem:$0x3FFD];
	_ =	sdelay $0x3  }
0x97: {  	_ =	strace s4  }
0x98: {  	_ =	strace $0x8FFFFFFF  }
0x99: {  	s20 =	sld [smem:$0x3FDB];
	_ =	sdelay $0x1  }
0x9a: {  	s5 =	simm.s32 $_scs_section_size  }
0x9b: {  	s6 =	simm.s32 $_size__tile_overlayer_lowered;
	s7 =	simm.s32 $_tile_overlayer_lowered  }
0x9c: {  	s23 =	simm.s32 $0x1BFF;
	s22 =	sshll.u32 s7, $0x1;
	s4 =	sadd.s32 s5, s20  }
0x9d: {  	s8 =	simm.s32 $0x0;
	s21 =	sshll.u32 s6, $0x1;
	s6 =	sadd.s32 s22, s4  }
0x9e: {  	[timem:s8], [sflag:s23] =	dma.local [hbm:s6], s21  }
0x9f: {  	_ =	swait.ge [sflag:s23], s21  }
0xa0: {  	s5 =	ssub.s32 $0x0, s21;
	[sflag:s23] =	ssyncset.done $0x0  }
0xa1: {  	[sflag:s23] =	ssyncadd.s32 s5;
	_ =	sdelay $0x1  }
0xa2: {  	s24 =	simm.s32 $0x1B8B  }
0xa3: {  	_ =	swait.ge [sflag:s24], $0x1  }
0xa4: {  	[sflag:s24] =	ssyncset.done $0x0  }
0xa5: {  	s25 =	simm.s32 $0x1B8E;
	[sflag:s24] =	ssyncadd.s32 $0xFFFFFFFF  }
0xa6: {  	s26 =	simm.s32 $execute0_lowered;
	[smem:$0x3FD2] =	sst s25  }
0xa7: {  	s5 =	sshll.u32 s26, $0x1;
	_ =	strace $0x80000046;
	[dreg:$0x1] =	wrdreg $0xFFFFFFFF  }
0xa8: {  	s28 =	simm.s32 $_size_execute0_lowered;
	s4 =	sadd.s32 s4, s5;
	[dreg:$0x0] =	wrdreg $0x0  }
0xa9: {  	s5 =	sshll.u32 s28, $0x1;
	[dreg:$0x2] =	wrdreg s4  }
0xaa: {  	[dreg:$0x3] =	wrdreg s5  }
0xab: {  	[dreg:$0x4] =	wrdreg $0xC0  }
0xac: {  	_ =	task [dreg:s8], $0x5FFFF  }
0xad: {  	[dreg:$0x1] =	wrdreg $0xFFFFFFFF  }
0xae: {  	[dreg:$0x0] =	wrdreg $0x60  }
0xaf: {  	[dreg:$0x2] =	wrdreg s2  }
0xb0: {  	[dreg:$0x3] =	wrdreg s19  }
0xb1: {  	[dreg:$0x4] =	wrdreg $0x9  }
0xb2: {  	_ =	task.clear_ibuf [dreg:s8], $0x5FFFF;
	_ =	strace $0x90000046  }
0xb3: {  	s29 =	simm.s32 $0x9;
	_ =	strace $0x80000048  }
0xb4: {  	_ =	swait.ge [sflag:s29], $0x1  }
0xb5: {  	[sflag:s29] =	ssyncadd.s32 $0xFFFFFFFF  }
0xb6: {  	_ =	strace $0x90000048  }
0xb7: {  	_ =	sfence  }
0xb8: {  	s30 =	sld [smem:$0x0];
	_ =	sdelay $0x2  }
0xb9: {  	s31 =	sshll.u32 s1, $0xD;
	s1 =	sshrl.u32 s1, $0x2  }
0xba: {  	s3 =	sand.u32 $0x4000, s31;
	s1 =	sadd.s32 s1, s30  }
0xbb: {  	s0 =	sor.u32 s3, s0;
	s1 =	sshll.u32 s1, $0x11  }
0xbc: {  	s0 =	sor.u32 s1, s0  }
0xbd: {  	s0 =	sadd.s32 $0x8F2B, s0  }
0xbe: {  	[sflag:s0] =	ssyncadd.remote.s32 $0x1  }
0xbf: {  	_ =	sfence.sel $0xFFFF  }
0xc0: {  	[dreg:$0x0] =	wrdreg $0xFFFFFFFF;
	(pc) =	sbr.abs _section_cstart, $3  }
0xc1: {  	[dreg:$0x1] =	wrdreg $0xFFFFFFFF  }
0xc2: {  	_ =	task.clear_ibuf [dreg:s8], $0x2FFFF;
	_ =	strace $0x9FFFFFFF  }
0xc3: {  	(tm) =	ssettm $0x7FFFFFFF  }
tec
execute0_lowered:
.L_overlay_start_1:
0x0: {  	(tag) =	ssettag $0x1  }
0x1: {  	s0 =	rddreg [dreg:$0x0]  }
0x2: {  	s1 =	rddreg [dreg:$0x1]  }
0x3: {  	s2 =	stileid.u32;
	s3 =	srdreg.scid;
	s5 =	simm.s32 $0x0  }
0x4: {  	s20 =	simm.s32 $0x400;
	s21 =	simm.s32 $0x4000;
	s22 =	simm.s32 $0x1  }
0x5: {  	s23 =	simm.s32 $0x8000;
	s24 =	simm.s32 $0x2;
	s25 =	simm.s32 $0x10000  }
0x6: {  	s28 =	simm.s32 $0x4;
	s29 =	simm.s32 $0x5;
	s30 =	simm.s32 $0x6  }
0x7: {  	s31 =	simm.s32 $0x0;
	s4 =	sshll.u32 s2, $0x1;
	s3 =	sand.u32 $0x1, s3  }
0x8: {  	[smem:$0x7FF] =	sst s5;
	s26 =	sshll.u32 s2, $0x10;
	s4 =	sand.u32 $0xE, s4  }
0x9: {  	s5 =	sand.u32 $0x80000, s26;
	s4 =	sor.u32 s3, s4;
	s3 =	ssub.s32 $0x2, s3  }
0xa: {  	_ =	strace $0x80000047;
	s4 =	sshll.u32 s4, $0x7;
	s6 =	sshrl.u32 s3, $0x1  }
0xb: {  	s26 =	simm.s32 $0x3;
	s18 =	sor.u32 s5, s4;
	s19 =	ssub.s32 s3, s6  }
0xc: {  	s5 =	sor.u32 $0x70000, s18;
	s7 =	sor.u32 $0x60000, s18;
	s9 =	sor.u32 $0x50000, s18  }
0xd: {  	s11 =	sor.u32 $0x40000, s18;
	s13 =	sor.u32 $0x30000, s18;
	s15 =	sor.u32 $0x20000, s18  }
0xe: {  	s17 =	sor.u32 $0x10000, s18;
	s16 =	sadd.s32 s0, s18;
	s18 =	sadd.s32 s1, s18  }
0xf: {  	s19 =	smax.u32 s19, $0x1;
	s3 =	sadd.s32 s0, s5;
	s4 =	sadd.s32 s0, s7  }
0x10: {  	s5 =	sadd.s32 s1, s5;
	s6 =	sadd.s32 s0, s9;
	s7 =	sadd.s32 s1, s7  }
0x11: {  	s8 =	sadd.s32 s0, s11;
	s9 =	sadd.s32 s1, s9;
	s10 =	sadd.s32 s0, s13  }
0x12: {  	s11 =	sadd.s32 s1, s11;
	s12 =	sadd.s32 s0, s15;
	s13 =	sadd.s32 s1, s13  }
0x13: {  	s14 =	sadd.s32 s0, s17;
	s15 =	sadd.s32 s1, s15;
	s17 =	sadd.s32 s1, s17  }
.LBB2_1:
0x14: {  	s0 =	simm.s32 $0x0  }
0x15: {  	[tilespmem:s0], [sflag:$0x1] =	stream.strided.gather [hbm4b:s3+s20], $0x8000, s21, s20, $0x38;
	[tilespmem:$0x18000] =	vst v63  }
0x16: {  	_ =	swait.ge [sflag:s22], $0x8000  }
0x17: {  	[sflag:s22] =	ssyncset.done $0x0  }
0x18: {  	s0 =	simm.s32 $0x0;
	[sflag:s22] =	ssyncadd.s32 $0xFFFF8000  }
0x19: {  	[tilespmem:s23], [sflag:$0x2] =	stream.strided.gather [hbm4b:s4+s20], $0x8000, s21, s20, $0x38;
	[tilespmem:$0x18000] =	vst v63  }
0x1a: {  	v0 =	vld [tilespmem:s0+$0x7F80]  }
0x1b: {  	v1 =	vld [tilespmem:s0+$0x7F90]  }
0x1c: {  	v11 =	vld [tilespmem:s0+$0x7FA0]  }
0x1d: {  	v9 =	vld [tilespmem:s0+$0x7FB0]  }
0x1e: {  	v2 =	vimm.f32 $0.0e+00;
	v3 =	vimm.f32 $0.0e+00;
	v8 =	vld [tilespmem:s0+$0x7FC0]  }
0x1f: {  	v4 =	vimm.f32 $0.0e+00;
	v5 =	vimm.f32 $0.0e+00;
	v10 =	vld [tilespmem:s0+$0x7FD0];
	v0 =	vadd.f32 v0, v2  }
0x20: {  	s1 =	simm.s32 $0xFFFFFE00;
	v6 =	vimm.f32 $0.0e+00;
	v7 =	vimm.f32 $0.0e+00;
	v12 =	vld [tilespmem:s0+$0x7FE0];
	v1 =	vadd.f32 v1, v2  }
.LBB2_2:
0x21: {  	s2 =	sshra.s32 s1, $0x2;
	p0 =	sne.s32 s1, $0xFFFE0200;
	[tilespmem:s0+$0x7F80] =	vst v0;
	v2 =	vadd.f32 v11, v2;
	v13 =	vld [tilespmem:s0+$0x7FF0]  }
0x22: {  	v14 =	vld [tilespmem:s2+$0x7F80];
	[tilespmem:s0+$0x7F90] =	vst v1;
	v3 =	vadd.f32 v9, v3  }
0x23: {  	v15 =	vld [tilespmem:s2+$0x7F90];
	[tilespmem:s0+$0x7FA0] =	vst v2;
	v4 =	vadd.f32 v8, v4  }
.Ltmp0:
0x24: {  	v11 =	vld [tilespmem:s2+$0x7FA0];
	[tilespmem:s0+$0x7FB0] =	vst v3;
	v5 =	vadd.f32 v10, v5;
	(pc) =	sbr.rel @p0 .LBB2_2-.Ltmp0, $4  }
0x25: {  	v9 =	vld [tilespmem:s2+$0x7FB0];
	[tilespmem:s0+$0x7FC0] =	vst v4;
	v6 =	vadd.f32 v12, v6  }
0x26: {  	v8 =	vld [tilespmem:s2+$0x7FC0];
	[tilespmem:s0+$0x7FD0] =	vst v5;
	v7 =	vadd.f32 v13, v7  }
0x27: {  	v0 =	vadd.f32 v14, v0;
	v10 =	vld [tilespmem:s2+$0x7FD0];
	[tilespmem:s0+$0x7FE0] =	vst v6  }
0x28: {  	s1 =	sadd.s32 $0xFFFFFE00, s1;
	v1 =	vadd.f32 v15, v1;
	v12 =	vld [tilespmem:s2+$0x7FE0];
	[tilespmem:s0+$0x7FF0] =	vst v7;
	s0 =	smov.u32 s2  }
0x29: {  	[tilespmem:s0+$0x7F80] =	vst v0;
	v2 =	vadd.f32 v11, v2;
	v11 =	vld [tilespmem:s0+$0x7FF0]  }
0x2a: {  	[tilespmem:s0+$0x7F90] =	vst v1;
	v3 =	vadd.f32 v9, v3  }
0x2b: {  	[tilespmem:s0+$0x7FA0] =	vst v2;
	v4 =	vadd.f32 v8, v4  }
0x2c: {  	[tilespmem:s0+$0x7FB0] =	vst v3;
	v5 =	vadd.f32 v10, v5  }
0x2d: {  	[tilespmem:s0+$0x7FC0] =	vst v4;
	v6 =	vadd.f32 v12, v6  }
0x2e: {  	[tilespmem:s0+$0x7FD0] =	vst v5;
	v7 =	vadd.f32 v11, v7  }
0x2f: {  	[tilespmem:s0+$0x7FE0] =	vst v6  }
0x30: {  	s2 =	simm.s32 $0x0;
	[tilespmem:s0+$0x7FF0] =	vst v7  }
0x31: {  	[hbm4b:s5+s20] =	stream.strided.scatter [tilespmem:s2], [sflag:$0x4], $0x8000, s21, s20, $0x38;
	[tilespmem:$0x18000] =	vst v63  }
0x32: {  	_ =	swait.ge [sflag:s24], $0x8000  }
0x33: {  	[sflag:s24] =	ssyncset.done $0x0  }
0x34: {  	s0 =	simm.s32 $0x0;
	[sflag:s24] =	ssyncadd.s32 $0xFFFF8000  }
0x35: {  	[tilespmem:s25], [sflag:$0x3] =	stream.strided.gather [hbm4b:s6+s20], $0x8000, s21, s20, $0x38;
	[tilespmem:$0x18000] =	vst v63  }
0x36: {  	v11 =	vld [tilespmem:s0+$0xFF80]  }
0x37: {  	v13 =	vld [tilespmem:s0+$0xFF90]  }
0x38: {  	v12 =	vld [tilespmem:s0+$0xFFA0]  }
0x39: {  	v10 =	vld [tilespmem:s0+$0xFFB0]  }
0x3a: {  	v8 =	vld [tilespmem:s0+$0xFFC0]  }
0x3b: {  	v9 =	vld [tilespmem:s0+$0xFFD0];
	v0 =	vadd.f32 v11, v0  }
0x3c: {  	s1 =	simm.s32 $0xFFFFFE00;
	v1 =	vadd.f32 v13, v1;
	v11 =	vld [tilespmem:s0+$0xFFE0]  }
.LBB2_4:
0x3d: {  	s2 =	sshra.s32 s1, $0x2;
	p0 =	sne.s32 s1, $0xFFFE0200;
	[tilespmem:s0+$0xFF80] =	vst v0;
	v2 =	vadd.f32 v12, v2;
	v13 =	vld [tilespmem:s0+$0xFFF0]  }
0x3e: {  	v14 =	vld [tilespmem:s2+$0xFF80];
	[tilespmem:s0+$0xFF90] =	vst v1;
	v3 =	vadd.f32 v10, v3  }
0x3f: {  	v15 =	vld [tilespmem:s2+$0xFF90];
	[tilespmem:s0+$0xFFA0] =	vst v2;
	v4 =	vadd.f32 v8, v4  }
.Ltmp1:
0x40: {  	v12 =	vld [tilespmem:s2+$0xFFA0];
	[tilespmem:s0+$0xFFB0] =	vst v3;
	v5 =	vadd.f32 v9, v5;
	(pc) =	sbr.rel @p0 .LBB2_4-.Ltmp1, $4  }
0x41: {  	v10 =	vld [tilespmem:s2+$0xFFB0];
	[tilespmem:s0+$0xFFC0] =	vst v4;
	v6 =	vadd.f32 v11, v6  }
0x42: {  	v8 =	vld [tilespmem:s2+$0xFFC0];
	[tilespmem:s0+$0xFFD0] =	vst v5;
	v7 =	vadd.f32 v13, v7  }
0x43: {  	v0 =	vadd.f32 v14, v0;
	v9 =	vld [tilespmem:s2+$0xFFD0];
	[tilespmem:s0+$0xFFE0] =	vst v6  }
0x44: {  	s1 =	sadd.s32 $0xFFFFFE00, s1;
	v1 =	vadd.f32 v15, v1;
	v11 =	vld [tilespmem:s2+$0xFFE0];
	[tilespmem:s0+$0xFFF0] =	vst v7;
	s0 =	smov.u32 s2  }
0x45: {  	[tilespmem:s0+$0xFF80] =	vst v0;
	v2 =	vadd.f32 v12, v2;
	v12 =	vld [tilespmem:s0+$0xFFF0]  }
0x46: {  	[tilespmem:s0+$0xFF90] =	vst v1;
	v3 =	vadd.f32 v10, v3  }
0x47: {  	[tilespmem:s0+$0xFFA0] =	vst v2;
	v4 =	vadd.f32 v8, v4  }
0x48: {  	[tilespmem:s0+$0xFFB0] =	vst v3;
	v5 =	vadd.f32 v9, v5  }
0x49: {  	[tilespmem:s0+$0xFFC0] =	vst v4;
	v6 =	vadd.f32 v11, v6  }
0x4a: {  	[tilespmem:s0+$0xFFD0] =	vst v5;
	v7 =	vadd.f32 v12, v7  }
0x4b: {  	[tilespmem:s0+$0xFFE0] =	vst v6  }
0x4c: {  	[tilespmem:s0+$0xFFF0] =	vst v7  }
0x4d: {  	[hbm4b:s7+s20] =	stream.strided.scatter [tilespmem:s23], [sflag:$0x5], $0x8000, s21, s20, $0x38;
	[tilespmem:$0x18000] =	vst v63  }
0x4e: {  	_ =	swait.ge [sflag:s26], $0x8000  }
0x4f: {  	[sflag:s26] =	ssyncset.done $0x0  }
0x50: {  	[sflag:s26] =	ssyncadd.s32 $0xFFFF8000  }
0x51: {  	_ =	swait.ge [sflag:s28], $0x8000  }
0x52: {  	[sflag:s28] =	ssyncset.done $0x0  }
0x53: {  	s2 =	simm.s32 $0x0;
	s0 =	simm.s32 $0x0;
	[sflag:s28] =	ssyncadd.s32 $0xFFFF8000  }
0x54: {  	[tilespmem:s2], [sflag:$0x1] =	stream.strided.gather [hbm4b:s8+s20], $0x8000, s21, s20, $0x38;
	[tilespmem:$0x18000] =	vst v63  }
0x55: {  	v11 =	vld [tilespmem:s0+$0x17F80]  }
0x56: {  	v13 =	vld [tilespmem:s0+$0x17F90]  }
0x57: {  	v12 =	vld [tilespmem:s0+$0x17FA0]  }
0x58: {  	v10 =	vld [tilespmem:s0+$0x17FB0]  }
0x59: {  	v8 =	vld [tilespmem:s0+$0x17FC0]  }
0x5a: {  	v9 =	vld [tilespmem:s0+$0x17FD0];
	v0 =	vadd.f32 v11, v0  }
0x5b: {  	s1 =	simm.s32 $0xFFFFFE00;
	v1 =	vadd.f32 v13, v1;
	v11 =	vld [tilespmem:s0+$0x17FE0]  }
.LBB2_6:
0x5c: {  	s2 =	sshra.s32 s1, $0x2;
	p0 =	sne.s32 s1, $0xFFFE0200;
	[tilespmem:s0+$0x17F80] =	vst v0;
	v2 =	vadd.f32 v12, v2;
	v13 =	vld [tilespmem:s0+$0x17FF0]  }
0x5d: {  	v14 =	vld [tilespmem:s2+$0x17F80];
	[tilespmem:s0+$0x17F90] =	vst v1;
	v3 =	vadd.f32 v10, v3  }
0x5e: {  	v15 =	vld [tilespmem:s2+$0x17F90];
	[tilespmem:s0+$0x17FA0] =	vst v2;
	v4 =	vadd.f32 v8, v4  }
.Ltmp2:
0x5f: {  	v12 =	vld [tilespmem:s2+$0x17FA0];
	[tilespmem:s0+$0x17FB0] =	vst v3;
	v5 =	vadd.f32 v9, v5;
	(pc) =	sbr.rel @p0 .LBB2_6-.Ltmp2, $4  }
0x60: {  	v10 =	vld [tilespmem:s2+$0x17FB0];
	[tilespmem:s0+$0x17FC0] =	vst v4;
	v6 =	vadd.f32 v11, v6  }
0x61: {  	v8 =	vld [tilespmem:s2+$0x17FC0];
	[tilespmem:s0+$0x17FD0] =	vst v5;
	v7 =	vadd.f32 v13, v7  }
0x62: {  	v0 =	vadd.f32 v14, v0;
	v9 =	vld [tilespmem:s2+$0x17FD0];
	[tilespmem:s0+$0x17FE0] =	vst v6  }
0x63: {  	s1 =	sadd.s32 $0xFFFFFE00, s1;
	v1 =	vadd.f32 v15, v1;
	v11 =	vld [tilespmem:s2+$0x17FE0];
	[tilespmem:s0+$0x17FF0] =	vst v7;
	s0 =	smov.u32 s2  }
0x64: {  	[tilespmem:s0+$0x17F80] =	vst v0;
	v2 =	vadd.f32 v12, v2;
	v12 =	vld [tilespmem:s0+$0x17FF0]  }
0x65: {  	[tilespmem:s0+$0x17F90] =	vst v1;
	v3 =	vadd.f32 v10, v3  }
0x66: {  	[tilespmem:s0+$0x17FA0] =	vst v2;
	v4 =	vadd.f32 v8, v4  }
0x67: {  	[tilespmem:s0+$0x17FB0] =	vst v3;
	v5 =	vadd.f32 v9, v5  }
0x68: {  	[tilespmem:s0+$0x17FC0] =	vst v4;
	v6 =	vadd.f32 v11, v6  }
0x69: {  	[tilespmem:s0+$0x17FD0] =	vst v5;
	v7 =	vadd.f32 v12, v7  }
0x6a: {  	[tilespmem:s0+$0x17FE0] =	vst v6  }
0x6b: {  	[tilespmem:s0+$0x17FF0] =	vst v7  }
0x6c: {  	[hbm4b:s9+s20] =	stream.strided.scatter [tilespmem:s25], [sflag:$0x6], $0x8000, s21, s20, $0x38;
	[tilespmem:$0x18000] =	vst v63  }
0x6d: {  	_ =	swait.ge [sflag:s22], $0x8000  }
0x6e: {  	[sflag:s22] =	ssyncset.done $0x0  }
0x6f: {  	[sflag:s22] =	ssyncadd.s32 $0xFFFF8000  }
0x70: {  	_ =	swait.ge [sflag:s29], $0x8000  }
0x71: {  	[sflag:s29] =	ssyncset.done $0x0  }
0x72: {  	s0 =	simm.s32 $0x0;
	[sflag:s29] =	ssyncadd.s32 $0xFFFF8000  }
0x73: {  	[tilespmem:s23], [sflag:$0x2] =	stream.strided.gather [hbm4b:s10+s20], $0x8000, s21, s20, $0x38;
	[tilespmem:$0x18000] =	vst v63  }
0x74: {  	v11 =	vld [tilespmem:s0+$0x7F80]  }
0x75: {  	v13 =	vld [tilespmem:s0+$0x7F90]  }
0x76: {  	v12 =	vld [tilespmem:s0+$0x7FA0]  }
0x77: {  	v10 =	vld [tilespmem:s0+$0x7FB0]  }
0x78: {  	v8 =	vld [tilespmem:s0+$0x7FC0]  }
0x79: {  	v9 =	vld [tilespmem:s0+$0x7FD0];
	v0 =	vadd.f32 v11, v0  }
0x7a: {  	s1 =	simm.s32 $0xFFFFFE00;
	v1 =	vadd.f32 v13, v1;
	v11 =	vld [tilespmem:s0+$0x7FE0]  }
.LBB2_8:
0x7b: {  	s2 =	sshra.s32 s1, $0x2;
	p0 =	sne.s32 s1, $0xFFFE0200;
	[tilespmem:s0+$0x7F80] =	vst v0;
	v2 =	vadd.f32 v12, v2;
	v13 =	vld [tilespmem:s0+$0x7FF0]  }
0x7c: {  	v14 =	vld [tilespmem:s2+$0x7F80];
	[tilespmem:s0+$0x7F90] =	vst v1;
	v3 =	vadd.f32 v10, v3  }
0x7d: {  	v15 =	vld [tilespmem:s2+$0x7F90];
	[tilespmem:s0+$0x7FA0] =	vst v2;
	v4 =	vadd.f32 v8, v4  }
.Ltmp3:
0x7e: {  	v12 =	vld [tilespmem:s2+$0x7FA0];
	[tilespmem:s0+$0x7FB0] =	vst v3;
	v5 =	vadd.f32 v9, v5;
	(pc) =	sbr.rel @p0 .LBB2_8-.Ltmp3, $4  }
0x7f: {  	v10 =	vld [tilespmem:s2+$0x7FB0];
	[tilespmem:s0+$0x7FC0] =	vst v4;
	v6 =	vadd.f32 v11, v6  }
0x80: {  	v8 =	vld [tilespmem:s2+$0x7FC0];
	[tilespmem:s0+$0x7FD0] =	vst v5;
	v7 =	vadd.f32 v13, v7  }
0x81: {  	v0 =	vadd.f32 v14, v0;
	v9 =	vld [tilespmem:s2+$0x7FD0];
	[tilespmem:s0+$0x7FE0] =	vst v6  }
0x82: {  	s1 =	sadd.s32 $0xFFFFFE00, s1;
	v1 =	vadd.f32 v15, v1;
	v11 =	vld [tilespmem:s2+$0x7FE0];
	[tilespmem:s0+$0x7FF0] =	vst v7;
	s0 =	smov.u32 s2  }
0x83: {  	[tilespmem:s0+$0x7F80] =	vst v0;
	v2 =	vadd.f32 v12, v2;
	v12 =	vld [tilespmem:s0+$0x7FF0]  }
0x84: {  	[tilespmem:s0+$0x7F90] =	vst v1;
	v3 =	vadd.f32 v10, v3  }
0x85: {  	[tilespmem:s0+$0x7FA0] =	vst v2;
	v4 =	vadd.f32 v8, v4  }
0x86: {  	[tilespmem:s0+$0x7FB0] =	vst v3;
	v5 =	vadd.f32 v9, v5  }
0x87: {  	[tilespmem:s0+$0x7FC0] =	vst v4;
	v6 =	vadd.f32 v11, v6  }
0x88: {  	[tilespmem:s0+$0x7FD0] =	vst v5;
	v7 =	vadd.f32 v12, v7  }
0x89: {  	[tilespmem:s0+$0x7FE0] =	vst v6  }
0x8a: {  	s2 =	simm.s32 $0x0;
	[tilespmem:s0+$0x7FF0] =	vst v7  }
0x8b: {  	[hbm4b:s11+s20] =	stream.strided.scatter [tilespmem:s2], [sflag:$0x4], $0x8000, s21, s20, $0x38;
	[tilespmem:$0x18000] =	vst v63  }
0x8c: {  	_ =	swait.ge [sflag:s24], $0x8000  }
0x8d: {  	[sflag:s24] =	ssyncset.done $0x0  }
0x8e: {  	[sflag:s24] =	ssyncadd.s32 $0xFFFF8000  }
0x8f: {  	_ =	swait.ge [sflag:s30], $0x8000  }
0x90: {  	[sflag:s30] =	ssyncset.done $0x0  }
0x91: {  	s0 =	simm.s32 $0x0;
	[sflag:s30] =	ssyncadd.s32 $0xFFFF8000  }
0x92: {  	[tilespmem:s25], [sflag:$0x3] =	stream.strided.gather [hbm4b:s12+s20], $0x8000, s21, s20, $0x38;
	[tilespmem:$0x18000] =	vst v63  }
0x93: {  	v11 =	vld [tilespmem:s0+$0xFF80]  }
0x94: {  	v13 =	vld [tilespmem:s0+$0xFF90]  }
0x95: {  	v12 =	vld [tilespmem:s0+$0xFFA0]  }
0x96: {  	v10 =	vld [tilespmem:s0+$0xFFB0]  }
0x97: {  	v8 =	vld [tilespmem:s0+$0xFFC0]  }
0x98: {  	v9 =	vld [tilespmem:s0+$0xFFD0];
	v0 =	vadd.f32 v11, v0  }
0x99: {  	s1 =	simm.s32 $0xFFFFFE00;
	v1 =	vadd.f32 v13, v1;
	v11 =	vld [tilespmem:s0+$0xFFE0]  }
.LBB2_10:
0x9a: {  	s2 =	sshra.s32 s1, $0x2;
	p0 =	sne.s32 s1, $0xFFFE0200;
	[tilespmem:s0+$0xFF80] =	vst v0;
	v2 =	vadd.f32 v12, v2;
	v13 =	vld [tilespmem:s0+$0xFFF0]  }
0x9b: {  	v14 =	vld [tilespmem:s2+$0xFF80];
	[tilespmem:s0+$0xFF90] =	vst v1;
	v3 =	vadd.f32 v10, v3  }
0x9c: {  	v15 =	vld [tilespmem:s2+$0xFF90];
	[tilespmem:s0+$0xFFA0] =	vst v2;
	v4 =	vadd.f32 v8, v4  }
.Ltmp4:
0x9d: {  	v12 =	vld [tilespmem:s2+$0xFFA0];
	[tilespmem:s0+$0xFFB0] =	vst v3;
	v5 =	vadd.f32 v9, v5;
	(pc) =	sbr.rel @p0 .LBB2_10-.Ltmp4, $4  }
0x9e: {  	v10 =	vld [tilespmem:s2+$0xFFB0];
	[tilespmem:s0+$0xFFC0] =	vst v4;
	v6 =	vadd.f32 v11, v6  }
0x9f: {  	v8 =	vld [tilespmem:s2+$0xFFC0];
	[tilespmem:s0+$0xFFD0] =	vst v5;
	v7 =	vadd.f32 v13, v7  }
0xa0: {  	v0 =	vadd.f32 v14, v0;
	v9 =	vld [tilespmem:s2+$0xFFD0];
	[tilespmem:s0+$0xFFE0] =	vst v6  }
0xa1: {  	s1 =	sadd.s32 $0xFFFFFE00, s1;
	v1 =	vadd.f32 v15, v1;
	v11 =	vld [tilespmem:s2+$0xFFE0];
	[tilespmem:s0+$0xFFF0] =	vst v7;
	s0 =	smov.u32 s2  }
0xa2: {  	[tilespmem:s0+$0xFF80] =	vst v0;
	v2 =	vadd.f32 v12, v2;
	v12 =	vld [tilespmem:s0+$0xFFF0]  }
0xa3: {  	[tilespmem:s0+$0xFF90] =	vst v1;
	v3 =	vadd.f32 v10, v3  }
0xa4: {  	[tilespmem:s0+$0xFFA0] =	vst v2;
	v4 =	vadd.f32 v8, v4  }
0xa5: {  	[tilespmem:s0+$0xFFB0] =	vst v3;
	v5 =	vadd.f32 v9, v5  }
0xa6: {  	[tilespmem:s0+$0xFFC0] =	vst v4;
	v6 =	vadd.f32 v11, v6  }
0xa7: {  	[tilespmem:s0+$0xFFD0] =	vst v5;
	v7 =	vadd.f32 v12, v7  }
0xa8: {  	[tilespmem:s0+$0xFFE0] =	vst v6  }
0xa9: {  	[tilespmem:s0+$0xFFF0] =	vst v7  }
0xaa: {  	[hbm4b:s13+s20] =	stream.strided.scatter [tilespmem:s23], [sflag:$0x5], $0x8000, s21, s20, $0x38;
	[tilespmem:$0x18000] =	vst v63  }
0xab: {  	_ =	swait.ge [sflag:s26], $0x8000  }
0xac: {  	[sflag:s26] =	ssyncset.done $0x0  }
0xad: {  	[sflag:s26] =	ssyncadd.s32 $0xFFFF8000  }
0xae: {  	_ =	swait.ge [sflag:s28], $0x8000  }
0xaf: {  	[sflag:s28] =	ssyncset.done $0x0  }
0xb0: {  	s2 =	simm.s32 $0x0;
	s0 =	simm.s32 $0x0;
	[sflag:s28] =	ssyncadd.s32 $0xFFFF8000  }
0xb1: {  	[tilespmem:s2], [sflag:$0x1] =	stream.strided.gather [hbm4b:s14+s20], $0x8000, s21, s20, $0x38;
	[tilespmem:$0x18000] =	vst v63  }
0xb2: {  	v11 =	vld [tilespmem:s0+$0x17F80]  }
0xb3: {  	v13 =	vld [tilespmem:s0+$0x17F90]  }
0xb4: {  	v12 =	vld [tilespmem:s0+$0x17FA0]  }
0xb5: {  	v10 =	vld [tilespmem:s0+$0x17FB0]  }
0xb6: {  	v8 =	vld [tilespmem:s0+$0x17FC0]  }
0xb7: {  	v9 =	vld [tilespmem:s0+$0x17FD0];
	v0 =	vadd.f32 v11, v0  }
0xb8: {  	s1 =	simm.s32 $0xFFFFFE00;
	v1 =	vadd.f32 v13, v1;
	v11 =	vld [tilespmem:s0+$0x17FE0]  }
.LBB2_12:
0xb9: {  	s2 =	sshra.s32 s1, $0x2;
	p0 =	sne.s32 s1, $0xFFFE0200;
	[tilespmem:s0+$0x17F80] =	vst v0;
	v2 =	vadd.f32 v12, v2;
	v13 =	vld [tilespmem:s0+$0x17FF0]  }
0xba: {  	v14 =	vld [tilespmem:s2+$0x17F80];
	[tilespmem:s0+$0x17F90] =	vst v1;
	v3 =	vadd.f32 v10, v3  }
0xbb: {  	v15 =	vld [tilespmem:s2+$0x17F90];
	[tilespmem:s0+$0x17FA0] =	vst v2;
	v4 =	vadd.f32 v8, v4  }
.Ltmp5:
0xbc: {  	v12 =	vld [tilespmem:s2+$0x17FA0];
	[tilespmem:s0+$0x17FB0] =	vst v3;
	v5 =	vadd.f32 v9, v5;
	(pc) =	sbr.rel @p0 .LBB2_12-.Ltmp5, $4  }
0xbd: {  	v10 =	vld [tilespmem:s2+$0x17FB0];
	[tilespmem:s0+$0x17FC0] =	vst v4;
	v6 =	vadd.f32 v11, v6  }
0xbe: {  	v8 =	vld [tilespmem:s2+$0x17FC0];
	[tilespmem:s0+$0x17FD0] =	vst v5;
	v7 =	vadd.f32 v13, v7  }
0xbf: {  	v0 =	vadd.f32 v14, v0;
	v9 =	vld [tilespmem:s2+$0x17FD0];
	[tilespmem:s0+$0x17FE0] =	vst v6  }
0xc0: {  	s1 =	sadd.s32 $0xFFFFFE00, s1;
	v1 =	vadd.f32 v15, v1;
	v11 =	vld [tilespmem:s2+$0x17FE0];
	[tilespmem:s0+$0x17FF0] =	vst v7;
	s0 =	smov.u32 s2  }
0xc1: {  	[tilespmem:s0+$0x17F80] =	vst v0;
	v2 =	vadd.f32 v12, v2;
	v12 =	vld [tilespmem:s0+$0x17FF0]  }
0xc2: {  	[tilespmem:s0+$0x17F90] =	vst v1;
	v3 =	vadd.f32 v10, v3  }
0xc3: {  	[tilespmem:s0+$0x17FA0] =	vst v2;
	v4 =	vadd.f32 v8, v4  }
0xc4: {  	[tilespmem:s0+$0x17FB0] =	vst v3;
	v5 =	vadd.f32 v9, v5  }
0xc5: {  	[tilespmem:s0+$0x17FC0] =	vst v4;
	v6 =	vadd.f32 v11, v6  }
0xc6: {  	[tilespmem:s0+$0x17FD0] =	vst v5;
	v7 =	vadd.f32 v12, v7  }
0xc7: {  	[tilespmem:s0+$0x17FE0] =	vst v6  }
0xc8: {  	[tilespmem:s0+$0x17FF0] =	vst v7  }
0xc9: {  	[hbm4b:s15+s20] =	stream.strided.scatter [tilespmem:s25], [sflag:$0x6], $0x8000, s21, s20, $0x38;
	[tilespmem:$0x18000] =	vst v63  }
0xca: {  	_ =	swait.ge [sflag:s22], $0x8000  }
0xcb: {  	[sflag:s22] =	ssyncset.done $0x0  }
0xcc: {  	[sflag:s22] =	ssyncadd.s32 $0xFFFF8000  }
0xcd: {  	_ =	swait.ge [sflag:s29], $0x8000  }
0xce: {  	[sflag:s29] =	ssyncset.done $0x0  }
0xcf: {  	s0 =	simm.s32 $0x0;
	[sflag:s29] =	ssyncadd.s32 $0xFFFF8000  }
0xd0: {  	[tilespmem:s23], [sflag:$0x2] =	stream.strided.gather [hbm4b:s16+s20], $0x8000, s21, s20, $0x38;
	[tilespmem:$0x18000] =	vst v63  }
0xd1: {  	v11 =	vld [tilespmem:s0+$0x7F80]  }
0xd2: {  	v13 =	vld [tilespmem:s0+$0x7F90]  }
0xd3: {  	v12 =	vld [tilespmem:s0+$0x7FA0]  }
0xd4: {  	v10 =	vld [tilespmem:s0+$0x7FB0]  }
0xd5: {  	v8 =	vld [tilespmem:s0+$0x7FC0]  }
0xd6: {  	v9 =	vld [tilespmem:s0+$0x7FD0];
	v0 =	vadd.f32 v11, v0  }
0xd7: {  	s1 =	simm.s32 $0xFFFFFE00;
	v1 =	vadd.f32 v13, v1;
	v11 =	vld [tilespmem:s0+$0x7FE0]  }
.LBB2_14:
0xd8: {  	s2 =	sshra.s32 s1, $0x2;
	p0 =	sne.s32 s1, $0xFFFE0200;
	[tilespmem:s0+$0x7F80] =	vst v0;
	v2 =	vadd.f32 v12, v2;
	v13 =	vld [tilespmem:s0+$0x7FF0]  }
0xd9: {  	v14 =	vld [tilespmem:s2+$0x7F80];
	[tilespmem:s0+$0x7F90] =	vst v1;
	v3 =	vadd.f32 v10, v3  }
0xda: {  	v15 =	vld [tilespmem:s2+$0x7F90];
	[tilespmem:s0+$0x7FA0] =	vst v2;
	v4 =	vadd.f32 v8, v4  }
.Ltmp6:
0xdb: {  	v12 =	vld [tilespmem:s2+$0x7FA0];
	[tilespmem:s0+$0x7FB0] =	vst v3;
	v5 =	vadd.f32 v9, v5;
	(pc) =	sbr.rel @p0 .LBB2_14-.Ltmp6, $4  }
0xdc: {  	v10 =	vld [tilespmem:s2+$0x7FB0];
	[tilespmem:s0+$0x7FC0] =	vst v4;
	v6 =	vadd.f32 v11, v6  }
0xdd: {  	v8 =	vld [tilespmem:s2+$0x7FC0];
	[tilespmem:s0+$0x7FD0] =	vst v5;
	v7 =	vadd.f32 v13, v7  }
0xde: {  	v0 =	vadd.f32 v14, v0;
	v9 =	vld [tilespmem:s2+$0x7FD0];
	[tilespmem:s0+$0x7FE0] =	vst v6  }
0xdf: {  	s1 =	sadd.s32 $0xFFFFFE00, s1;
	v1 =	vadd.f32 v15, v1;
	v11 =	vld [tilespmem:s2+$0x7FE0];
	[tilespmem:s0+$0x7FF0] =	vst v7;
	s0 =	smov.u32 s2  }
0xe0: {  	[tilespmem:s0+$0x7F80] =	vst v0;
	v2 =	vadd.f32 v12, v2;
	v12 =	vld [tilespmem:s0+$0x7FF0]  }
0xe1: {  	[tilespmem:s0+$0x7F90] =	vst v1;
	v3 =	vadd.f32 v10, v3  }
0xe2: {  	[tilespmem:s0+$0x7FA0] =	vst v2;
	v4 =	vadd.f32 v8, v4  }
0xe3: {  	[tilespmem:s0+$0x7FB0] =	vst v3;
	v5 =	vadd.f32 v9, v5  }
0xe4: {  	[tilespmem:s0+$0x7FC0] =	vst v4;
	v6 =	vadd.f32 v11, v6  }
0xe5: {  	[tilespmem:s0+$0x7FD0] =	vst v5;
	v7 =	vadd.f32 v12, v7  }
0xe6: {  	[tilespmem:s0+$0x7FE0] =	vst v6  }
0xe7: {  	s2 =	simm.s32 $0x0;
	[tilespmem:s0+$0x7FF0] =	vst v7  }
0xe8: {  	[hbm4b:s17+s20] =	stream.strided.scatter [tilespmem:s2], [sflag:$0x4], $0x8000, s21, s20, $0x38;
	[tilespmem:$0x18000] =	vst v63  }
0xe9: {  	_ =	swait.ge [sflag:s24], $0x8000  }
0xea: {  	[sflag:s24] =	ssyncset.done $0x0  }
0xeb: {  	s0 =	simm.s32 $0x0;
	[sflag:s24] =	ssyncadd.s32 $0xFFFF8000  }
0xec: {  	v8 =	vld [tilespmem:s0+$0xFF80]  }
0xed: {  	v13 =	vld [tilespmem:s0+$0xFF90]  }
0xee: {  	v12 =	vld [tilespmem:s0+$0xFFA0]  }
0xef: {  	v11 =	vld [tilespmem:s0+$0xFFB0]  }
0xf0: {  	v9 =	vld [tilespmem:s0+$0xFFC0]  }
0xf1: {  	v10 =	vld [tilespmem:s0+$0xFFD0];
	v8 =	vadd.f32 v8, v0  }
0xf2: {  	s1 =	simm.s32 $0xFFFFFE00;
	v0 =	vadd.f32 v13, v1;
	v1 =	vld [tilespmem:s0+$0xFFE0]  }
.LBB2_16:
0xf3: {  	s2 =	sshra.s32 s1, $0x2;
	p0 =	sne.s32 s1, $0xFFFE0200;
	[tilespmem:s0+$0xFF80] =	vst v8;
	v2 =	vadd.f32 v12, v2;
	v13 =	vld [tilespmem:s0+$0xFFF0]  }
0xf4: {  	v14 =	vld [tilespmem:s2+$0xFF80];
	[tilespmem:s0+$0xFF90] =	vst v0;
	v3 =	vadd.f32 v11, v3  }
0xf5: {  	v15 =	vld [tilespmem:s2+$0xFF90];
	[tilespmem:s0+$0xFFA0] =	vst v2;
	v4 =	vadd.f32 v9, v4  }
.Ltmp7:
0xf6: {  	v12 =	vld [tilespmem:s2+$0xFFA0];
	[tilespmem:s0+$0xFFB0] =	vst v3;
	v5 =	vadd.f32 v10, v5;
	(pc) =	sbr.rel @p0 .LBB2_16-.Ltmp7, $4  }
0xf7: {  	v11 =	vld [tilespmem:s2+$0xFFB0];
	[tilespmem:s0+$0xFFC0] =	vst v4;
	v6 =	vadd.f32 v1, v6  }
0xf8: {  	v9 =	vld [tilespmem:s2+$0xFFC0];
	[tilespmem:s0+$0xFFD0] =	vst v5;
	v7 =	vadd.f32 v13, v7  }
0xf9: {  	v8 =	vadd.f32 v14, v8;
	v10 =	vld [tilespmem:s2+$0xFFD0];
	[tilespmem:s0+$0xFFE0] =	vst v6  }
0xfa: {  	s1 =	sadd.s32 $0xFFFFFE00, s1;
	v0 =	vadd.f32 v15, v0;
	v1 =	vld [tilespmem:s2+$0xFFE0];
	[tilespmem:s0+$0xFFF0] =	vst v7;
	s0 =	smov.u32 s2  }
0xfb: {  	[tilespmem:s0+$0xFF80] =	vst v8;
	v2 =	vadd.f32 v12, v2;
	v59 =	vld [tilespmem:s0+$0xFFF0]  }
0xfc: {  	[tilespmem:s0+$0xFF90] =	vst v0;
	v60 =	vadd.f32 v11, v3  }
0xfd: {  	[tilespmem:s0+$0xFFA0] =	vst v2;
	v61 =	vadd.f32 v9, v4  }
0xfe: {  	[tilespmem:s0+$0xFFB0] =	vst v60;
	v62 =	vadd.f32 v10, v5  }
0xff: {  	[tilespmem:s0+$0xFFC0] =	vst v61;
	v1 =	vadd.f32 v1, v6  }
0x100: {  	[tilespmem:s0+$0xFFD0] =	vst v62;
	v63 =	vadd.f32 v59, v7  }
0x101: {  	[tilespmem:s0+$0xFFE0] =	vst v1  }
0x102: {  	[tilespmem:s0+$0xFFF0] =	vst v63  }
0x103: {  	[hbm4b:s18+s20] =	stream.strided.scatter [tilespmem:s23], [sflag:$0x5], $0x8000, s21, s20, $0x38;
	[tilespmem:$0x18000] =	vst v63  }
0x104: {  	_ =	swait.ge [sflag:s30], $0x8000  }
0x105: {  	[sflag:s30] =	ssyncset.done $0x0  }
0x106: {  	s31 =	sadd.s32 $0x1, s31;
	[sflag:s30] =	ssyncadd.s32 $0xFFFF8000  }
0x107: {  	p0 =	sne.s32 s31, s19;
	_ =	swait.ge [sflag:s28], $0x8000  }
.Ltmp8:
0x108: {  	[sflag:s28] =	ssyncset.done $0x0;
	(pc) =	sbr.rel @p0 .LBB2_1-.Ltmp8, $4  }
0x109: {  	[sflag:s28] =	ssyncadd.s32 $0xFFFF8000  }
0x10a: {  	_ =	swait.ge [sflag:s29], $0x8000  }
0x10b: {  	[sflag:s29] =	ssyncset.done $0x0  }
0x10c: {  	[sflag:s29] =	ssyncadd.s32 $0xFFFF8000  }
0x10d: {  	_ =	sfence.sel $0x180000  }
0x10e: {  	[bflag:$0x0] =	sbarrier.arrive $0xFFFF  }
0x10f: {  	_ =	strace $0x90000047  }
0x110: {  	s0 =	stileid.u32;
	[bflag:$0x2] =	sbarrier.arrive $0xFFFF  }
0x111: {  	p0 =	sne.s32 s0, $0x0;
	s0 =	rddreg [dreg:$0x2]  }
0x112: {  	s0 =	sadd.s32 @!p0 $0x100000, s0  }
0x113: {  	[sflag:s0] =	ssyncadd.tile.s32 @!p0 $0x1;
	_ =	shalt  }
.Lfunc_end2:
_tile_overlayer_lowered:
.L_overlay_start_2:
0x114: {  	(tag) =	ssettag $0x2  }
0x115: {  	s0 =	rddreg [dreg:$0x0];
	s2 =	stileid.u32  }
0x116: {  	s1 =	rddreg [dreg:$0x1];
	p0 =	sne.s32 s2, $0x0  }
0x117: {  	s3 =	rddreg [dreg:$0x2];
	[bflag:$0x3] =	sbarrier.arrive $0xFFFF;
	s2 =	simm.s32 @!p0 $0x1C07  }
0x118: {  	[timem:s3], [sflag:s2] =	dma.local @!p0 [hbm:s0], s1  }
0x119: {  	s0 =	simm.s32 @!p0 $0x7  }
0x11a: {  	_ =	swait.ge @!p0 [sflag:s0], s1  }
0x11b: {  	s1 =	ssub.s32 @!p0 $0x0, s1;
	[sflag:s0] =	ssyncset.done @!p0 $0x0  }
0x11c: {  	[sflag:s0] =	ssyncadd.s32 @!p0 s1  }
0x11d: {  	[bflag:$0x3] =	sbarrier.arrive $0xFFFF  }
0x11e: {  	_ =	shalt  }

</sc_bundles>
